<compile_context>
chip_gen: v7x
topology: tpu7x:2x2x1
jax: 0.10.2.dev20260603
libtpu: 0.0.44.dev20260713+nightly
codegen_flags: <defaults>
</compile_context>

<pallas_src>
import functools

import jax
import jax.numpy as jnp
from jax import lax
from jax.experimental import pallas as pl
from jax.experimental.pallas import tpu as pltpu
from jax.experimental.pallas import tpu_sc as plsc

N = 10000
E = 320000
D = 128
NL = 3

NC = 2
NS = 16
NW = NC * NS

CHUNK = 128
PASS = 40
NCHW = 2 * PASS
EPW = E // NW
EPW_PAD = NCHW * CHUNK
ROWS_PER_TILE = 632
NPAD = NS * ROWS_PER_TILE

_sc_mesh = plsc.VectorSubcoreMesh(core_axis_name="c", subcore_axis_name="s")


@functools.partial(
    pl.kernel,
    out_type=jax.ShapeDtypeStruct((NC, NPAD, D), jnp.float32),
    mesh=_sc_mesh,
    scratch_types=[
        pltpu.VMEM((PASS, CHUNK), jnp.int32),
        pltpu.VMEM((PASS, CHUNK), jnp.int32),
        pltpu.VMEM((CHUNK, D), jnp.float32),
        pltpu.VMEM((CHUNK, D), jnp.float32),
        pltpu.VMEM_SHARED((NPAD, D), jnp.float32),
        pltpu.SemaphoreType.DMA,
        pltpu.SemaphoreType.DMA,
        pltpu.SemaphoreType.DMA,
        pltpu.SemaphoreType.DMA,
    ],
)
def _sc_aggregate(h_hbm, ei_hbm, zeros_hbm, out_hbm,
                  src_v, dst_v, rows0, rows1, agg_sh, sem0, sem1, sem2, sem3):
    c = lax.axis_index("c")
    s = lax.axis_index("s")
    wid = c * NS + s

    pltpu.sync_copy(zeros_hbm.at[pl.ds(s * ROWS_PER_TILE, ROWS_PER_TILE)],
                    agg_sh.at[pl.ds(s * ROWS_PER_TILE, ROWS_PER_TILE)])
    plsc.subcore_barrier()

    for p in range(2):
        loadoff = wid * NCHW + p * PASS
        pltpu.sync_copy(ei_hbm.at[0].at[pl.ds(loadoff, PASS)], src_v)
        pltpu.sync_copy(ei_hbm.at[1].at[pl.ds(loadoff, PASS)], dst_v)

        pltpu.async_copy(h_hbm.at[src_v.at[0]], rows0, sem0)
        pltpu.async_copy(h_hbm.at[src_v.at[1]], rows1, sem1)

        def body(jj, carry):
            j = jj * 2
            pltpu.make_async_copy(h_hbm.at[src_v.at[j]], rows0, sem0).wait()
            pltpu.async_copy(rows0, agg_sh.at[dst_v.at[j]], sem2, add=True)

            pltpu.make_async_copy(h_hbm.at[src_v.at[j + 1]], rows1,
                                  sem1).wait()
            pltpu.async_copy(rows1, agg_sh.at[dst_v.at[j + 1]], sem3,
                             add=True)

            pltpu.make_async_copy(rows0, agg_sh.at[dst_v.at[j]],
                                  sem2).wait()

            @pl.when(j + 2 < PASS)
            def _():
                pltpu.async_copy(h_hbm.at[src_v.at[j + 2]], rows0, sem0)

            pltpu.make_async_copy(rows1, agg_sh.at[dst_v.at[j + 1]],
                                  sem3).wait()

            @pl.when(j + 3 < PASS)
            def _():
                pltpu.async_copy(h_hbm.at[src_v.at[j + 3]], rows1, sem1)

            return carry

        lax.fori_loop(0, PASS // 2, body, 0)

    plsc.subcore_barrier()
    pltpu.sync_copy(
        agg_sh.at[pl.ds(s * ROWS_PER_TILE, ROWS_PER_TILE)],
        out_hbm.at[c].at[pl.ds(s * ROWS_PER_TILE, ROWS_PER_TILE)])


ROW_BLK = 1000
GRID_A = N // ROW_BLK


def _mlp_body(scale_ref, h_ref, a0_ref, a1_ref, w1_ref, b1_ref, w2_ref,
              b2_ref, z2_ref, stats_ref):
    i = pl.program_id(0)
    z = scale_ref[0, 0] * h_ref[...] + a0_ref[0] + a1_ref[0]
    t = jnp.maximum(
        jnp.dot(z, w1_ref[...], preferred_element_type=jnp.float32)
        + b1_ref[...], 0.0)
    z2 = (jnp.dot(t, w2_ref[...], preferred_element_type=jnp.float32)
          + b2_ref[...])
    z2_ref[...] = z2
    part = jnp.concatenate(
        [jnp.sum(z2, axis=0, keepdims=True),
         jnp.sum(z2 * z2, axis=0, keepdims=True),
         jnp.zeros((6, D), jnp.float32)], axis=0)

    @pl.when(i == 0)
    def _():
        stats_ref[...] = part

    @pl.when(i != 0)
    def _():
        stats_ref[...] += part


def _mlp_call(h, agg, w1, b1, w2, b2, scale):
    return pl.pallas_call(
        _mlp_body,
        grid=(GRID_A,),
        in_specs=[
            pl.BlockSpec(memory_space=pltpu.SMEM),
            pl.BlockSpec((ROW_BLK, D), lambda i: (i, 0)),
            pl.BlockSpec((1, ROW_BLK, D), lambda i: (0, i, 0)),
            pl.BlockSpec((1, ROW_BLK, D), lambda i: (1, i, 0)),
            pl.BlockSpec((D, D), lambda i: (0, 0)),
            pl.BlockSpec((1, D), lambda i: (0, 0)),
            pl.BlockSpec((D, D), lambda i: (0, 0)),
            pl.BlockSpec((1, D), lambda i: (0, 0)),
        ],
        out_specs=[
            pl.BlockSpec((ROW_BLK, D), lambda i: (i, 0)),
            pl.BlockSpec((8, D), lambda i: (0, 0)),
        ],
        out_shape=[
            jax.ShapeDtypeStruct((N, D), jnp.float32),
            jax.ShapeDtypeStruct((8, D), jnp.float32),
        ],
    )(scale, h, agg, agg, w1, b1, w2, b2)


def _bn_body(relu, z2_ref, stats_ref, gamma_ref, beta_ref, out_ref):
    mean = stats_ref[0:1, :] * (1.0 / N)
    var = stats_ref[1:2, :] * (1.0 / N) - mean * mean
    inv = lax.rsqrt(var + 1e-5)
    y = (z2_ref[...] - mean) * (inv * gamma_ref[...]) + beta_ref[...]
    if relu:
        y = jnp.maximum(y, 0.0)
    out_ref[...] = y


def _bn_call(z2, stats, gamma, beta, relu):
    return pl.pallas_call(
        functools.partial(_bn_body, relu),
        grid=(GRID_A,),
        in_specs=[
            pl.BlockSpec((ROW_BLK, D), lambda i: (i, 0)),
            pl.BlockSpec((8, D), lambda i: (0, 0)),
            pl.BlockSpec((1, D), lambda i: (0, 0)),
            pl.BlockSpec((1, D), lambda i: (0, 0)),
        ],
        out_specs=pl.BlockSpec((ROW_BLK, D), lambda i: (i, 0)),
        out_shape=jax.ShapeDtypeStruct((N, D), jnp.float32),
    )(z2, stats, gamma, beta)


def kernel(x, edge_index, W1, b1, W2, b2, eps, gamma, beta):
    padn = EPW_PAD - EPW
    pad_src = jnp.broadcast_to(
        (jnp.arange(padn, dtype=jnp.int32) * 37) % N, (NW, padn))
    pad_dst = jnp.broadcast_to(
        N + (jnp.arange(padn, dtype=jnp.int32) % (NPAD - N)), (NW, padn))
    src2 = jnp.concatenate([edge_index[0].reshape(NW, EPW), pad_src], axis=1)
    dst2 = jnp.concatenate([edge_index[1].reshape(NW, EPW), pad_dst], axis=1)
    ei = jnp.stack([src2.reshape(NW * NCHW, CHUNK),
                    dst2.reshape(NW * NCHW, CHUNK)])
    zeros = jnp.zeros((NPAD, D), jnp.float32)

    h = x
    for l in range(NL):
        agg = _sc_aggregate(h, ei, zeros)
        scale = jnp.reshape(1.0 + eps[l], (1, 1))
        z2, stats = _mlp_call(h, agg, W1[l], b1[l].reshape(1, D),
                              W2[l], b2[l].reshape(1, D), scale)
        h = _bn_call(z2, stats, gamma[l].reshape(1, D),
                     beta[l].reshape(1, D), relu=(l != NL - 1))
    return h

# --- scband reference (transcript-rebuilt; emitter-appended) ---
"""Pipeline reference for scband-homogeneous-graph-model-88845693485606 (READ-ONLY COPY).

The authoritative reference and input builder live on the scoring server;
editing this copy changes nothing except your own understanding.
"""

import jax, jax.numpy as jnp
import numpy as np

N = 10000
E = 320000
D = 128
L = 3


def setup_inputs(seed: int = 0) -> dict:
    key = jax.random.key(seed)
    ks = jax.random.split(key, 6)
    x = jax.random.normal(ks[0], (N, D), dtype=jnp.float32)
    edge_index = jax.random.randint(ks[1], (2, E), 0, N, dtype=jnp.int32)
    # GIN layer params: 2-layer MLP per GIN conv (Linear -> ReLU -> Linear), learnable eps
    W1 = jax.random.normal(ks[2], (L, D, D), dtype=jnp.float32) * (1.0 / np.sqrt(D))
    b1 = jnp.zeros((L, D), dtype=jnp.float32)
    W2 = jax.random.normal(ks[3], (L, D, D), dtype=jnp.float32) * (1.0 / np.sqrt(D))
    b2 = jnp.zeros((L, D), dtype=jnp.float32)
    eps = jnp.zeros((L,), dtype=jnp.float32)
    # BatchNorm1d affine params per layer
    gamma = jnp.ones((L, D), dtype=jnp.float32)
    beta = jnp.zeros((L, D), dtype=jnp.float32)
    return {"x": x, "edge_index": edge_index, "W1": W1, "b1": b1, "W2": W2, "b2": b2, "eps": eps, "gamma": gamma, "beta": beta}


def reference(x, edge_index, W1, b1, W2, b2, eps, gamma, beta):
    src = edge_index[0]
    dst = edge_index[1]
    h = x
    for l in range(L):
        # GIN message passing: sum-aggregate neighbor features (gather + scatter-add)
        msgs = jnp.take(h, src, axis=0)
        agg = jax.ops.segment_sum(msgs, dst, num_segments=N)
        z = (1.0 + eps[l]) * h + agg
        # 2-layer MLP
        z = jnp.maximum(z @ W1[l] + b1[l], 0.0)
        z = z @ W2[l] + b2[l]
        # BatchNorm1d (training-mode forward, batch statistics)
        mean = jnp.mean(z, axis=0)
        var = jnp.var(z, axis=0)
        z = (z - mean) / jnp.sqrt(var + 1e-5) * gamma[l] + beta[l]
        if l != L - 1:
            z = jnp.maximum(z, 0.0)
        h = z
    # JK='last'
    return h

if __name__ == "__main__":
    import jax
    _d = setup_inputs()
    print(jax.jit(kernel)(*tuple(_d.values())))

</pallas_src>

<mosaic_0001>
#map = affine_map<(d0, d1) -> (0, 0)>
#map1 = affine_map<(d0, d1) -> (0, 0, 0)>
module attributes {stable_mosaic.version = 14 : i64} {
  func.func @_sc_aggregate(%arg0: i32, %arg1: i32, %arg2: memref<10000x128xf32, #tpu.memory_space<hbm>>, %arg3: memref<2x2560x128xi32, #tpu.memory_space<hbm>>, %arg4: memref<10112x128xf32, #tpu.memory_space<hbm>>, %arg5: memref<2x10112x128xf32, #tpu.memory_space<hbm>>, %arg6: memref<40x128xi32, #tpu.memory_space<vmem>>, %arg7: memref<40x128xi32, #tpu.memory_space<vmem>>, %arg8: memref<128x128xf32, #tpu.memory_space<vmem>>, %arg9: memref<128x128xf32, #tpu.memory_space<vmem>>, %arg10: memref<10112x128xf32, #tpu.memory_space<vmem_shared>>, %arg11: memref<!tpu.dma_semaphore, #tpu.memory_space<semaphore_mem>>, %arg12: memref<!tpu.dma_semaphore, #tpu.memory_space<semaphore_mem>>, %arg13: memref<!tpu.dma_semaphore, #tpu.memory_space<semaphore_mem>>, %arg14: memref<!tpu.dma_semaphore, #tpu.memory_space<semaphore_mem>>) attributes {dimension_semantics = [#tpu.dimension_semantics<core_parallel>, #tpu.dimension_semantics<subcore_parallel>], iteration_bounds = array<i64: 2, 16>, scalar_prefetch = 0 : i64, scratch_operands = 9 : i64, tpu.core_type = #tpu.core_type<sc_vector_subcore>, window_params = [{transform_indices = #map}, {transform_indices = #map1}, {transform_indices = #map}, {transform_indices = #map1}]} {
    %mul3A = arith.constant 16 : i32
    %mul3A_0 = arith.muli %arg0, %mul3A : i32
    %add3A = arith.addi %mul3A_0, %arg1 : i32
    %mul3A_1 = arith.constant 632 : i32
    %mul3A_2 = arith.muli %arg1, %mul3A_1 : i32
    %mul3A_3 = arith.constant 632 : i32
    %mul3A_4 = arith.muli %arg1, %mul3A_3 : i32
    "tpu.region"() ({
      %run_scoped3A_59 = tpu.sem_alloc : memref<!tpu.dma_semaphore, #tpu.memory_space<semaphore_mem>>
      %dma_start3A_60 = arith.constant 0 : i32
      %dma_start3A_61 = tpu.memref_slice %arg10[%mul3A_4, %dma_start3A_60] : memref<10112x128xf32, #tpu.memory_space<vmem_shared>> -> memref<632x128xf32, #tpu.memory_space<vmem_shared>>
      %dma_start3A_62 = arith.constant 0 : i32
      %dma_start3A_63 = tpu.memref_slice %arg4[%mul3A_2, %dma_start3A_62] : memref<10112x128xf32, #tpu.memory_space<hbm>> -> memref<632x128xf32, #tpu.memory_space<hbm>>
      tpu.enqueue_dma source(%dma_start3A_63 : memref<632x128xf32, #tpu.memory_space<hbm>>) target(%dma_start3A_61 : memref<632x128xf32, #tpu.memory_space<vmem_shared>>) target_semaphore(%run_scoped3A_59 : memref<!tpu.dma_semaphore, #tpu.memory_space<semaphore_mem>>)
      %dma_wait3A = arith.constant 0 : i32
      %dma_wait3A_64 = tpu.memref_slice %arg10[%mul3A_4, %dma_wait3A] : memref<10112x128xf32, #tpu.memory_space<vmem_shared>> -> memref<632x128xf32, #tpu.memory_space<vmem_shared>>
      %dma_wait3A_65 = arith.constant 0 : i32
      %dma_wait3A_66 = tpu.memref_slice %arg4[%mul3A_2, %dma_wait3A_65] : memref<10112x128xf32, #tpu.memory_space<hbm>> -> memref<632x128xf32, #tpu.memory_space<hbm>>
      tpu.wait_dma2 semaphore(%run_scoped3A_59 : memref<!tpu.dma_semaphore, #tpu.memory_space<semaphore_mem>>) src(%dma_wait3A_66 : memref<632x128xf32, #tpu.memory_space<hbm>>) dst(%dma_wait3A_64 : memref<632x128xf32, #tpu.memory_space<vmem_shared>>)
      tpu.yield
    }) : () -> ()
    %barrier3A = arith.constant 0 : index
    tpu.barrier barrier_id(%barrier3A)
    %mul3A_5 = arith.constant 80 : i32
    %mul3A_6 = arith.muli %add3A, %mul3A_5 : i32
    %add3A_7 = arith.constant 0 : i32
    %add3A_8 = arith.addi %mul3A_6, %add3A_7 : i32
    %run_scoped3A = arith.constant 0 : i32
    "tpu.region"() ({
      %run_scoped3A_59 = tpu.sem_alloc : memref<!tpu.dma_semaphore, #tpu.memory_space<semaphore_mem>>
      %dma_start3A_60 = arith.constant 0 : i32
      %dma_start3A_61 = arith.constant 0 : i32
      %dma_start3A_62 = tpu.memref_slice %arg3[%run_scoped3A, %dma_start3A_60, %dma_start3A_61] : memref<2x2560x128xi32, #tpu.memory_space<hbm>> -> memref<1x2560x128xi32, #tpu.memory_space<hbm>>
      %dma_start3A_63 = tpu.memref_squeeze %dma_start3A_62 : memref<1x2560x128xi32, #tpu.memory_space<hbm>> -> memref<2560x128xi32, #tpu.memory_space<hbm>>
      %dma_start3A_64 = arith.constant 0 : i32
      %dma_start3A_65 = tpu.memref_slice %dma_start3A_63[%add3A_8, %dma_start3A_64] : memref<2560x128xi32, #tpu.memory_space<hbm>> -> memref<40x128xi32, #tpu.memory_space<hbm>>
      %dma_start3A_66 = arith.constant 0 : i32
      %dma_start3A_67 = arith.constant 0 : i32
      %dma_start3A_68 = tpu.memref_slice %arg3[%run_scoped3A, %dma_start3A_66, %dma_start3A_67] : memref<2x2560x128xi32, #tpu.memory_space<hbm>> -> memref<1x2560x128xi32, #tpu.memory_space<hbm>>
      %dma_start3A_69 = tpu.memref_squeeze %dma_start3A_68 : memref<1x2560x128xi32, #tpu.memory_space<hbm>> -> memref<2560x128xi32, #tpu.memory_space<hbm>>
      %dma_start3A_70 = arith.constant 0 : i32
      %dma_start3A_71 = tpu.memref_slice %dma_start3A_69[%add3A_8, %dma_start3A_70] : memref<2560x128xi32, #tpu.memory_space<hbm>> -> memref<40x128xi32, #tpu.memory_space<hbm>>
      tpu.enqueue_dma source(%dma_start3A_71 : memref<40x128xi32, #tpu.memory_space<hbm>>) target(%arg6 : memref<40x128xi32, #tpu.memory_space<vmem>>) target_semaphore(%run_scoped3A_59 : memref<!tpu.dma_semaphore, #tpu.memory_space<semaphore_mem>>)
      %dma_wait3A = arith.constant 0 : i32
      %dma_wait3A_72 = arith.constant 0 : i32
      %dma_wait3A_73 = tpu.memref_slice %arg3[%run_scoped3A, %dma_wait3A, %dma_wait3A_72] : memref<2x2560x128xi32, #tpu.memory_space<hbm>> -> memref<1x2560x128xi32, #tpu.memory_space<hbm>>
      %dma_wait3A_74 = tpu.memref_squeeze %dma_wait3A_73 : memref<1x2560x128xi32, #tpu.memory_space<hbm>> -> memref<2560x128xi32, #tpu.memory_space<hbm>>
      %dma_wait3A_75 = arith.constant 0 : i32
      %dma_wait3A_76 = tpu.memref_slice %dma_wait3A_74[%add3A_8, %dma_wait3A_75] : memref<2560x128xi32, #tpu.memory_space<hbm>> -> memref<40x128xi32, #tpu.memory_space<hbm>>
      %dma_wait3A_77 = arith.constant 0 : i32
      %dma_wait3A_78 = arith.constant 0 : i32
      %dma_wait3A_79 = tpu.memref_slice %arg3[%run_scoped3A, %dma_wait3A_77, %dma_wait3A_78] : memref<2x2560x128xi32, #tpu.memory_space<hbm>> -> memref<1x2560x128xi32, #tpu.memory_space<hbm>>
      %dma_wait3A_80 = tpu.memref_squeeze %dma_wait3A_79 : memref<1x2560x128xi32, #tpu.memory_space<hbm>> -> memref<2560x128xi32, #tpu.memory_space<hbm>>
      %dma_wait3A_81 = arith.constant 0 : i32
      %dma_wait3A_82 = tpu.memref_slice %dma_wait3A_80[%add3A_8, %dma_wait3A_81] : memref<2560x128xi32, #tpu.memory_space<hbm>> -> memref<40x128xi32, #tpu.memory_space<hbm>>
      tpu.wait_dma2 semaphore(%run_scoped3A_59 : memref<!tpu.dma_semaphore, #tpu.memory_space<semaphore_mem>>) src(%dma_wait3A_82 : memref<40x128xi32, #tpu.memory_space<hbm>>) dst(%arg6 : memref<40x128xi32, #tpu.memory_space<vmem>>)
      tpu.yield
    }) : () -> ()
    %run_scoped3A_9 = arith.constant 1 : i32
    "tpu.region"() ({
      %run_scoped3A_59 = tpu.sem_alloc : memref<!tpu.dma_semaphore, #tpu.memory_space<semaphore_mem>>
      %dma_start3A_60 = arith.constant 0 : i32
      %dma_start3A_61 = arith.constant 0 : i32
      %dma_start3A_62 = tpu.memref_slice %arg3[%run_scoped3A_9, %dma_start3A_60, %dma_start3A_61] : memref<2x2560x128xi32, #tpu.memory_space<hbm>> -> memref<1x2560x128xi32, #tpu.memory_space<hbm>>
      %dma_start3A_63 = tpu.memref_squeeze %dma_start3A_62 : memref<1x2560x128xi32, #tpu.memory_space<hbm>> -> memref<2560x128xi32, #tpu.memory_space<hbm>>
      %dma_start3A_64 = arith.constant 0 : i32
      %dma_start3A_65 = tpu.memref_slice %dma_start3A_63[%add3A_8, %dma_start3A_64] : memref<2560x128xi32, #tpu.memory_space<hbm>> -> memref<40x128xi32, #tpu.memory_space<hbm>>
      %dma_start3A_66 = arith.constant 0 : i32
      %dma_start3A_67 = arith.constant 0 : i32
      %dma_start3A_68 = tpu.memref_slice %arg3[%run_scoped3A_9, %dma_start3A_66, %dma_start3A_67] : memref<2x2560x128xi32, #tpu.memory_space<hbm>> -> memref<1x2560x128xi32, #tpu.memory_space<hbm>>
      %dma_start3A_69 = tpu.memref_squeeze %dma_start3A_68 : memref<1x2560x128xi32, #tpu.memory_space<hbm>> -> memref<2560x128xi32, #tpu.memory_space<hbm>>
      %dma_start3A_70 = arith.constant 0 : i32
      %dma_start3A_71 = tpu.memref_slice %dma_start3A_69[%add3A_8, %dma_start3A_70] : memref<2560x128xi32, #tpu.memory_space<hbm>> -> memref<40x128xi32, #tpu.memory_space<hbm>>
      tpu.enqueue_dma source(%dma_start3A_71 : memref<40x128xi32, #tpu.memory_space<hbm>>) target(%arg7 : memref<40x128xi32, #tpu.memory_space<vmem>>) target_semaphore(%run_scoped3A_59 : memref<!tpu.dma_semaphore, #tpu.memory_space<semaphore_mem>>)
      %dma_wait3A = arith.constant 0 : i32
      %dma_wait3A_72 = arith.constant 0 : i32
      %dma_wait3A_73 = tpu.memref_slice %arg3[%run_scoped3A_9, %dma_wait3A, %dma_wait3A_72] : memref<2x2560x128xi32, #tpu.memory_space<hbm>> -> memref<1x2560x128xi32, #tpu.memory_space<hbm>>
      %dma_wait3A_74 = tpu.memref_squeeze %dma_wait3A_73 : memref<1x2560x128xi32, #tpu.memory_space<hbm>> -> memref<2560x128xi32, #tpu.memory_space<hbm>>
      %dma_wait3A_75 = arith.constant 0 : i32
      %dma_wait3A_76 = tpu.memref_slice %dma_wait3A_74[%add3A_8, %dma_wait3A_75] : memref<2560x128xi32, #tpu.memory_space<hbm>> -> memref<40x128xi32, #tpu.memory_space<hbm>>
      %dma_wait3A_77 = arith.constant 0 : i32
      %dma_wait3A_78 = arith.constant 0 : i32
      %dma_wait3A_79 = tpu.memref_slice %arg3[%run_scoped3A_9, %dma_wait3A_77, %dma_wait3A_78] : memref<2x2560x128xi32, #tpu.memory_space<hbm>> -> memref<1x2560x128xi32, #tpu.memory_space<hbm>>
      %dma_wait3A_80 = tpu.memref_squeeze %dma_wait3A_79 : memref<1x2560x128xi32, #tpu.memory_space<hbm>> -> memref<2560x128xi32, #tpu.memory_space<hbm>>
      %dma_wait3A_81 = arith.constant 0 : i32
      %dma_wait3A_82 = tpu.memref_slice %dma_wait3A_80[%add3A_8, %dma_wait3A_81] : memref<2560x128xi32, #tpu.memory_space<hbm>> -> memref<40x128xi32, #tpu.memory_space<hbm>>
      tpu.wait_dma2 semaphore(%run_scoped3A_59 : memref<!tpu.dma_semaphore, #tpu.memory_space<semaphore_mem>>) src(%dma_wait3A_82 : memref<40x128xi32, #tpu.memory_space<hbm>>) dst(%arg7 : memref<40x128xi32, #tpu.memory_space<vmem>>)
      tpu.yield
    }) : () -> ()
    %dma_start3A = arith.constant 0 : i32
    %dma_start3A_10 = arith.constant 0 : i32
    %dma_start3A_11 = tpu.memref_slice %arg6[%dma_start3A, %dma_start3A_10] : memref<40x128xi32, #tpu.memory_space<vmem>> -> memref<1x128xi32, #tpu.memory_space<vmem>>
    %dma_start3A_12 = tpu.memref_squeeze %dma_start3A_11 : memref<1x128xi32, #tpu.memory_space<vmem>> -> memref<128xi32, #tpu.memory_space<vmem>>
    %dma_start3A_13 = arith.constant 0 : i32
    %dma_start3A_14 = arith.constant 0 : i32
    %dma_start3A_15 = tpu.memref_slice %arg2[%dma_start3A_13, %dma_start3A_14] : memref<10000x128xf32, #tpu.memory_space<hbm>> -> memref<10000x128xf32, #tpu.memory_space<hbm>>
    tpu.enqueue_indirect_dma source(%dma_start3A_15 : memref<10000x128xf32, #tpu.memory_space<hbm>>) target(%arg8 : memref<128x128xf32, #tpu.memory_space<vmem>>) offsets(%dma_start3A_12 : memref<128xi32, #tpu.memory_space<vmem>>) semaphore(%arg11 : memref<!tpu.dma_semaphore, #tpu.memory_space<semaphore_mem>>)
    %dma_start3A_16 = arith.constant 1 : i32
    %dma_start3A_17 = arith.constant 0 : i32
    %dma_start3A_18 = tpu.memref_slice %arg6[%dma_start3A_16, %dma_start3A_17] : memref<40x128xi32, #tpu.memory_space<vmem>> -> memref<1x128xi32, #tpu.memory_space<vmem>>
    %dma_start3A_19 = tpu.memref_squeeze %dma_start3A_18 : memref<1x128xi32, #tpu.memory_space<vmem>> -> memref<128xi32, #tpu.memory_space<vmem>>
    %dma_start3A_20 = arith.constant 0 : i32
    %dma_start3A_21 = arith.constant 0 : i32
    %dma_start3A_22 = tpu.memref_slice %arg2[%dma_start3A_20, %dma_start3A_21] : memref<10000x128xf32, #tpu.memory_space<hbm>> -> memref<10000x128xf32, #tpu.memory_space<hbm>>
    tpu.enqueue_indirect_dma source(%dma_start3A_22 : memref<10000x128xf32, #tpu.memory_space<hbm>>) target(%arg9 : memref<128x128xf32, #tpu.memory_space<vmem>>) offsets(%dma_start3A_19 : memref<128xi32, #tpu.memory_space<vmem>>) semaphore(%arg12 : memref<!tpu.dma_semaphore, #tpu.memory_space<semaphore_mem>>)
    %scan3A = arith.constant 0 : i32
    %scan3A_23 = arith.constant 0 : i32
    %scan3A_24 = arith.constant 20 : i32
    %scan3A_25 = arith.addi %scan3A_23, %scan3A_24 : i32
    %scan3A_26 = arith.constant 1 : i32
    scf.for %scan3A_59 = %scan3A_23 to %scan3A_25 step %scan3A_26  : i32 {
      %mul3A_60 = arith.constant 2 : i32
      %mul3A_61 = arith.muli %scan3A_59, %mul3A_60 : i32
      %dma_wait3A = arith.constant 0 : i32
      %dma_wait3A_62 = tpu.memref_slice %arg6[%mul3A_61, %dma_wait3A] : memref<40x128xi32, #tpu.memory_space<vmem>> -> memref<1x128xi32, #tpu.memory_space<vmem>>
      %dma_wait3A_63 = tpu.memref_squeeze %dma_wait3A_62 : memref<1x128xi32, #tpu.memory_space<vmem>> -> memref<128xi32, #tpu.memory_space<vmem>>
      %dma_wait3A_64 = arith.constant 0 : i32
      %dma_wait3A_65 = arith.constant 0 : i32
      %dma_wait3A_66 = tpu.memref_slice %arg2[%dma_wait3A_64, %dma_wait3A_65] : memref<10000x128xf32, #tpu.memory_space<hbm>> -> memref<10000x128xf32, #tpu.memory_space<hbm>>
      tpu.wait_indirect_dma semaphore(%arg11 : memref<!tpu.dma_semaphore, #tpu.memory_space<semaphore_mem>>) src(%dma_wait3A_66 : memref<10000x128xf32, #tpu.memory_space<hbm>>) dst(%arg8 : memref<128x128xf32, #tpu.memory_space<vmem>>)
      %dma_start3A_67 = arith.constant 0 : i32
      %dma_start3A_68 = tpu.memref_slice %arg7[%mul3A_61, %dma_start3A_67] : memref<40x128xi32, #tpu.memory_space<vmem>> -> memref<1x128xi32, #tpu.memory_space<vmem>>
      %dma_start3A_69 = tpu.memref_squeeze %dma_start3A_68 : memref<1x128xi32, #tpu.memory_space<vmem>> -> memref<128xi32, #tpu.memory_space<vmem>>
      %dma_start3A_70 = arith.constant 0 : i32
      %dma_start3A_71 = arith.constant 0 : i32
      %dma_start3A_72 = tpu.memref_slice %arg10[%dma_start3A_70, %dma_start3A_71] : memref<10112x128xf32, #tpu.memory_space<vmem_shared>> -> memref<10112x128xf32, #tpu.memory_space<vmem_shared>>
      tpu.enqueue_indirect_dma source(%arg8 : memref<128x128xf32, #tpu.memory_space<vmem>>) target(%dma_start3A_72 : memref<10112x128xf32, #tpu.memory_space<vmem_shared>>) offsets(%dma_start3A_69 : memref<128xi32, #tpu.memory_space<vmem>>) semaphore(%arg13 : memref<!tpu.dma_semaphore, #tpu.memory_space<semaphore_mem>>) {add = true}
      %add3A_73 = arith.constant 1 : i32
      %add3A_74 = arith.addi %mul3A_61, %add3A_73 : i32
      %dma_wait3A_75 = arith.constant 0 : i32
      %dma_wait3A_76 = tpu.memref_slice %arg6[%add3A_74, %dma_wait3A_75] : memref<40x128xi32, #tpu.memory_space<vmem>> -> memref<1x128xi32, #tpu.memory_space<vmem>>
      %dma_wait3A_77 = tpu.memref_squeeze %dma_wait3A_76 : memref<1x128xi32, #tpu.memory_space<vmem>> -> memref<128xi32, #tpu.memory_space<vmem>>
      %dma_wait3A_78 = arith.constant 0 : i32
      %dma_wait3A_79 = arith.constant 0 : i32
      %dma_wait3A_80 = tpu.memref_slice %arg2[%dma_wait3A_78, %dma_wait3A_79] : memref<10000x128xf32, #tpu.memory_space<hbm>> -> memref<10000x128xf32, #tpu.memory_space<hbm>>
      tpu.wait_indirect_dma semaphore(%arg12 : memref<!tpu.dma_semaphore, #tpu.memory_space<semaphore_mem>>) src(%dma_wait3A_80 : memref<10000x128xf32, #tpu.memory_space<hbm>>) dst(%arg9 : memref<128x128xf32, #tpu.memory_space<vmem>>)
      %add3A_81 = arith.constant 1 : i32
      %add3A_82 = arith.addi %mul3A_61, %add3A_81 : i32
      %dma_start3A_83 = arith.constant 0 : i32
      %dma_start3A_84 = tpu.memref_slice %arg7[%add3A_82, %dma_start3A_83] : memref<40x128xi32, #tpu.memory_space<vmem>> -> memref<1x128xi32, #tpu.memory_space<vmem>>
      %dma_start3A_85 = tpu.memref_squeeze %dma_start3A_84 : memref<1x128xi32, #tpu.memory_space<vmem>> -> memref<128xi32, #tpu.memory_space<vmem>>
      %dma_start3A_86 = arith.constant 0 : i32
      %dma_start3A_87 = arith.constant 0 : i32
      %dma_start3A_88 = tpu.memref_slice %arg10[%dma_start3A_86, %dma_start3A_87] : memref<10112x128xf32, #tpu.memory_space<vmem_shared>> -> memref<10112x128xf32, #tpu.memory_space<vmem_shared>>
      tpu.enqueue_indirect_dma source(%arg9 : memref<128x128xf32, #tpu.memory_space<vmem>>) target(%dma_start3A_88 : memref<10112x128xf32, #tpu.memory_space<vmem_shared>>) offsets(%dma_start3A_85 : memref<128xi32, #tpu.memory_space<vmem>>) semaphore(%arg14 : memref<!tpu.dma_semaphore, #tpu.memory_space<semaphore_mem>>) {add = true}
      %dma_wait3A_89 = arith.constant 0 : i32
      %dma_wait3A_90 = tpu.memref_slice %arg7[%mul3A_61, %dma_wait3A_89] : memref<40x128xi32, #tpu.memory_space<vmem>> -> memref<1x128xi32, #tpu.memory_space<vmem>>
      %dma_wait3A_91 = tpu.memref_squeeze %dma_wait3A_90 : memref<1x128xi32, #tpu.memory_space<vmem>> -> memref<128xi32, #tpu.memory_space<vmem>>
      %dma_wait3A_92 = arith.constant 0 : i32
      %dma_wait3A_93 = arith.constant 0 : i32
      %dma_wait3A_94 = tpu.memref_slice %arg10[%dma_wait3A_92, %dma_wait3A_93] : memref<10112x128xf32, #tpu.memory_space<vmem_shared>> -> memref<10112x128xf32, #tpu.memory_space<vmem_shared>>
      tpu.wait_indirect_dma semaphore(%arg13 : memref<!tpu.dma_semaphore, #tpu.memory_space<semaphore_mem>>) src(%arg8 : memref<128x128xf32, #tpu.memory_space<vmem>>) dst(%dma_wait3A_94 : memref<10112x128xf32, #tpu.memory_space<vmem_shared>>)
      %add3A_95 = arith.constant 2 : i32
      %add3A_96 = arith.addi %mul3A_61, %add3A_95 : i32
      %lt3A = arith.constant 40 : i32
      %lt3A_97 = arith.cmpi slt, %add3A_96, %lt3A : i32
      %convert_element_type3A = arith.extui %lt3A_97 : i1 to i32
      %cond3A = arith.constant 0 : i32
      %cond3A_98 = arith.cmpi ne, %convert_element_type3A, %cond3A : i32
      scf.if %cond3A_98 {
        %add3A_114 = arith.constant 2 : i32
        %add3A_115 = arith.addi %mul3A_61, %add3A_114 : i32
        %dma_start3A_116 = arith.constant 0 : i32
        %dma_start3A_117 = tpu.memref_slice %arg6[%add3A_115, %dma_start3A_116] : memref<40x128xi32, #tpu.memory_space<vmem>> -> memref<1x128xi32, #tpu.memory_space<vmem>>
        %dma_start3A_118 = tpu.memref_squeeze %dma_start3A_117 : memref<1x128xi32, #tpu.memory_space<vmem>> -> memref<128xi32, #tpu.memory_space<vmem>>
        %dma_start3A_119 = arith.constant 0 : i32
        %dma_start3A_120 = arith.constant 0 : i32
        %dma_start3A_121 = tpu.memref_slice %arg2[%dma_start3A_119, %dma_start3A_120] : memref<10000x128xf32, #tpu.memory_space<hbm>> -> memref<10000x128xf32, #tpu.memory_space<hbm>>
        tpu.enqueue_indirect_dma source(%dma_start3A_121 : memref<10000x128xf32, #tpu.memory_space<hbm>>) target(%arg8 : memref<128x128xf32, #tpu.memory_space<vmem>>) offsets(%dma_start3A_118 : memref<128xi32, #tpu.memory_space<vmem>>) semaphore(%arg11 : memref<!tpu.dma_semaphore, #tpu.memory_space<semaphore_mem>>)
      } else {
      }
      %add3A_99 = arith.constant 1 : i32
      %add3A_100 = arith.addi %mul3A_61, %add3A_99 : i32
      %dma_wait3A_101 = arith.constant 0 : i32
      %dma_wait3A_102 = tpu.memref_slice %arg7[%add3A_100, %dma_wait3A_101] : memref<40x128xi32, #tpu.memory_space<vmem>> -> memref<1x128xi32, #tpu.memory_space<vmem>>
      %dma_wait3A_103 = tpu.memref_squeeze %dma_wait3A_102 : memref<1x128xi32, #tpu.memory_space<vmem>> -> memref<128xi32, #tpu.memory_space<vmem>>
      %dma_wait3A_104 = arith.constant 0 : i32
      %dma_wait3A_105 = arith.constant 0 : i32
      %dma_wait3A_106 = tpu.memref_slice %arg10[%dma_wait3A_104, %dma_wait3A_105] : memref<10112x128xf32, #tpu.memory_space<vmem_shared>> -> memref<10112x128xf32, #tpu.memory_space<vmem_shared>>
      tpu.wait_indirect_dma semaphore(%arg14 : memref<!tpu.dma_semaphore, #tpu.memory_space<semaphore_mem>>) src(%arg9 : memref<128x128xf32, #tpu.memory_space<vmem>>) dst(%dma_wait3A_106 : memref<10112x128xf32, #tpu.memory_space<vmem_shared>>)
      %add3A_107 = arith.constant 3 : i32
      %add3A_108 = arith.addi %mul3A_61, %add3A_107 : i32
      %lt3A_109 = arith.constant 40 : i32
      %lt3A_110 = arith.cmpi slt, %add3A_108, %lt3A_109 : i32
      %convert_element_type3A_111 = arith.extui %lt3A_110 : i1 to i32
      %cond3A_112 = arith.constant 0 : i32
      %cond3A_113 = arith.cmpi ne, %convert_element_type3A_111, %cond3A_112 : i32
      scf.if %cond3A_113 {
        %add3A_114 = arith.constant 3 : i32
        %add3A_115 = arith.addi %mul3A_61, %add3A_114 : i32
        %dma_start3A_116 = arith.constant 0 : i32
        %dma_start3A_117 = tpu.memref_slice %arg6[%add3A_115, %dma_start3A_116] : memref<40x128xi32, #tpu.memory_space<vmem>> -> memref<1x128xi32, #tpu.memory_space<vmem>>
        %dma_start3A_118 = tpu.memref_squeeze %dma_start3A_117 : memref<1x128xi32, #tpu.memory_space<vmem>> -> memref<128xi32, #tpu.memory_space<vmem>>
        %dma_start3A_119 = arith.constant 0 : i32
        %dma_start3A_120 = arith.constant 0 : i32
        %dma_start3A_121 = tpu.memref_slice %arg2[%dma_start3A_119, %dma_start3A_120] : memref<10000x128xf32, #tpu.memory_space<hbm>> -> memref<10000x128xf32, #tpu.memory_space<hbm>>
        tpu.enqueue_indirect_dma source(%dma_start3A_121 : memref<10000x128xf32, #tpu.memory_space<hbm>>) target(%arg9 : memref<128x128xf32, #tpu.memory_space<vmem>>) offsets(%dma_start3A_118 : memref<128xi32, #tpu.memory_space<vmem>>) semaphore(%arg12 : memref<!tpu.dma_semaphore, #tpu.memory_space<semaphore_mem>>)
      } else {
      }
    }
    %scan3A_27 = arith.constant 20 : i32
    %mul3A_28 = arith.constant 80 : i32
    %mul3A_29 = arith.muli %add3A, %mul3A_28 : i32
    %add3A_30 = arith.constant 40 : i32
    %add3A_31 = arith.addi %mul3A_29, %add3A_30 : i32
    %run_scoped3A_32 = arith.constant 0 : i32
    "tpu.region"() ({
      %run_scoped3A_59 = tpu.sem_alloc : memref<!tpu.dma_semaphore, #tpu.memory_space<semaphore_mem>>
      %dma_start3A_60 = arith.constant 0 : i32
      %dma_start3A_61 = arith.constant 0 : i32
      %dma_start3A_62 = tpu.memref_slice %arg3[%run_scoped3A_32, %dma_start3A_60, %dma_start3A_61] : memref<2x2560x128xi32, #tpu.memory_space<hbm>> -> memref<1x2560x128xi32, #tpu.memory_space<hbm>>
      %dma_start3A_63 = tpu.memref_squeeze %dma_start3A_62 : memref<1x2560x128xi32, #tpu.memory_space<hbm>> -> memref<2560x128xi32, #tpu.memory_space<hbm>>
      %dma_start3A_64 = arith.constant 0 : i32
      %dma_start3A_65 = tpu.memref_slice %dma_start3A_63[%add3A_31, %dma_start3A_64] : memref<2560x128xi32, #tpu.memory_space<hbm>> -> memref<40x128xi32, #tpu.memory_space<hbm>>
      %dma_start3A_66 = arith.constant 0 : i32
      %dma_start3A_67 = arith.constant 0 : i32
      %dma_start3A_68 = tpu.memref_slice %arg3[%run_scoped3A_32, %dma_start3A_66, %dma_start3A_67] : memref<2x2560x128xi32, #tpu.memory_space<hbm>> -> memref<1x2560x128xi32, #tpu.memory_space<hbm>>
      %dma_start3A_69 = tpu.memref_squeeze %dma_start3A_68 : memref<1x2560x128xi32, #tpu.memory_space<hbm>> -> memref<2560x128xi32, #tpu.memory_space<hbm>>
      %dma_start3A_70 = arith.constant 0 : i32
      %dma_start3A_71 = tpu.memref_slice %dma_start3A_69[%add3A_31, %dma_start3A_70] : memref<2560x128xi32, #tpu.memory_space<hbm>> -> memref<40x128xi32, #tpu.memory_space<hbm>>
      tpu.enqueue_dma source(%dma_start3A_71 : memref<40x128xi32, #tpu.memory_space<hbm>>) target(%arg6 : memref<40x128xi32, #tpu.memory_space<vmem>>) target_semaphore(%run_scoped3A_59 : memref<!tpu.dma_semaphore, #tpu.memory_space<semaphore_mem>>)
      %dma_wait3A = arith.constant 0 : i32
      %dma_wait3A_72 = arith.constant 0 : i32
      %dma_wait3A_73 = tpu.memref_slice %arg3[%run_scoped3A_32, %dma_wait3A, %dma_wait3A_72] : memref<2x2560x128xi32, #tpu.memory_space<hbm>> -> memref<1x2560x128xi32, #tpu.memory_space<hbm>>
      %dma_wait3A_74 = tpu.memref_squeeze %dma_wait3A_73 : memref<1x2560x128xi32, #tpu.memory_space<hbm>> -> memref<2560x128xi32, #tpu.memory_space<hbm>>
      %dma_wait3A_75 = arith.constant 0 : i32
      %dma_wait3A_76 = tpu.memref_slice %dma_wait3A_74[%add3A_31, %dma_wait3A_75] : memref<2560x128xi32, #tpu.memory_space<hbm>> -> memref<40x128xi32, #tpu.memory_space<hbm>>
      %dma_wait3A_77 = arith.constant 0 : i32
      %dma_wait3A_78 = arith.constant 0 : i32
      %dma_wait3A_79 = tpu.memref_slice %arg3[%run_scoped3A_32, %dma_wait3A_77, %dma_wait3A_78] : memref<2x2560x128xi32, #tpu.memory_space<hbm>> -> memref<1x2560x128xi32, #tpu.memory_space<hbm>>
      %dma_wait3A_80 = tpu.memref_squeeze %dma_wait3A_79 : memref<1x2560x128xi32, #tpu.memory_space<hbm>> -> memref<2560x128xi32, #tpu.memory_space<hbm>>
      %dma_wait3A_81 = arith.constant 0 : i32
      %dma_wait3A_82 = tpu.memref_slice %dma_wait3A_80[%add3A_31, %dma_wait3A_81] : memref<2560x128xi32, #tpu.memory_space<hbm>> -> memref<40x128xi32, #tpu.memory_space<hbm>>
      tpu.wait_dma2 semaphore(%run_scoped3A_59 : memref<!tpu.dma_semaphore, #tpu.memory_space<semaphore_mem>>) src(%dma_wait3A_82 : memref<40x128xi32, #tpu.memory_space<hbm>>) dst(%arg6 : memref<40x128xi32, #tpu.memory_space<vmem>>)
      tpu.yield
    }) : () -> ()
    %run_scoped3A_33 = arith.constant 1 : i32
    "tpu.region"() ({
      %run_scoped3A_59 = tpu.sem_alloc : memref<!tpu.dma_semaphore, #tpu.memory_space<semaphore_mem>>
      %dma_start3A_60 = arith.constant 0 : i32
      %dma_start3A_61 = arith.constant 0 : i32
      %dma_start3A_62 = tpu.memref_slice %arg3[%run_scoped3A_33, %dma_start3A_60, %dma_start3A_61] : memref<2x2560x128xi32, #tpu.memory_space<hbm>> -> memref<1x2560x128xi32, #tpu.memory_space<hbm>>
      %dma_start3A_63 = tpu.memref_squeeze %dma_start3A_62 : memref<1x2560x128xi32, #tpu.memory_space<hbm>> -> memref<2560x128xi32, #tpu.memory_space<hbm>>
      %dma_start3A_64 = arith.constant 0 : i32
      %dma_start3A_65 = tpu.memref_slice %dma_start3A_63[%add3A_31, %dma_start3A_64] : memref<2560x128xi32, #tpu.memory_space<hbm>> -> memref<40x128xi32, #tpu.memory_space<hbm>>
      %dma_start3A_66 = arith.constant 0 : i32
      %dma_start3A_67 = arith.constant 0 : i32
      %dma_start3A_68 = tpu.memref_slice %arg3[%run_scoped3A_33, %dma_start3A_66, %dma_start3A_67] : memref<2x2560x128xi32, #tpu.memory_space<hbm>> -> memref<1x2560x128xi32, #tpu.memory_space<hbm>>
      %dma_start3A_69 = tpu.memref_squeeze %dma_start3A_68 : memref<1x2560x128xi32, #tpu.memory_space<hbm>> -> memref<2560x128xi32, #tpu.memory_space<hbm>>
      %dma_start3A_70 = arith.constant 0 : i32
      %dma_start3A_71 = tpu.memref_slice %dma_start3A_69[%add3A_31, %dma_start3A_70] : memref<2560x128xi32, #tpu.memory_space<hbm>> -> memref<40x128xi32, #tpu.memory_space<hbm>>
      tpu.enqueue_dma source(%dma_start3A_71 : memref<40x128xi32, #tpu.memory_space<hbm>>) target(%arg7 : memref<40x128xi32, #tpu.memory_space<vmem>>) target_semaphore(%run_scoped3A_59 : memref<!tpu.dma_semaphore, #tpu.memory_space<semaphore_mem>>)
      %dma_wait3A = arith.constant 0 : i32
      %dma_wait3A_72 = arith.constant 0 : i32
      %dma_wait3A_73 = tpu.memref_slice %arg3[%run_scoped3A_33, %dma_wait3A, %dma_wait3A_72] : memref<2x2560x128xi32, #tpu.memory_space<hbm>> -> memref<1x2560x128xi32, #tpu.memory_space<hbm>>
      %dma_wait3A_74 = tpu.memref_squeeze %dma_wait3A_73 : memref<1x2560x128xi32, #tpu.memory_space<hbm>> -> memref<2560x128xi32, #tpu.memory_space<hbm>>
      %dma_wait3A_75 = arith.constant 0 : i32
      %dma_wait3A_76 = tpu.memref_slice %dma_wait3A_74[%add3A_31, %dma_wait3A_75] : memref<2560x128xi32, #tpu.memory_space<hbm>> -> memref<40x128xi32, #tpu.memory_space<hbm>>
      %dma_wait3A_77 = arith.constant 0 : i32
      %dma_wait3A_78 = arith.constant 0 : i32
      %dma_wait3A_79 = tpu.memref_slice %arg3[%run_scoped3A_33, %dma_wait3A_77, %dma_wait3A_78] : memref<2x2560x128xi32, #tpu.memory_space<hbm>> -> memref<1x2560x128xi32, #tpu.memory_space<hbm>>
      %dma_wait3A_80 = tpu.memref_squeeze %dma_wait3A_79 : memref<1x2560x128xi32, #tpu.memory_space<hbm>> -> memref<2560x128xi32, #tpu.memory_space<hbm>>
      %dma_wait3A_81 = arith.constant 0 : i32
      %dma_wait3A_82 = tpu.memref_slice %dma_wait3A_80[%add3A_31, %dma_wait3A_81] : memref<2560x128xi32, #tpu.memory_space<hbm>> -> memref<40x128xi32, #tpu.memory_space<hbm>>
      tpu.wait_dma2 semaphore(%run_scoped3A_59 : memref<!tpu.dma_semaphore, #tpu.memory_space<semaphore_mem>>) src(%dma_wait3A_82 : memref<40x128xi32, #tpu.memory_space<hbm>>) dst(%arg7 : memref<40x128xi32, #tpu.memory_space<vmem>>)
      tpu.yield
    }) : () -> ()
    %dma_start3A_34 = arith.constant 0 : i32
    %dma_start3A_35 = arith.constant 0 : i32
    %dma_start3A_36 = tpu.memref_slice %arg6[%dma_start3A_34, %dma_start3A_35] : memref<40x128xi32, #tpu.memory_space<vmem>> -> memref<1x128xi32, #tpu.memory_space<vmem>>
    %dma_start3A_37 = tpu.memref_squeeze %dma_start3A_36 : memref<1x128xi32, #tpu.memory_space<vmem>> -> memref<128xi32, #tpu.memory_space<vmem>>
    %dma_start3A_38 = arith.constant 0 : i32
    %dma_start3A_39 = arith.constant 0 : i32
    %dma_start3A_40 = tpu.memref_slice %arg2[%dma_start3A_38, %dma_start3A_39] : memref<10000x128xf32, #tpu.memory_space<hbm>> -> memref<10000x128xf32, #tpu.memory_space<hbm>>
    tpu.enqueue_indirect_dma source(%dma_start3A_40 : memref<10000x128xf32, #tpu.memory_space<hbm>>) target(%arg8 : memref<128x128xf32, #tpu.memory_space<vmem>>) offsets(%dma_start3A_37 : memref<128xi32, #tpu.memory_space<vmem>>) semaphore(%arg11 : memref<!tpu.dma_semaphore, #tpu.memory_space<semaphore_mem>>)
    %dma_start3A_41 = arith.constant 1 : i32
    %dma_start3A_42 = arith.constant 0 : i32
    %dma_start3A_43 = tpu.memref_slice %arg6[%dma_start3A_41, %dma_start3A_42] : memref<40x128xi32, #tpu.memory_space<vmem>> -> memref<1x128xi32, #tpu.memory_space<vmem>>
    %dma_start3A_44 = tpu.memref_squeeze %dma_start3A_43 : memref<1x128xi32, #tpu.memory_space<vmem>> -> memref<128xi32, #tpu.memory_space<vmem>>
    %dma_start3A_45 = arith.constant 0 : i32
    %dma_start3A_46 = arith.constant 0 : i32
    %dma_start3A_47 = tpu.memref_slice %arg2[%dma_start3A_45, %dma_start3A_46] : memref<10000x128xf32, #tpu.memory_space<hbm>> -> memref<10000x128xf32, #tpu.memory_space<hbm>>
    tpu.enqueue_indirect_dma source(%dma_start3A_47 : memref<10000x128xf32, #tpu.memory_space<hbm>>) target(%arg9 : memref<128x128xf32, #tpu.memory_space<vmem>>) offsets(%dma_start3A_44 : memref<128xi32, #tpu.memory_space<vmem>>) semaphore(%arg12 : memref<!tpu.dma_semaphore, #tpu.memory_space<semaphore_mem>>)
    %scan3A_48 = arith.constant 0 : i32
    %scan3A_49 = arith.constant 0 : i32
    %scan3A_50 = arith.constant 20 : i32
    %scan3A_51 = arith.addi %scan3A_49, %scan3A_50 : i32
    %scan3A_52 = arith.constant 1 : i32
    scf.for %scan3A_59 = %scan3A_49 to %scan3A_51 step %scan3A_52  : i32 {
      %mul3A_60 = arith.constant 2 : i32
      %mul3A_61 = arith.muli %scan3A_59, %mul3A_60 : i32
      %dma_wait3A = arith.constant 0 : i32
      %dma_wait3A_62 = tpu.memref_slice %arg6[%mul3A_61, %dma_wait3A] : memref<40x128xi32, #tpu.memory_space<vmem>> -> memref<1x128xi32, #tpu.memory_space<vmem>>
      %dma_wait3A_63 = tpu.memref_squeeze %dma_wait3A_62 : memref<1x128xi32, #tpu.memory_space<vmem>> -> memref<128xi32, #tpu.memory_space<vmem>>
      %dma_wait3A_64 = arith.constant 0 : i32
      %dma_wait3A_65 = arith.constant 0 : i32
      %dma_wait3A_66 = tpu.memref_slice %arg2[%dma_wait3A_64, %dma_wait3A_65] : memref<10000x128xf32, #tpu.memory_space<hbm>> -> memref<10000x128xf32, #tpu.memory_space<hbm>>
      tpu.wait_indirect_dma semaphore(%arg11 : memref<!tpu.dma_semaphore, #tpu.memory_space<semaphore_mem>>) src(%dma_wait3A_66 : memref<10000x128xf32, #tpu.memory_space<hbm>>) dst(%arg8 : memref<128x128xf32, #tpu.memory_space<vmem>>)
      %dma_start3A_67 = arith.constant 0 : i32
      %dma_start3A_68 = tpu.memref_slice %arg7[%mul3A_61, %dma_start3A_67] : memref<40x128xi32, #tpu.memory_space<vmem>> -> memref<1x128xi32, #tpu.memory_space<vmem>>
      %dma_start3A_69 = tpu.memref_squeeze %dma_start3A_68 : memref<1x128xi32, #tpu.memory_space<vmem>> -> memref<128xi32, #tpu.memory_space<vmem>>
      %dma_start3A_70 = arith.constant 0 : i32
      %dma_start3A_71 = arith.constant 0 : i32
      %dma_start3A_72 = tpu.memref_slice %arg10[%dma_start3A_70, %dma_start3A_71] : memref<10112x128xf32, #tpu.memory_space<vmem_shared>> -> memref<10112x128xf32, #tpu.memory_space<vmem_shared>>
      tpu.enqueue_indirect_dma source(%arg8 : memref<128x128xf32, #tpu.memory_space<vmem>>) target(%dma_start3A_72 : memref<10112x128xf32, #tpu.memory_space<vmem_shared>>) offsets(%dma_start3A_69 : memref<128xi32, #tpu.memory_space<vmem>>) semaphore(%arg13 : memref<!tpu.dma_semaphore, #tpu.memory_space<semaphore_mem>>) {add = true}
      %add3A_73 = arith.constant 1 : i32
      %add3A_74 = arith.addi %mul3A_61, %add3A_73 : i32
      %dma_wait3A_75 = arith.constant 0 : i32
      %dma_wait3A_76 = tpu.memref_slice %arg6[%add3A_74, %dma_wait3A_75] : memref<40x128xi32, #tpu.memory_space<vmem>> -> memref<1x128xi32, #tpu.memory_space<vmem>>
      %dma_wait3A_77 = tpu.memref_squeeze %dma_wait3A_76 : memref<1x128xi32, #tpu.memory_space<vmem>> -> memref<128xi32, #tpu.memory_space<vmem>>
      %dma_wait3A_78 = arith.constant 0 : i32
      %dma_wait3A_79 = arith.constant 0 : i32
      %dma_wait3A_80 = tpu.memref_slice %arg2[%dma_wait3A_78, %dma_wait3A_79] : memref<10000x128xf32, #tpu.memory_space<hbm>> -> memref<10000x128xf32, #tpu.memory_space<hbm>>
      tpu.wait_indirect_dma semaphore(%arg12 : memref<!tpu.dma_semaphore, #tpu.memory_space<semaphore_mem>>) src(%dma_wait3A_80 : memref<10000x128xf32, #tpu.memory_space<hbm>>) dst(%arg9 : memref<128x128xf32, #tpu.memory_space<vmem>>)
      %add3A_81 = arith.constant 1 : i32
      %add3A_82 = arith.addi %mul3A_61, %add3A_81 : i32
      %dma_start3A_83 = arith.constant 0 : i32
      %dma_start3A_84 = tpu.memref_slice %arg7[%add3A_82, %dma_start3A_83] : memref<40x128xi32, #tpu.memory_space<vmem>> -> memref<1x128xi32, #tpu.memory_space<vmem>>
      %dma_start3A_85 = tpu.memref_squeeze %dma_start3A_84 : memref<1x128xi32, #tpu.memory_space<vmem>> -> memref<128xi32, #tpu.memory_space<vmem>>
      %dma_start3A_86 = arith.constant 0 : i32
      %dma_start3A_87 = arith.constant 0 : i32
      %dma_start3A_88 = tpu.memref_slice %arg10[%dma_start3A_86, %dma_start3A_87] : memref<10112x128xf32, #tpu.memory_space<vmem_shared>> -> memref<10112x128xf32, #tpu.memory_space<vmem_shared>>
      tpu.enqueue_indirect_dma source(%arg9 : memref<128x128xf32, #tpu.memory_space<vmem>>) target(%dma_start3A_88 : memref<10112x128xf32, #tpu.memory_space<vmem_shared>>) offsets(%dma_start3A_85 : memref<128xi32, #tpu.memory_space<vmem>>) semaphore(%arg14 : memref<!tpu.dma_semaphore, #tpu.memory_space<semaphore_mem>>) {add = true}
      %dma_wait3A_89 = arith.constant 0 : i32
      %dma_wait3A_90 = tpu.memref_slice %arg7[%mul3A_61, %dma_wait3A_89] : memref<40x128xi32, #tpu.memory_space<vmem>> -> memref<1x128xi32, #tpu.memory_space<vmem>>
      %dma_wait3A_91 = tpu.memref_squeeze %dma_wait3A_90 : memref<1x128xi32, #tpu.memory_space<vmem>> -> memref<128xi32, #tpu.memory_space<vmem>>
      %dma_wait3A_92 = arith.constant 0 : i32
      %dma_wait3A_93 = arith.constant 0 : i32
      %dma_wait3A_94 = tpu.memref_slice %arg10[%dma_wait3A_92, %dma_wait3A_93] : memref<10112x128xf32, #tpu.memory_space<vmem_shared>> -> memref<10112x128xf32, #tpu.memory_space<vmem_shared>>
      tpu.wait_indirect_dma semaphore(%arg13 : memref<!tpu.dma_semaphore, #tpu.memory_space<semaphore_mem>>) src(%arg8 : memref<128x128xf32, #tpu.memory_space<vmem>>) dst(%dma_wait3A_94 : memref<10112x128xf32, #tpu.memory_space<vmem_shared>>)
      %add3A_95 = arith.constant 2 : i32
      %add3A_96 = arith.addi %mul3A_61, %add3A_95 : i32
      %lt3A = arith.constant 40 : i32
      %lt3A_97 = arith.cmpi slt, %add3A_96, %lt3A : i32
      %convert_element_type3A = arith.extui %lt3A_97 : i1 to i32
      %cond3A = arith.constant 0 : i32
      %cond3A_98 = arith.cmpi ne, %convert_element_type3A, %cond3A : i32
      scf.if %cond3A_98 {
        %add3A_114 = arith.constant 2 : i32
        %add3A_115 = arith.addi %mul3A_61, %add3A_114 : i32
        %dma_start3A_116 = arith.constant 0 : i32
        %dma_start3A_117 = tpu.memref_slice %arg6[%add3A_115, %dma_start3A_116] : memref<40x128xi32, #tpu.memory_space<vmem>> -> memref<1x128xi32, #tpu.memory_space<vmem>>
        %dma_start3A_118 = tpu.memref_squeeze %dma_start3A_117 : memref<1x128xi32, #tpu.memory_space<vmem>> -> memref<128xi32, #tpu.memory_space<vmem>>
        %dma_start3A_119 = arith.constant 0 : i32
        %dma_start3A_120 = arith.constant 0 : i32
        %dma_start3A_121 = tpu.memref_slice %arg2[%dma_start3A_119, %dma_start3A_120] : memref<10000x128xf32, #tpu.memory_space<hbm>> -> memref<10000x128xf32, #tpu.memory_space<hbm>>
        tpu.enqueue_indirect_dma source(%dma_start3A_121 : memref<10000x128xf32, #tpu.memory_space<hbm>>) target(%arg8 : memref<128x128xf32, #tpu.memory_space<vmem>>) offsets(%dma_start3A_118 : memref<128xi32, #tpu.memory_space<vmem>>) semaphore(%arg11 : memref<!tpu.dma_semaphore, #tpu.memory_space<semaphore_mem>>)
      } else {
      }
      %add3A_99 = arith.constant 1 : i32
      %add3A_100 = arith.addi %mul3A_61, %add3A_99 : i32
      %dma_wait3A_101 = arith.constant 0 : i32
      %dma_wait3A_102 = tpu.memref_slice %arg7[%add3A_100, %dma_wait3A_101] : memref<40x128xi32, #tpu.memory_space<vmem>> -> memref<1x128xi32, #tpu.memory_space<vmem>>
      %dma_wait3A_103 = tpu.memref_squeeze %dma_wait3A_102 : memref<1x128xi32, #tpu.memory_space<vmem>> -> memref<128xi32, #tpu.memory_space<vmem>>
      %dma_wait3A_104 = arith.constant 0 : i32
      %dma_wait3A_105 = arith.constant 0 : i32
      %dma_wait3A_106 = tpu.memref_slice %arg10[%dma_wait3A_104, %dma_wait3A_105] : memref<10112x128xf32, #tpu.memory_space<vmem_shared>> -> memref<10112x128xf32, #tpu.memory_space<vmem_shared>>
      tpu.wait_indirect_dma semaphore(%arg14 : memref<!tpu.dma_semaphore, #tpu.memory_space<semaphore_mem>>) src(%arg9 : memref<128x128xf32, #tpu.memory_space<vmem>>) dst(%dma_wait3A_106 : memref<10112x128xf32, #tpu.memory_space<vmem_shared>>)
      %add3A_107 = arith.constant 3 : i32
      %add3A_108 = arith.addi %mul3A_61, %add3A_107 : i32
      %lt3A_109 = arith.constant 40 : i32
      %lt3A_110 = arith.cmpi slt, %add3A_108, %lt3A_109 : i32
      %convert_element_type3A_111 = arith.extui %lt3A_110 : i1 to i32
      %cond3A_112 = arith.constant 0 : i32
      %cond3A_113 = arith.cmpi ne, %convert_element_type3A_111, %cond3A_112 : i32
      scf.if %cond3A_113 {
        %add3A_114 = arith.constant 3 : i32
        %add3A_115 = arith.addi %mul3A_61, %add3A_114 : i32
        %dma_start3A_116 = arith.constant 0 : i32
        %dma_start3A_117 = tpu.memref_slice %arg6[%add3A_115, %dma_start3A_116] : memref<40x128xi32, #tpu.memory_space<vmem>> -> memref<1x128xi32, #tpu.memory_space<vmem>>
        %dma_start3A_118 = tpu.memref_squeeze %dma_start3A_117 : memref<1x128xi32, #tpu.memory_space<vmem>> -> memref<128xi32, #tpu.memory_space<vmem>>
        %dma_start3A_119 = arith.constant 0 : i32
        %dma_start3A_120 = arith.constant 0 : i32
        %dma_start3A_121 = tpu.memref_slice %arg2[%dma_start3A_119, %dma_start3A_120] : memref<10000x128xf32, #tpu.memory_space<hbm>> -> memref<10000x128xf32, #tpu.memory_space<hbm>>
        tpu.enqueue_indirect_dma source(%dma_start3A_121 : memref<10000x128xf32, #tpu.memory_space<hbm>>) target(%arg9 : memref<128x128xf32, #tpu.memory_space<vmem>>) offsets(%dma_start3A_118 : memref<128xi32, #tpu.memory_space<vmem>>) semaphore(%arg12 : memref<!tpu.dma_semaphore, #tpu.memory_space<semaphore_mem>>)
      } else {
      }
    }
    %scan3A_53 = arith.constant 20 : i32
    %barrier3A_54 = arith.constant 0 : index
    tpu.barrier barrier_id(%barrier3A_54)
    %mul3A_55 = arith.constant 632 : i32
    %mul3A_56 = arith.muli %arg1, %mul3A_55 : i32
    %mul3A_57 = arith.constant 632 : i32
    %mul3A_58 = arith.muli %arg1, %mul3A_57 : i32
    "tpu.region"() ({
      %run_scoped3A_59 = tpu.sem_alloc : memref<!tpu.dma_semaphore, #tpu.memory_space<semaphore_mem>>
      %dma_start3A_60 = arith.constant 0 : i32
      %dma_start3A_61 = arith.constant 0 : i32
      %dma_start3A_62 = tpu.memref_slice %arg5[%arg0, %dma_start3A_60, %dma_start3A_61] : memref<2x10112x128xf32, #tpu.memory_space<hbm>> -> memref<1x10112x128xf32, #tpu.memory_space<hbm>>
      %dma_start3A_63 = tpu.memref_squeeze %dma_start3A_62 : memref<1x10112x128xf32, #tpu.memory_space<hbm>> -> memref<10112x128xf32, #tpu.memory_space<hbm>>
      %dma_start3A_64 = arith.constant 0 : i32
      %dma_start3A_65 = tpu.memref_slice %dma_start3A_63[%mul3A_58, %dma_start3A_64] : memref<10112x128xf32, #tpu.memory_space<hbm>> -> memref<632x128xf32, #tpu.memory_space<hbm>>
      %dma_start3A_66 = arith.constant 0 : i32
      %dma_start3A_67 = tpu.memref_slice %arg10[%mul3A_56, %dma_start3A_66] : memref<10112x128xf32, #tpu.memory_space<vmem_shared>> -> memref<632x128xf32, #tpu.memory_space<vmem_shared>>
      tpu.enqueue_dma source(%dma_start3A_67 : memref<632x128xf32, #tpu.memory_space<vmem_shared>>) target(%dma_start3A_65 : memref<632x128xf32, #tpu.memory_space<hbm>>) target_semaphore(%run_scoped3A_59 : memref<!tpu.dma_semaphore, #tpu.memory_space<semaphore_mem>>)
      %dma_wait3A = arith.constant 0 : i32
      %dma_wait3A_68 = arith.constant 0 : i32
      %dma_wait3A_69 = tpu.memref_slice %arg5[%arg0, %dma_wait3A, %dma_wait3A_68] : memref<2x10112x128xf32, #tpu.memory_space<hbm>> -> memref<1x10112x128xf32, #tpu.memory_space<hbm>>
      %dma_wait3A_70 = tpu.memref_squeeze %dma_wait3A_69 : memref<1x10112x128xf32, #tpu.memory_space<hbm>> -> memref<10112x128xf32, #tpu.memory_space<hbm>>
      %dma_wait3A_71 = arith.constant 0 : i32
      %dma_wait3A_72 = tpu.memref_slice %dma_wait3A_70[%mul3A_58, %dma_wait3A_71] : memref<10112x128xf32, #tpu.memory_space<hbm>> -> memref<632x128xf32, #tpu.memory_space<hbm>>
      %dma_wait3A_73 = arith.constant 0 : i32
      %dma_wait3A_74 = tpu.memref_slice %arg10[%mul3A_56, %dma_wait3A_73] : memref<10112x128xf32, #tpu.memory_space<vmem_shared>> -> memref<632x128xf32, #tpu.memory_space<vmem_shared>>
      tpu.wait_dma2 semaphore(%run_scoped3A_59 : memref<!tpu.dma_semaphore, #tpu.memory_space<semaphore_mem>>) src(%dma_wait3A_74 : memref<632x128xf32, #tpu.memory_space<vmem_shared>>) dst(%dma_wait3A_72 : memref<632x128xf32, #tpu.memory_space<hbm>>)
      tpu.yield
    }) : () -> ()
    return
  }
}

#map = affine_map<(d0, d1) -> (0, 0)>
#map1 = affine_map<(d0, d1) -> (0, 0, 0)>
module attributes {stable_mosaic.version = 14 : i64} {
  func.func @_sc_aggregate(%arg0: i32, %arg1: i32, %arg2: memref<10000x128xf32, #tpu.memory_space<hbm>>, %arg3: memref<2x2560x128xi32, #tpu.memory_space<hbm>>, %arg4: memref<10112x128xf32, #tpu.memory_space<hbm>>, %arg5: memref<2x10112x128xf32, #tpu.memory_space<hbm>>, %arg6: memref<40x128xi32, #tpu.memory_space<vmem>>, %arg7: memref<40x128xi32, #tpu.memory_space<vmem>>, %arg8: memref<128x128xf32, #tpu.memory_space<vmem>>, %arg9: memref<128x128xf32, #tpu.memory_space<vmem>>, %arg10: memref<10112x128xf32, #tpu.memory_space<vmem_shared>>, %arg11: memref<!tpu.dma_semaphore, #tpu.memory_space<semaphore_mem>>, %arg12: memref<!tpu.dma_semaphore, #tpu.memory_space<semaphore_mem>>, %arg13: memref<!tpu.dma_semaphore, #tpu.memory_space<semaphore_mem>>, %arg14: memref<!tpu.dma_semaphore, #tpu.memory_space<semaphore_mem>>) attributes {dimension_semantics = [#tpu.dimension_semantics<core_parallel>, #tpu.dimension_semantics<subcore_parallel>], iteration_bounds = array<i64: 2, 16>, scalar_prefetch = 0 : i64, scratch_operands = 9 : i64, tpu.core_type = #tpu.core_type<sc_vector_subcore>, window_params = [{transform_indices = #map}, {transform_indices = #map1}, {transform_indices = #map}, {transform_indices = #map1}]} {
    %mul3A = arith.constant 16 : i32
    %mul3A_0 = arith.muli %arg0, %mul3A : i32
    %add3A = arith.addi %mul3A_0, %arg1 : i32
    %mul3A_1 = arith.constant 632 : i32
    %mul3A_2 = arith.muli %arg1, %mul3A_1 : i32
    %mul3A_3 = arith.constant 632 : i32
    %mul3A_4 = arith.muli %arg1, %mul3A_3 : i32
    "tpu.region"() ({
      %run_scoped3A_59 = tpu.sem_alloc : memref<!tpu.dma_semaphore, #tpu.memory_space<semaphore_mem>>
      %dma_start3A_60 = arith.constant 0 : i32
      %dma_start3A_61 = tpu.memref_slice %arg10[%mul3A_4, %dma_start3A_60] : memref<10112x128xf32, #tpu.memory_space<vmem_shared>> -> memref<632x128xf32, #tpu.memory_space<vmem_shared>>
      %dma_start3A_62 = arith.constant 0 : i32
      %dma_start3A_63 = tpu.memref_slice %arg4[%mul3A_2, %dma_start3A_62] : memref<10112x128xf32, #tpu.memory_space<hbm>> -> memref<632x128xf32, #tpu.memory_space<hbm>>
      tpu.enqueue_dma source(%dma_start3A_63 : memref<632x128xf32, #tpu.memory_space<hbm>>) target(%dma_start3A_61 : memref<632x128xf32, #tpu.memory_space<vmem_shared>>) target_semaphore(%run_scoped3A_59 : memref<!tpu.dma_semaphore, #tpu.memory_space<semaphore_mem>>)
      %dma_wait3A = arith.constant 0 : i32
      %dma_wait3A_64 = tpu.memref_slice %arg10[%mul3A_4, %dma_wait3A] : memref<10112x128xf32, #tpu.memory_space<vmem_shared>> -> memref<632x128xf32, #tpu.memory_space<vmem_shared>>
      %dma_wait3A_65 = arith.constant 0 : i32
      %dma_wait3A_66 = tpu.memref_slice %arg4[%mul3A_2, %dma_wait3A_65] : memref<10112x128xf32, #tpu.memory_space<hbm>> -> memref<632x128xf32, #tpu.memory_space<hbm>>
      tpu.wait_dma2 semaphore(%run_scoped3A_59 : memref<!tpu.dma_semaphore, #tpu.memory_space<semaphore_mem>>) src(%dma_wait3A_66 : memref<632x128xf32, #tpu.memory_space<hbm>>) dst(%dma_wait3A_64 : memref<632x128xf32, #tpu.memory_space<vmem_shared>>)
      tpu.yield
    }) : () -> ()
    %barrier3A = arith.constant 0 : index
    tpu.barrier barrier_id(%barrier3A)
    %mul3A_5 = arith.constant 80 : i32
    %mul3A_6 = arith.muli %add3A, %mul3A_5 : i32
    %add3A_7 = arith.constant 0 : i32
    %add3A_8 = arith.addi %mul3A_6, %add3A_7 : i32
    %run_scoped3A = arith.constant 0 : i32
    "tpu.region"() ({
      %run_scoped3A_59 = tpu.sem_alloc : memref<!tpu.dma_semaphore, #tpu.memory_space<semaphore_mem>>
      %dma_start3A_60 = arith.constant 0 : i32
      %dma_start3A_61 = arith.constant 0 : i32
      %dma_start3A_62 = tpu.memref_slice %arg3[%run_scoped3A, %dma_start3A_60, %dma_start3A_61] : memref<2x2560x128xi32, #tpu.memory_space<hbm>> -> memref<1x2560x128xi32, #tpu.memory_space<hbm>>
      %dma_start3A_63 = tpu.memref_squeeze %dma_start3A_62 : memref<1x2560x128xi32, #tpu.memory_space<hbm>> -> memref<2560x128xi32, #tpu.memory_space<hbm>>
      %dma_start3A_64 = arith.constant 0 : i32
      %dma_start3A_65 = tpu.memref_slice %dma_start3A_63[%add3A_8, %dma_start3A_64] : memref<2560x128xi32, #tpu.memory_space<hbm>> -> memref<40x128xi32, #tpu.memory_space<hbm>>
      %dma_start3A_66 = arith.constant 0 : i32
      %dma_start3A_67 = arith.constant 0 : i32
      %dma_start3A_68 = tpu.memref_slice %arg3[%run_scoped3A, %dma_start3A_66, %dma_start3A_67] : memref<2x2560x128xi32, #tpu.memory_space<hbm>> -> memref<1x2560x128xi32, #tpu.memory_space<hbm>>
      %dma_start3A_69 = tpu.memref_squeeze %dma_start3A_68 : memref<1x2560x128xi32, #tpu.memory_space<hbm>> -> memref<2560x128xi32, #tpu.memory_space<hbm>>
      %dma_start3A_70 = arith.constant 0 : i32
      %dma_start3A_71 = tpu.memref_slice %dma_start3A_69[%add3A_8, %dma_start3A_70] : memref<2560x128xi32, #tpu.memory_space<hbm>> -> memref<40x128xi32, #tpu.memory_space<hbm>>
      tpu.enqueue_dma source(%dma_start3A_71 : memref<40x128xi32, #tpu.memory_space<hbm>>) target(%arg6 : memref<40x128xi32, #tpu.memory_space<vmem>>) target_semaphore(%run_scoped3A_59 : memref<!tpu.dma_semaphore, #tpu.memory_space<semaphore_mem>>)
      %dma_wait3A = arith.constant 0 : i32
      %dma_wait3A_72 = arith.constant 0 : i32
      %dma_wait3A_73 = tpu.memref_slice %arg3[%run_scoped3A, %dma_wait3A, %dma_wait3A_72] : memref<2x2560x128xi32, #tpu.memory_space<hbm>> -> memref<1x2560x128xi32, #tpu.memory_space<hbm>>
      %dma_wait3A_74 = tpu.memref_squeeze %dma_wait3A_73 : memref<1x2560x128xi32, #tpu.memory_space<hbm>> -> memref<2560x128xi32, #tpu.memory_space<hbm>>
      %dma_wait3A_75 = arith.constant 0 : i32
      %dma_wait3A_76 = tpu.memref_slice %dma_wait3A_74[%add3A_8, %dma_wait3A_75] : memref<2560x128xi32, #tpu.memory_space<hbm>> -> memref<40x128xi32, #tpu.memory_space<hbm>>
      %dma_wait3A_77 = arith.constant 0 : i32
      %dma_wait3A_78 = arith.constant 0 : i32
      %dma_wait3A_79 = tpu.memref_slice %arg3[%run_scoped3A, %dma_wait3A_77, %dma_wait3A_78] : memref<2x2560x128xi32, #tpu.memory_space<hbm>> -> memref<1x2560x128xi32, #tpu.memory_space<hbm>>
      %dma_wait3A_80 = tpu.memref_squeeze %dma_wait3A_79 : memref<1x2560x128xi32, #tpu.memory_space<hbm>> -> memref<2560x128xi32, #tpu.memory_space<hbm>>
      %dma_wait3A_81 = arith.constant 0 : i32
      %dma_wait3A_82 = tpu.memref_slice %dma_wait3A_80[%add3A_8, %dma_wait3A_81] : memref<2560x128xi32, #tpu.memory_space<hbm>> -> memref<40x128xi32, #tpu.memory_space<hbm>>
      tpu.wait_dma2 semaphore(%run_scoped3A_59 : memref<!tpu.dma_semaphore, #tpu.memory_space<semaphore_mem>>) src(%dma_wait3A_82 : memref<40x128xi32, #tpu.memory_space<hbm>>) dst(%arg6 : memref<40x128xi32, #tpu.memory_space<vmem>>)
      tpu.yield
    }) : () -> ()
    %run_scoped3A_9 = arith.constant 1 : i32
    "tpu.region"() ({
      %run_scoped3A_59 = tpu.sem_alloc : memref<!tpu.dma_semaphore, #tpu.memory_space<semaphore_mem>>
      %dma_start3A_60 = arith.constant 0 : i32
      %dma_start3A_61 = arith.constant 0 : i32
      %dma_start3A_62 = tpu.memref_slice %arg3[%run_scoped3A_9, %dma_start3A_60, %dma_start3A_61] : memref<2x2560x128xi32, #tpu.memory_space<hbm>> -> memref<1x2560x128xi32, #tpu.memory_space<hbm>>
      %dma_start3A_63 = tpu.memref_squeeze %dma_start3A_62 : memref<1x2560x128xi32, #tpu.memory_space<hbm>> -> memref<2560x128xi32, #tpu.memory_space<hbm>>
      %dma_start3A_64 = arith.constant 0 : i32
      %dma_start3A_65 = tpu.memref_slice %dma_start3A_63[%add3A_8, %dma_start3A_64] : memref<2560x128xi32, #tpu.memory_space<hbm>> -> memref<40x128xi32, #tpu.memory_space<hbm>>
      %dma_start3A_66 = arith.constant 0 : i32
      %dma_start3A_67 = arith.constant 0 : i32
      %dma_start3A_68 = tpu.memref_slice %arg3[%run_scoped3A_9, %dma_start3A_66, %dma_start3A_67] : memref<2x2560x128xi32, #tpu.memory_space<hbm>> -> memref<1x2560x128xi32, #tpu.memory_space<hbm>>
      %dma_start3A_69 = tpu.memref_squeeze %dma_start3A_68 : memref<1x2560x128xi32, #tpu.memory_space<hbm>> -> memref<2560x128xi32, #tpu.memory_space<hbm>>
      %dma_start3A_70 = arith.constant 0 : i32
      %dma_start3A_71 = tpu.memref_slice %dma_start3A_69[%add3A_8, %dma_start3A_70] : memref<2560x128xi32, #tpu.memory_space<hbm>> -> memref<40x128xi32, #tpu.memory_space<hbm>>
      tpu.enqueue_dma source(%dma_start3A_71 : memref<40x128xi32, #tpu.memory_space<hbm>>) target(%arg7 : memref<40x128xi32, #tpu.memory_space<vmem>>) target_semaphore(%run_scoped3A_59 : memref<!tpu.dma_semaphore, #tpu.memory_space<semaphore_mem>>)
      %dma_wait3A = arith.constant 0 : i32
      %dma_wait3A_72 = arith.constant 0 : i32
      %dma_wait3A_73 = tpu.memref_slice %arg3[%run_scoped3A_9, %dma_wait3A, %dma_wait3A_72] : memref<2x2560x128xi32, #tpu.memory_space<hbm>> -> memref<1x2560x128xi32, #tpu.memory_space<hbm>>
      %dma_wait3A_74 = tpu.memref_squeeze %dma_wait3A_73 : memref<1x2560x128xi32, #tpu.memory_space<hbm>> -> memref<2560x128xi32, #tpu.memory_space<hbm>>
      %dma_wait3A_75 = arith.constant 0 : i32
      %dma_wait3A_76 = tpu.memref_slice %dma_wait3A_74[%add3A_8, %dma_wait3A_75] : memref<2560x128xi32, #tpu.memory_space<hbm>> -> memref<40x128xi32, #tpu.memory_space<hbm>>
      %dma_wait3A_77 = arith.constant 0 : i32
      %dma_wait3A_78 = arith.constant 0 : i32
      %dma_wait3A_79 = tpu.memref_slice %arg3[%run_scoped3A_9, %dma_wait3A_77, %dma_wait3A_78] : memref<2x2560x128xi32, #tpu.memory_space<hbm>> -> memref<1x2560x128xi32, #tpu.memory_space<hbm>>
      %dma_wait3A_80 = tpu.memref_squeeze %dma_wait3A_79 : memref<1x2560x128xi32, #tpu.memory_space<hbm>> -> memref<2560x128xi32, #tpu.memory_space<hbm>>
      %dma_wait3A_81 = arith.constant 0 : i32
      %dma_wait3A_82 = tpu.memref_slice %dma_wait3A_80[%add3A_8, %dma_wait3A_81] : memref<2560x128xi32, #tpu.memory_space<hbm>> -> memref<40x128xi32, #tpu.memory_space<hbm>>
      tpu.wait_dma2 semaphore(%run_scoped3A_59 : memref<!tpu.dma_semaphore, #tpu.memory_space<semaphore_mem>>) src(%dma_wait3A_82 : memref<40x128xi32, #tpu.memory_space<hbm>>) dst(%arg7 : memref<40x128xi32, #tpu.memory_space<vmem>>)
      tpu.yield
    }) : () -> ()
    %dma_start3A = arith.constant 0 : i32
    %dma_start3A_10 = arith.constant 0 : i32
    %dma_start3A_11 = tpu.memref_slice %arg6[%dma_start3A, %dma_start3A_10] : memref<40x128xi32, #tpu.memory_space<vmem>> -> memref<1x128xi32, #tpu.memory_space<vmem>>
    %dma_start3A_12 = tpu.memref_squeeze %dma_start3A_11 : memref<1x128xi32, #tpu.memory_space<vmem>> -> memref<128xi32, #tpu.memory_space<vmem>>
    %dma_start3A_13 = arith.constant 0 : i32
    %dma_start3A_14 = arith.constant 0 : i32
    %dma_start3A_15 = tpu.memref_slice %arg2[%dma_start3A_13, %dma_start3A_14] : memref<10000x128xf32, #tpu.memory_space<hbm>> -> memref<10000x128xf32, #tpu.memory_space<hbm>>
    tpu.enqueue_indirect_dma source(%dma_start3A_15 : memref<10000x128xf32, #tpu.memory_space<hbm>>) target(%arg8 : memref<128x128xf32, #tpu.memory_space<vmem>>) offsets(%dma_start3A_12 : memref<128xi32, #tpu.memory_space<vmem>>) semaphore(%arg11 : memref<!tpu.dma_semaphore, #tpu.memory_space<semaphore_mem>>)
    %dma_start3A_16 = arith.constant 1 : i32
    %dma_start3A_17 = arith.constant 0 : i32
    %dma_start3A_18 = tpu.memref_slice %arg6[%dma_start3A_16, %dma_start3A_17] : memref<40x128xi32, #tpu.memory_space<vmem>> -> memref<1x128xi32, #tpu.memory_space<vmem>>
    %dma_start3A_19 = tpu.memref_squeeze %dma_start3A_18 : memref<1x128xi32, #tpu.memory_space<vmem>> -> memref<128xi32, #tpu.memory_space<vmem>>
    %dma_start3A_20 = arith.constant 0 : i32
    %dma_start3A_21 = arith.constant 0 : i32
    %dma_start3A_22 = tpu.memref_slice %arg2[%dma_start3A_20, %dma_start3A_21] : memref<10000x128xf32, #tpu.memory_space<hbm>> -> memref<10000x128xf32, #tpu.memory_space<hbm>>
    tpu.enqueue_indirect_dma source(%dma_start3A_22 : memref<10000x128xf32, #tpu.memory_space<hbm>>) target(%arg9 : memref<128x128xf32, #tpu.memory_space<vmem>>) offsets(%dma_start3A_19 : memref<128xi32, #tpu.memory_space<vmem>>) semaphore(%arg12 : memref<!tpu.dma_semaphore, #tpu.memory_space<semaphore_mem>>)
    %scan3A = arith.constant 0 : i32
    %scan3A_23 = arith.constant 0 : i32
    %scan3A_24 = arith.constant 20 : i32
    %scan3A_25 = arith.addi %scan3A_23, %scan3A_24 : i32
    %scan3A_26 = arith.constant 1 : i32
    scf.for %scan3A_59 = %scan3A_23 to %scan3A_25 step %scan3A_26  : i32 {
      %mul3A_60 = arith.constant 2 : i32
      %mul3A_61 = arith.muli %scan3A_59, %mul3A_60 : i32
      %dma_wait3A = arith.constant 0 : i32
      %dma_wait3A_62 = tpu.memref_slice %arg6[%mul3A_61, %dma_wait3A] : memref<40x128xi32, #tpu.memory_space<vmem>> -> memref<1x128xi32, #tpu.memory_space<vmem>>
      %dma_wait3A_63 = tpu.memref_squeeze %dma_wait3A_62 : memref<1x128xi32, #tpu.memory_space<vmem>> -> memref<128xi32, #tpu.memory_space<vmem>>
      %dma_wait3A_64 = arith.constant 0 : i32
      %dma_wait3A_65 = arith.constant 0 : i32
      %dma_wait3A_66 = tpu.memref_slice %arg2[%dma_wait3A_64, %dma_wait3A_65] : memref<10000x128xf32, #tpu.memory_space<hbm>> -> memref<10000x128xf32, #tpu.memory_space<hbm>>
      tpu.wait_indirect_dma semaphore(%arg11 : memref<!tpu.dma_semaphore, #tpu.memory_space<semaphore_mem>>) src(%dma_wait3A_66 : memref<10000x128xf32, #tpu.memory_space<hbm>>) dst(%arg8 : memref<128x128xf32, #tpu.memory_space<vmem>>)
      %dma_start3A_67 = arith.constant 0 : i32
      %dma_start3A_68 = tpu.memref_slice %arg7[%mul3A_61, %dma_start3A_67] : memref<40x128xi32, #tpu.memory_space<vmem>> -> memref<1x128xi32, #tpu.memory_space<vmem>>
      %dma_start3A_69 = tpu.memref_squeeze %dma_start3A_68 : memref<1x128xi32, #tpu.memory_space<vmem>> -> memref<128xi32, #tpu.memory_space<vmem>>
      %dma_start3A_70 = arith.constant 0 : i32
      %dma_start3A_71 = arith.constant 0 : i32
      %dma_start3A_72 = tpu.memref_slice %arg10[%dma_start3A_70, %dma_start3A_71] : memref<10112x128xf32, #tpu.memory_space<vmem_shared>> -> memref<10112x128xf32, #tpu.memory_space<vmem_shared>>
      tpu.enqueue_indirect_dma source(%arg8 : memref<128x128xf32, #tpu.memory_space<vmem>>) target(%dma_start3A_72 : memref<10112x128xf32, #tpu.memory_space<vmem_shared>>) offsets(%dma_start3A_69 : memref<128xi32, #tpu.memory_space<vmem>>) semaphore(%arg13 : memref<!tpu.dma_semaphore, #tpu.memory_space<semaphore_mem>>) {add = true}
      %add3A_73 = arith.constant 1 : i32
      %add3A_74 = arith.addi %mul3A_61, %add3A_73 : i32
      %dma_wait3A_75 = arith.constant 0 : i32
      %dma_wait3A_76 = tpu.memref_slice %arg6[%add3A_74, %dma_wait3A_75] : memref<40x128xi32, #tpu.memory_space<vmem>> -> memref<1x128xi32, #tpu.memory_space<vmem>>
      %dma_wait3A_77 = tpu.memref_squeeze %dma_wait3A_76 : memref<1x128xi32, #tpu.memory_space<vmem>> -> memref<128xi32, #tpu.memory_space<vmem>>
      %dma_wait3A_78 = arith.constant 0 : i32
      %dma_wait3A_79 = arith.constant 0 : i32
      %dma_wait3A_80 = tpu.memref_slice %arg2[%dma_wait3A_78, %dma_wait3A_79] : memref<10000x128xf32, #tpu.memory_space<hbm>> -> memref<10000x128xf32, #tpu.memory_space<hbm>>
      tpu.wait_indirect_dma semaphore(%arg12 : memref<!tpu.dma_semaphore, #tpu.memory_space<semaphore_mem>>) src(%dma_wait3A_80 : memref<10000x128xf32, #tpu.memory_space<hbm>>) dst(%arg9 : memref<128x128xf32, #tpu.memory_space<vmem>>)
      %add3A_81 = arith.constant 1 : i32
      %add3A_82 = arith.addi %mul3A_61, %add3A_81 : i32
      %dma_start3A_83 = arith.constant 0 : i32
      %dma_start3A_84 = tpu.memref_slice %arg7[%add3A_82, %dma_start3A_83] : memref<40x128xi32, #tpu.memory_space<vmem>> -> memref<1x128xi32, #tpu.memory_space<vmem>>
      %dma_start3A_85 = tpu.memref_squeeze %dma_start3A_84 : memref<1x128xi32, #tpu.memory_space<vmem>> -> memref<128xi32, #tpu.memory_space<vmem>>
      %dma_start3A_86 = arith.constant 0 : i32
      %dma_start3A_87 = arith.constant 0 : i32
      %dma_start3A_88 = tpu.memref_slice %arg10[%dma_start3A_86, %dma_start3A_87] : memref<10112x128xf32, #tpu.memory_space<vmem_shared>> -> memref<10112x128xf32, #tpu.memory_space<vmem_shared>>
      tpu.enqueue_indirect_dma source(%arg9 : memref<128x128xf32, #tpu.memory_space<vmem>>) target(%dma_start3A_88 : memref<10112x128xf32, #tpu.memory_space<vmem_shared>>) offsets(%dma_start3A_85 : memref<128xi32, #tpu.memory_space<vmem>>) semaphore(%arg14 : memref<!tpu.dma_semaphore, #tpu.memory_space<semaphore_mem>>) {add = true}
      %dma_wait3A_89 = arith.constant 0 : i32
      %dma_wait3A_90 = tpu.memref_slice %arg7[%mul3A_61, %dma_wait3A_89] : memref<40x128xi32, #tpu.memory_space<vmem>> -> memref<1x128xi32, #tpu.memory_space<vmem>>
      %dma_wait3A_91 = tpu.memref_squeeze %dma_wait3A_90 : memref<1x128xi32, #tpu.memory_space<vmem>> -> memref<128xi32, #tpu.memory_space<vmem>>
      %dma_wait3A_92 = arith.constant 0 : i32
      %dma_wait3A_93 = arith.constant 0 : i32
      %dma_wait3A_94 = tpu.memref_slice %arg10[%dma_wait3A_92, %dma_wait3A_93] : memref<10112x128xf32, #tpu.memory_space<vmem_shared>> -> memref<10112x128xf32, #tpu.memory_space<vmem_shared>>
      tpu.wait_indirect_dma semaphore(%arg13 : memref<!tpu.dma_semaphore, #tpu.memory_space<semaphore_mem>>) src(%arg8 : memref<128x128xf32, #tpu.memory_space<vmem>>) dst(%dma_wait3A_94 : memref<10112x128xf32, #tpu.memory_space<vmem_shared>>)
      %add3A_95 = arith.constant 2 : i32
      %add3A_96 = arith.addi %mul3A_61, %add3A_95 : i32
      %lt3A = arith.constant 40 : i32
      %lt3A_97 = arith.cmpi slt, %add3A_96, %lt3A : i32
      %convert_element_type3A = arith.extui %lt3A_97 : i1 to i32
      %cond3A = arith.constant 0 : i32
      %cond3A_98 = arith.cmpi ne, %convert_element_type3A, %cond3A : i32
      scf.if %cond3A_98 {
        %add3A_114 = arith.constant 2 : i32
        %add3A_115 = arith.addi %mul3A_61, %add3A_114 : i32
        %dma_start3A_116 = arith.constant 0 : i32
        %dma_start3A_117 = tpu.memref_slice %arg6[%add3A_115, %dma_start3A_116] : memref<40x128xi32, #tpu.memory_space<vmem>> -> memref<1x128xi32, #tpu.memory_space<vmem>>
        %dma_start3A_118 = tpu.memref_squeeze %dma_start3A_117 : memref<1x128xi32, #tpu.memory_space<vmem>> -> memref<128xi32, #tpu.memory_space<vmem>>
        %dma_start3A_119 = arith.constant 0 : i32
        %dma_start3A_120 = arith.constant 0 : i32
        %dma_start3A_121 = tpu.memref_slice %arg2[%dma_start3A_119, %dma_start3A_120] : memref<10000x128xf32, #tpu.memory_space<hbm>> -> memref<10000x128xf32, #tpu.memory_space<hbm>>
        tpu.enqueue_indirect_dma source(%dma_start3A_121 : memref<10000x128xf32, #tpu.memory_space<hbm>>) target(%arg8 : memref<128x128xf32, #tpu.memory_space<vmem>>) offsets(%dma_start3A_118 : memref<128xi32, #tpu.memory_space<vmem>>) semaphore(%arg11 : memref<!tpu.dma_semaphore, #tpu.memory_space<semaphore_mem>>)
      } else {
      }
      %add3A_99 = arith.constant 1 : i32
      %add3A_100 = arith.addi %mul3A_61, %add3A_99 : i32
      %dma_wait3A_101 = arith.constant 0 : i32
      %dma_wait3A_102 = tpu.memref_slice %arg7[%add3A_100, %dma_wait3A_101] : memref<40x128xi32, #tpu.memory_space<vmem>> -> memref<1x128xi32, #tpu.memory_space<vmem>>
      %dma_wait3A_103 = tpu.memref_squeeze %dma_wait3A_102 : memref<1x128xi32, #tpu.memory_space<vmem>> -> memref<128xi32, #tpu.memory_space<vmem>>
      %dma_wait3A_104 = arith.constant 0 : i32
      %dma_wait3A_105 = arith.constant 0 : i32
      %dma_wait3A_106 = tpu.memref_slice %arg10[%dma_wait3A_104, %dma_wait3A_105] : memref<10112x128xf32, #tpu.memory_space<vmem_shared>> -> memref<10112x128xf32, #tpu.memory_space<vmem_shared>>
      tpu.wait_indirect_dma semaphore(%arg14 : memref<!tpu.dma_semaphore, #tpu.memory_space<semaphore_mem>>) src(%arg9 : memref<128x128xf32, #tpu.memory_space<vmem>>) dst(%dma_wait3A_106 : memref<10112x128xf32, #tpu.memory_space<vmem_shared>>)
      %add3A_107 = arith.constant 3 : i32
      %add3A_108 = arith.addi %mul3A_61, %add3A_107 : i32
      %lt3A_109 = arith.constant 40 : i32
      %lt3A_110 = arith.cmpi slt, %add3A_108, %lt3A_109 : i32
      %convert_element_type3A_111 = arith.extui %lt3A_110 : i1 to i32
      %cond3A_112 = arith.constant 0 : i32
      %cond3A_113 = arith.cmpi ne, %convert_element_type3A_111, %cond3A_112 : i32
      scf.if %cond3A_113 {
        %add3A_114 = arith.constant 3 : i32
        %add3A_115 = arith.addi %mul3A_61, %add3A_114 : i32
        %dma_start3A_116 = arith.constant 0 : i32
        %dma_start3A_117 = tpu.memref_slice %arg6[%add3A_115, %dma_start3A_116] : memref<40x128xi32, #tpu.memory_space<vmem>> -> memref<1x128xi32, #tpu.memory_space<vmem>>
        %dma_start3A_118 = tpu.memref_squeeze %dma_start3A_117 : memref<1x128xi32, #tpu.memory_space<vmem>> -> memref<128xi32, #tpu.memory_space<vmem>>
        %dma_start3A_119 = arith.constant 0 : i32
        %dma_start3A_120 = arith.constant 0 : i32
        %dma_start3A_121 = tpu.memref_slice %arg2[%dma_start3A_119, %dma_start3A_120] : memref<10000x128xf32, #tpu.memory_space<hbm>> -> memref<10000x128xf32, #tpu.memory_space<hbm>>
        tpu.enqueue_indirect_dma source(%dma_start3A_121 : memref<10000x128xf32, #tpu.memory_space<hbm>>) target(%arg9 : memref<128x128xf32, #tpu.memory_space<vmem>>) offsets(%dma_start3A_118 : memref<128xi32, #tpu.memory_space<vmem>>) semaphore(%arg12 : memref<!tpu.dma_semaphore, #tpu.memory_space<semaphore_mem>>)
      } else {
      }
    }
    %scan3A_27 = arith.constant 20 : i32
    %mul3A_28 = arith.constant 80 : i32
    %mul3A_29 = arith.muli %add3A, %mul3A_28 : i32
    %add3A_30 = arith.constant 40 : i32
    %add3A_31 = arith.addi %mul3A_29, %add3A_30 : i32
    %run_scoped3A_32 = arith.constant 0 : i32
    "tpu.region"() ({
      %run_scoped3A_59 = tpu.sem_alloc : memref<!tpu.dma_semaphore, #tpu.memory_space<semaphore_mem>>
      %dma_start3A_60 = arith.constant 0 : i32
      %dma_start3A_61 = arith.constant 0 : i32
      %dma_start3A_62 = tpu.memref_slice %arg3[%run_scoped3A_32, %dma_start3A_60, %dma_start3A_61] : memref<2x2560x128xi32, #tpu.memory_space<hbm>> -> memref<1x2560x128xi32, #tpu.memory_space<hbm>>
      %dma_start3A_63 = tpu.memref_squeeze %dma_start3A_62 : memref<1x2560x128xi32, #tpu.memory_space<hbm>> -> memref<2560x128xi32, #tpu.memory_space<hbm>>
      %dma_start3A_64 = arith.constant 0 : i32
      %dma_start3A_65 = tpu.memref_slice %dma_start3A_63[%add3A_31, %dma_start3A_64] : memref<2560x128xi32, #tpu.memory_space<hbm>> -> memref<40x128xi32, #tpu.memory_space<hbm>>
      %dma_start3A_66 = arith.constant 0 : i32
      %dma_start3A_67 = arith.constant 0 : i32
      %dma_start3A_68 = tpu.memref_slice %arg3[%run_scoped3A_32, %dma_start3A_66, %dma_start3A_67] : memref<2x2560x128xi32, #tpu.memory_space<hbm>> -> memref<1x2560x128xi32, #tpu.memory_space<hbm>>
      %dma_start3A_69 = tpu.memref_squeeze %dma_start3A_68 : memref<1x2560x128xi32, #tpu.memory_space<hbm>> -> memref<2560x128xi32, #tpu.memory_space<hbm>>
      %dma_start3A_70 = arith.constant 0 : i32
      %dma_start3A_71 = tpu.memref_slice %dma_start3A_69[%add3A_31, %dma_start3A_70] : memref<2560x128xi32, #tpu.memory_space<hbm>> -> memref<40x128xi32, #tpu.memory_space<hbm>>
      tpu.enqueue_dma source(%dma_start3A_71 : memref<40x128xi32, #tpu.memory_space<hbm>>) target(%arg6 : memref<40x128xi32, #tpu.memory_space<vmem>>) target_semaphore(%run_scoped3A_59 : memref<!tpu.dma_semaphore, #tpu.memory_space<semaphore_mem>>)
      %dma_wait3A = arith.constant 0 : i32
      %dma_wait3A_72 = arith.constant 0 : i32
      %dma_wait3A_73 = tpu.memref_slice %arg3[%run_scoped3A_32, %dma_wait3A, %dma_wait3A_72] : memref<2x2560x128xi32, #tpu.memory_space<hbm>> -> memref<1x2560x128xi32, #tpu.memory_space<hbm>>
      %dma_wait3A_74 = tpu.memref_squeeze %dma_wait3A_73 : memref<1x2560x128xi32, #tpu.memory_space<hbm>> -> memref<2560x128xi32, #tpu.memory_space<hbm>>
      %dma_wait3A_75 = arith.constant 0 : i32
      %dma_wait3A_76 = tpu.memref_slice %dma_wait3A_74[%add3A_31, %dma_wait3A_75] : memref<2560x128xi32, #tpu.memory_space<hbm>> -> memref<40x128xi32, #tpu.memory_space<hbm>>
      %dma_wait3A_77 = arith.constant 0 : i32
      %dma_wait3A_78 = arith.constant 0 : i32
      %dma_wait3A_79 = tpu.memref_slice %arg3[%run_scoped3A_32, %dma_wait3A_77, %dma_wait3A_78] : memref<2x2560x128xi32, #tpu.memory_space<hbm>> -> memref<1x2560x128xi32, #tpu.memory_space<hbm>>
      %dma_wait3A_80 = tpu.memref_squeeze %dma_wait3A_79 : memref<1x2560x128xi32, #tpu.memory_space<hbm>> -> memref<2560x128xi32, #tpu.memory_space<hbm>>
      %dma_wait3A_81 = arith.constant 0 : i32
      %dma_wait3A_82 = tpu.memref_slice %dma_wait3A_80[%add3A_31, %dma_wait3A_81] : memref<2560x128xi32, #tpu.memory_space<hbm>> -> memref<40x128xi32, #tpu.memory_space<hbm>>
      tpu.wait_dma2 semaphore(%run_scoped3A_59 : memref<!tpu.dma_semaphore, #tpu.memory_space<semaphore_mem>>) src(%dma_wait3A_82 : memref<40x128xi32, #tpu.memory_space<hbm>>) dst(%arg6 : memref<40x128xi32, #tpu.memory_space<vmem>>)
      tpu.yield
    }) : () -> ()
    %run_scoped3A_33 = arith.constant 1 : i32
    "tpu.region"() ({
      %run_scoped3A_59 = tpu.sem_alloc : memref<!tpu.dma_semaphore, #tpu.memory_space<semaphore_mem>>
      %dma_start3A_60 = arith.constant 0 : i32
      %dma_start3A_61 = arith.constant 0 : i32
      %dma_start3A_62 = tpu.memref_slice %arg3[%run_scoped3A_33, %dma_start3A_60, %dma_start3A_61] : memref<2x2560x128xi32, #tpu.memory_space<hbm>> -> memref<1x2560x128xi32, #tpu.memory_space<hbm>>
      %dma_start3A_63 = tpu.memref_squeeze %dma_start3A_62 : memref<1x2560x128xi32, #tpu.memory_space<hbm>> -> memref<2560x128xi32, #tpu.memory_space<hbm>>
      %dma_start3A_64 = arith.constant 0 : i32
      %dma_start3A_65 = tpu.memref_slice %dma_start3A_63[%add3A_31, %dma_start3A_64] : memref<2560x128xi32, #tpu.memory_space<hbm>> -> memref<40x128xi32, #tpu.memory_space<hbm>>
      %dma_start3A_66 = arith.constant 0 : i32
      %dma_start3A_67 = arith.constant 0 : i32
      %dma_start3A_68 = tpu.memref_slice %arg3[%run_scoped3A_33, %dma_start3A_66, %dma_start3A_67] : memref<2x2560x128xi32, #tpu.memory_space<hbm>> -> memref<1x2560x128xi32, #tpu.memory_space<hbm>>
      %dma_start3A_69 = tpu.memref_squeeze %dma_start3A_68 : memref<1x2560x128xi32, #tpu.memory_space<hbm>> -> memref<2560x128xi32, #tpu.memory_space<hbm>>
      %dma_start3A_70 = arith.constant 0 : i32
      %dma_start3A_71 = tpu.memref_slice %dma_start3A_69[%add3A_31, %dma_start3A_70] : memref<2560x128xi32, #tpu.memory_space<hbm>> -> memref<40x128xi32, #tpu.memory_space<hbm>>
      tpu.enqueue_dma source(%dma_start3A_71 : memref<40x128xi32, #tpu.memory_space<hbm>>) target(%arg7 : memref<40x128xi32, #tpu.memory_space<vmem>>) target_semaphore(%run_scoped3A_59 : memref<!tpu.dma_semaphore, #tpu.memory_space<semaphore_mem>>)
      %dma_wait3A = arith.constant 0 : i32
      %dma_wait3A_72 = arith.constant 0 : i32
      %dma_wait3A_73 = tpu.memref_slice %arg3[%run_scoped3A_33, %dma_wait3A, %dma_wait3A_72] : memref<2x2560x128xi32, #tpu.memory_space<hbm>> -> memref<1x2560x128xi32, #tpu.memory_space<hbm>>
      %dma_wait3A_74 = tpu.memref_squeeze %dma_wait3A_73 : memref<1x2560x128xi32, #tpu.memory_space<hbm>> -> memref<2560x128xi32, #tpu.memory_space<hbm>>
      %dma_wait3A_75 = arith.constant 0 : i32
      %dma_wait3A_76 = tpu.memref_slice %dma_wait3A_74[%add3A_31, %dma_wait3A_75] : memref<2560x128xi32, #tpu.memory_space<hbm>> -> memref<40x128xi32, #tpu.memory_space<hbm>>
      %dma_wait3A_77 = arith.constant 0 : i32
      %dma_wait3A_78 = arith.constant 0 : i32
      %dma_wait3A_79 = tpu.memref_slice %arg3[%run_scoped3A_33, %dma_wait3A_77, %dma_wait3A_78] : memref<2x2560x128xi32, #tpu.memory_space<hbm>> -> memref<1x2560x128xi32, #tpu.memory_space<hbm>>
      %dma_wait3A_80 = tpu.memref_squeeze %dma_wait3A_79 : memref<1x2560x128xi32, #tpu.memory_space<hbm>> -> memref<2560x128xi32, #tpu.memory_space<hbm>>
      %dma_wait3A_81 = arith.constant 0 : i32
      %dma_wait3A_82 = tpu.memref_slice %dma_wait3A_80[%add3A_31, %dma_wait3A_81] : memref<2560x128xi32, #tpu.memory_space<hbm>> -> memref<40x128xi32, #tpu.memory_space<hbm>>
      tpu.wait_dma2 semaphore(%run_scoped3A_59 : memref<!tpu.dma_semaphore, #tpu.memory_space<semaphore_mem>>) src(%dma_wait3A_82 : memref<40x128xi32, #tpu.memory_space<hbm>>) dst(%arg7 : memref<40x128xi32, #tpu.memory_space<vmem>>)
      tpu.yield
    }) : () -> ()
    %dma_start3A_34 = arith.constant 0 : i32
    %dma_start3A_35 = arith.constant 0 : i32
    %dma_start3A_36 = tpu.memref_slice %arg6[%dma_start3A_34, %dma_start3A_35] : memref<40x128xi32, #tpu.memory_space<vmem>> -> memref<1x128xi32, #tpu.memory_space<vmem>>
    %dma_start3A_37 = tpu.memref_squeeze %dma_start3A_36 : memref<1x128xi32, #tpu.memory_space<vmem>> -> memref<128xi32, #tpu.memory_space<vmem>>
    %dma_start3A_38 = arith.constant 0 : i32
    %dma_start3A_39 = arith.constant 0 : i32
    %dma_start3A_40 = tpu.memref_slice %arg2[%dma_start3A_38, %dma_start3A_39] : memref<10000x128xf32, #tpu.memory_space<hbm>> -> memref<10000x128xf32, #tpu.memory_space<hbm>>
    tpu.enqueue_indirect_dma source(%dma_start3A_40 : memref<10000x128xf32, #tpu.memory_space<hbm>>) target(%arg8 : memref<128x128xf32, #tpu.memory_space<vmem>>) offsets(%dma_start3A_37 : memref<128xi32, #tpu.memory_space<vmem>>) semaphore(%arg11 : memref<!tpu.dma_semaphore, #tpu.memory_space<semaphore_mem>>)
    %dma_start3A_41 = arith.constant 1 : i32
    %dma_start3A_42 = arith.constant 0 : i32
    %dma_start3A_43 = tpu.memref_slice %arg6[%dma_start3A_41, %dma_start3A_42] : memref<40x128xi32, #tpu.memory_space<vmem>> -> memref<1x128xi32, #tpu.memory_space<vmem>>
    %dma_start3A_44 = tpu.memref_squeeze %dma_start3A_43 : memref<1x128xi32, #tpu.memory_space<vmem>> -> memref<128xi32, #tpu.memory_space<vmem>>
    %dma_start3A_45 = arith.constant 0 : i32
    %dma_start3A_46 = arith.constant 0 : i32
    %dma_start3A_47 = tpu.memref_slice %arg2[%dma_start3A_45, %dma_start3A_46] : memref<10000x128xf32, #tpu.memory_space<hbm>> -> memref<10000x128xf32, #tpu.memory_space<hbm>>
    tpu.enqueue_indirect_dma source(%dma_start3A_47 : memref<10000x128xf32, #tpu.memory_space<hbm>>) target(%arg9 : memref<128x128xf32, #tpu.memory_space<vmem>>) offsets(%dma_start3A_44 : memref<128xi32, #tpu.memory_space<vmem>>) semaphore(%arg12 : memref<!tpu.dma_semaphore, #tpu.memory_space<semaphore_mem>>)
    %scan3A_48 = arith.constant 0 : i32
    %scan3A_49 = arith.constant 0 : i32
    %scan3A_50 = arith.constant 20 : i32
    %scan3A_51 = arith.addi %scan3A_49, %scan3A_50 : i32
    %scan3A_52 = arith.constant 1 : i32
    scf.for %scan3A_59 = %scan3A_49 to %scan3A_51 step %scan3A_52  : i32 {
      %mul3A_60 = arith.constant 2 : i32
      %mul3A_61 = arith.muli %scan3A_59, %mul3A_60 : i32
      %dma_wait3A = arith.constant 0 : i32
      %dma_wait3A_62 = tpu.memref_slice %arg6[%mul3A_61, %dma_wait3A] : memref<40x128xi32, #tpu.memory_space<vmem>> -> memref<1x128xi32, #tpu.memory_space<vmem>>
      %dma_wait3A_63 = tpu.memref_squeeze %dma_wait3A_62 : memref<1x128xi32, #tpu.memory_space<vmem>> -> memref<128xi32, #tpu.memory_space<vmem>>
      %dma_wait3A_64 = arith.constant 0 : i32
      %dma_wait3A_65 = arith.constant 0 : i32
      %dma_wait3A_66 = tpu.memref_slice %arg2[%dma_wait3A_64, %dma_wait3A_65] : memref<10000x128xf32, #tpu.memory_space<hbm>> -> memref<10000x128xf32, #tpu.memory_space<hbm>>
      tpu.wait_indirect_dma semaphore(%arg11 : memref<!tpu.dma_semaphore, #tpu.memory_space<semaphore_mem>>) src(%dma_wait3A_66 : memref<10000x128xf32, #tpu.memory_space<hbm>>) dst(%arg8 : memref<128x128xf32, #tpu.memory_space<vmem>>)
      %dma_start3A_67 = arith.constant 0 : i32
      %dma_start3A_68 = tpu.memref_slice %arg7[%mul3A_61, %dma_start3A_67] : memref<40x128xi32, #tpu.memory_space<vmem>> -> memref<1x128xi32, #tpu.memory_space<vmem>>
      %dma_start3A_69 = tpu.memref_squeeze %dma_start3A_68 : memref<1x128xi32, #tpu.memory_space<vmem>> -> memref<128xi32, #tpu.memory_space<vmem>>
      %dma_start3A_70 = arith.constant 0 : i32
      %dma_start3A_71 = arith.constant 0 : i32
      %dma_start3A_72 = tpu.memref_slice %arg10[%dma_start3A_70, %dma_start3A_71] : memref<10112x128xf32, #tpu.memory_space<vmem_shared>> -> memref<10112x128xf32, #tpu.memory_space<vmem_shared>>
      tpu.enqueue_indirect_dma source(%arg8 : memref<128x128xf32, #tpu.memory_space<vmem>>) target(%dma_start3A_72 : memref<10112x128xf32, #tpu.memory_space<vmem_shared>>) offsets(%dma_start3A_69 : memref<128xi32, #tpu.memory_space<vmem>>) semaphore(%arg13 : memref<!tpu.dma_semaphore, #tpu.memory_space<semaphore_mem>>) {add = true}
      %add3A_73 = arith.constant 1 : i32
      %add3A_74 = arith.addi %mul3A_61, %add3A_73 : i32
      %dma_wait3A_75 = arith.constant 0 : i32
      %dma_wait3A_76 = tpu.memref_slice %arg6[%add3A_74, %dma_wait3A_75] : memref<40x128xi32, #tpu.memory_space<vmem>> -> memref<1x128xi32, #tpu.memory_space<vmem>>
      %dma_wait3A_77 = tpu.memref_squeeze %dma_wait3A_76 : memref<1x128xi32, #tpu.memory_space<vmem>> -> memref<128xi32, #tpu.memory_space<vmem>>
      %dma_wait3A_78 = arith.constant 0 : i32
      %dma_wait3A_79 = arith.constant 0 : i32
      %dma_wait3A_80 = tpu.memref_slice %arg2[%dma_wait3A_78, %dma_wait3A_79] : memref<10000x128xf32, #tpu.memory_space<hbm>> -> memref<10000x128xf32, #tpu.memory_space<hbm>>
      tpu.wait_indirect_dma semaphore(%arg12 : memref<!tpu.dma_semaphore, #tpu.memory_space<semaphore_mem>>) src(%dma_wait3A_80 : memref<10000x128xf32, #tpu.memory_space<hbm>>) dst(%arg9 : memref<128x128xf32, #tpu.memory_space<vmem>>)
      %add3A_81 = arith.constant 1 : i32
      %add3A_82 = arith.addi %mul3A_61, %add3A_81 : i32
      %dma_start3A_83 = arith.constant 0 : i32
      %dma_start3A_84 = tpu.memref_slice %arg7[%add3A_82, %dma_start3A_83] : memref<40x128xi32, #tpu.memory_space<vmem>> -> memref<1x128xi32, #tpu.memory_space<vmem>>
      %dma_start3A_85 = tpu.memref_squeeze %dma_start3A_84 : memref<1x128xi32, #tpu.memory_space<vmem>> -> memref<128xi32, #tpu.memory_space<vmem>>
      %dma_start3A_86 = arith.constant 0 : i32
      %dma_start3A_87 = arith.constant 0 : i32
      %dma_start3A_88 = tpu.memref_slice %arg10[%dma_start3A_86, %dma_start3A_87] : memref<10112x128xf32, #tpu.memory_space<vmem_shared>> -> memref<10112x128xf32, #tpu.memory_space<vmem_shared>>
      tpu.enqueue_indirect_dma source(%arg9 : memref<128x128xf32, #tpu.memory_space<vmem>>) target(%dma_start3A_88 : memref<10112x128xf32, #tpu.memory_space<vmem_shared>>) offsets(%dma_start3A_85 : memref<128xi32, #tpu.memory_space<vmem>>) semaphore(%arg14 : memref<!tpu.dma_semaphore, #tpu.memory_space<semaphore_mem>>) {add = true}
      %dma_wait3A_89 = arith.constant 0 : i32
      %dma_wait3A_90 = tpu.memref_slice %arg7[%mul3A_61, %dma_wait3A_89] : memref<40x128xi32, #tpu.memory_space<vmem>> -> memref<1x128xi32, #tpu.memory_space<vmem>>
      %dma_wait3A_91 = tpu.memref_squeeze %dma_wait3A_90 : memref<1x128xi32, #tpu.memory_space<vmem>> -> memref<128xi32, #tpu.memory_space<vmem>>
      %dma_wait3A_92 = arith.constant 0 : i32
      %dma_wait3A_93 = arith.constant 0 : i32
      %dma_wait3A_94 = tpu.memref_slice %arg10[%dma_wait3A_92, %dma_wait3A_93] : memref<10112x128xf32, #tpu.memory_space<vmem_shared>> -> memref<10112x128xf32, #tpu.memory_space<vmem_shared>>
      tpu.wait_indirect_dma semaphore(%arg13 : memref<!tpu.dma_semaphore, #tpu.memory_space<semaphore_mem>>) src(%arg8 : memref<128x128xf32, #tpu.memory_space<vmem>>) dst(%dma_wait3A_94 : memref<10112x128xf32, #tpu.memory_space<vmem_shared>>)
      %add3A_95 = arith.constant 2 : i32
      %add3A_96 = arith.addi %mul3A_61, %add3A_95 : i32
      %lt3A = arith.constant 40 : i32
      %lt3A_97 = arith.cmpi slt, %add3A_96, %lt3A : i32
      %convert_element_type3A = arith.extui %lt3A_97 : i1 to i32
      %cond3A = arith.constant 0 : i32
      %cond3A_98 = arith.cmpi ne, %convert_element_type3A, %cond3A : i32
      scf.if %cond3A_98 {
        %add3A_114 = arith.constant 2 : i32
        %add3A_115 = arith.addi %mul3A_61, %add3A_114 : i32
        %dma_start3A_116 = arith.constant 0 : i32
        %dma_start3A_117 = tpu.memref_slice %arg6[%add3A_115, %dma_start3A_116] : memref<40x128xi32, #tpu.memory_space<vmem>> -> memref<1x128xi32, #tpu.memory_space<vmem>>
        %dma_start3A_118 = tpu.memref_squeeze %dma_start3A_117 : memref<1x128xi32, #tpu.memory_space<vmem>> -> memref<128xi32, #tpu.memory_space<vmem>>
        %dma_start3A_119 = arith.constant 0 : i32
        %dma_start3A_120 = arith.constant 0 : i32
        %dma_start3A_121 = tpu.memref_slice %arg2[%dma_start3A_119, %dma_start3A_120] : memref<10000x128xf32, #tpu.memory_space<hbm>> -> memref<10000x128xf32, #tpu.memory_space<hbm>>
        tpu.enqueue_indirect_dma source(%dma_start3A_121 : memref<10000x128xf32, #tpu.memory_space<hbm>>) target(%arg8 : memref<128x128xf32, #tpu.memory_space<vmem>>) offsets(%dma_start3A_118 : memref<128xi32, #tpu.memory_space<vmem>>) semaphore(%arg11 : memref<!tpu.dma_semaphore, #tpu.memory_space<semaphore_mem>>)
      } else {
      }
      %add3A_99 = arith.constant 1 : i32
      %add3A_100 = arith.addi %mul3A_61, %add3A_99 : i32
      %dma_wait3A_101 = arith.constant 0 : i32
      %dma_wait3A_102 = tpu.memref_slice %arg7[%add3A_100, %dma_wait3A_101] : memref<40x128xi32, #tpu.memory_space<vmem>> -> memref<1x128xi32, #tpu.memory_space<vmem>>
      %dma_wait3A_103 = tpu.memref_squeeze %dma_wait3A_102 : memref<1x128xi32, #tpu.memory_space<vmem>> -> memref<128xi32, #tpu.memory_space<vmem>>
      %dma_wait3A_104 = arith.constant 0 : i32
      %dma_wait3A_105 = arith.constant 0 : i32
      %dma_wait3A_106 = tpu.memref_slice %arg10[%dma_wait3A_104, %dma_wait3A_105] : memref<10112x128xf32, #tpu.memory_space<vmem_shared>> -> memref<10112x128xf32, #tpu.memory_space<vmem_shared>>
      tpu.wait_indirect_dma semaphore(%arg14 : memref<!tpu.dma_semaphore, #tpu.memory_space<semaphore_mem>>) src(%arg9 : memref<128x128xf32, #tpu.memory_space<vmem>>) dst(%dma_wait3A_106 : memref<10112x128xf32, #tpu.memory_space<vmem_shared>>)
      %add3A_107 = arith.constant 3 : i32
      %add3A_108 = arith.addi %mul3A_61, %add3A_107 : i32
      %lt3A_109 = arith.constant 40 : i32
      %lt3A_110 = arith.cmpi slt, %add3A_108, %lt3A_109 : i32
      %convert_element_type3A_111 = arith.extui %lt3A_110 : i1 to i32
      %cond3A_112 = arith.constant 0 : i32
      %cond3A_113 = arith.cmpi ne, %convert_element_type3A_111, %cond3A_112 : i32
      scf.if %cond3A_113 {
        %add3A_114 = arith.constant 3 : i32
        %add3A_115 = arith.addi %mul3A_61, %add3A_114 : i32
        %dma_start3A_116 = arith.constant 0 : i32
        %dma_start3A_117 = tpu.memref_slice %arg6[%add3A_115, %dma_start3A_116] : memref<40x128xi32, #tpu.memory_space<vmem>> -> memref<1x128xi32, #tpu.memory_space<vmem>>
        %dma_start3A_118 = tpu.memref_squeeze %dma_start3A_117 : memref<1x128xi32, #tpu.memory_space<vmem>> -> memref<128xi32, #tpu.memory_space<vmem>>
        %dma_start3A_119 = arith.constant 0 : i32
        %dma_start3A_120 = arith.constant 0 : i32
        %dma_start3A_121 = tpu.memref_slice %arg2[%dma_start3A_119, %dma_start3A_120] : memref<10000x128xf32, #tpu.memory_space<hbm>> -> memref<10000x128xf32, #tpu.memory_space<hbm>>
        tpu.enqueue_indirect_dma source(%dma_start3A_121 : memref<10000x128xf32, #tpu.memory_space<hbm>>) target(%arg9 : memref<128x128xf32, #tpu.memory_space<vmem>>) offsets(%dma_start3A_118 : memref<128xi32, #tpu.memory_space<vmem>>) semaphore(%arg12 : memref<!tpu.dma_semaphore, #tpu.memory_space<semaphore_mem>>)
      } else {
      }
    }
    %scan3A_53 = arith.constant 20 : i32
    %barrier3A_54 = arith.constant 0 : index
    tpu.barrier barrier_id(%barrier3A_54)
    %mul3A_55 = arith.constant 632 : i32
    %mul3A_56 = arith.muli %arg1, %mul3A_55 : i32
    %mul3A_57 = arith.constant 632 : i32
    %mul3A_58 = arith.muli %arg1, %mul3A_57 : i32
    "tpu.region"() ({
      %run_scoped3A_59 = tpu.sem_alloc : memref<!tpu.dma_semaphore, #tpu.memory_space<semaphore_mem>>
      %dma_start3A_60 = arith.constant 0 : i32
      %dma_start3A_61 = arith.constant 0 : i32
      %dma_start3A_62 = tpu.memref_slice %arg5[%arg0, %dma_start3A_60, %dma_start3A_61] : memref<2x10112x128xf32, #tpu.memory_space<hbm>> -> memref<1x10112x128xf32, #tpu.memory_space<hbm>>
      %dma_start3A_63 = tpu.memref_squeeze %dma_start3A_62 : memref<1x10112x128xf32, #tpu.memory_space<hbm>> -> memref<10112x128xf32, #tpu.memory_space<hbm>>
      %dma_start3A_64 = arith.constant 0 : i32
      %dma_start3A_65 = tpu.memref_slice %dma_start3A_63[%mul3A_58, %dma_start3A_64] : memref<10112x128xf32, #tpu.memory_space<hbm>> -> memref<632x128xf32, #tpu.memory_space<hbm>>
      %dma_start3A_66 = arith.constant 0 : i32
      %dma_start3A_67 = tpu.memref_slice %arg10[%mul3A_56, %dma_start3A_66] : memref<10112x128xf32, #tpu.memory_space<vmem_shared>> -> memref<632x128xf32, #tpu.memory_space<vmem_shared>>
      tpu.enqueue_dma source(%dma_start3A_67 : memref<632x128xf32, #tpu.memory_space<vmem_shared>>) target(%dma_start3A_65 : memref<632x128xf32, #tpu.memory_space<hbm>>) target_semaphore(%run_scoped3A_59 : memref<!tpu.dma_semaphore, #tpu.memory_space<semaphore_mem>>)
      %dma_wait3A = arith.constant 0 : i32
      %dma_wait3A_68 = arith.constant 0 : i32
      %dma_wait3A_69 = tpu.memref_slice %arg5[%arg0, %dma_wait3A, %dma_wait3A_68] : memref<2x10112x128xf32, #tpu.memory_space<hbm>> -> memref<1x10112x128xf32, #tpu.memory_space<hbm>>
      %dma_wait3A_70 = tpu.memref_squeeze %dma_wait3A_69 : memref<1x10112x128xf32, #tpu.memory_space<hbm>> -> memref<10112x128xf32, #tpu.memory_space<hbm>>
      %dma_wait3A_71 = arith.constant 0 : i32
      %dma_wait3A_72 = tpu.memref_slice %dma_wait3A_70[%mul3A_58, %dma_wait3A_71] : memref<10112x128xf32, #tpu.memory_space<hbm>> -> memref<632x128xf32, #tpu.memory_space<hbm>>
      %dma_wait3A_73 = arith.constant 0 : i32
      %dma_wait3A_74 = tpu.memref_slice %arg10[%mul3A_56, %dma_wait3A_73] : memref<10112x128xf32, #tpu.memory_space<vmem_shared>> -> memref<632x128xf32, #tpu.memory_space<vmem_shared>>
      tpu.wait_dma2 semaphore(%run_scoped3A_59 : memref<!tpu.dma_semaphore, #tpu.memory_space<semaphore_mem>>) src(%dma_wait3A_74 : memref<632x128xf32, #tpu.memory_space<vmem_shared>>) dst(%dma_wait3A_72 : memref<632x128xf32, #tpu.memory_space<hbm>>)
      tpu.yield
    }) : () -> ()
    return
  }
}

#map = affine_map<(d0, d1) -> (0, 0)>
#map1 = affine_map<(d0, d1) -> (0, 0, 0)>
module attributes {stable_mosaic.version = 14 : i64} {
  func.func @_sc_aggregate(%arg0: i32, %arg1: i32, %arg2: memref<10000x128xf32, #tpu.memory_space<hbm>>, %arg3: memref<2x2560x128xi32, #tpu.memory_space<hbm>>, %arg4: memref<10112x128xf32, #tpu.memory_space<hbm>>, %arg5: memref<2x10112x128xf32, #tpu.memory_space<hbm>>, %arg6: memref<40x128xi32, #tpu.memory_space<vmem>>, %arg7: memref<40x128xi32, #tpu.memory_space<vmem>>, %arg8: memref<128x128xf32, #tpu.memory_space<vmem>>, %arg9: memref<128x128xf32, #tpu.memory_space<vmem>>, %arg10: memref<10112x128xf32, #tpu.memory_space<vmem_shared>>, %arg11: memref<!tpu.dma_semaphore, #tpu.memory_space<semaphore_mem>>, %arg12: memref<!tpu.dma_semaphore, #tpu.memory_space<semaphore_mem>>, %arg13: memref<!tpu.dma_semaphore, #tpu.memory_space<semaphore_mem>>, %arg14: memref<!tpu.dma_semaphore, #tpu.memory_space<semaphore_mem>>) attributes {dimension_semantics = [#tpu.dimension_semantics<core_parallel>, #tpu.dimension_semantics<subcore_parallel>], iteration_bounds = array<i64: 2, 16>, scalar_prefetch = 0 : i64, scratch_operands = 9 : i64, tpu.core_type = #tpu.core_type<sc_vector_subcore>, window_params = [{transform_indices = #map}, {transform_indices = #map1}, {transform_indices = #map}, {transform_indices = #map1}]} {
    %mul3A = arith.constant 16 : i32
    %mul3A_0 = arith.muli %arg0, %mul3A : i32
    %add3A = arith.addi %mul3A_0, %arg1 : i32
    %mul3A_1 = arith.constant 632 : i32
    %mul3A_2 = arith.muli %arg1, %mul3A_1 : i32
    %mul3A_3 = arith.constant 632 : i32
    %mul3A_4 = arith.muli %arg1, %mul3A_3 : i32
    "tpu.region"() ({
      %run_scoped3A_59 = tpu.sem_alloc : memref<!tpu.dma_semaphore, #tpu.memory_space<semaphore_mem>>
      %dma_start3A_60 = arith.constant 0 : i32
      %dma_start3A_61 = tpu.memref_slice %arg10[%mul3A_4, %dma_start3A_60] : memref<10112x128xf32, #tpu.memory_space<vmem_shared>> -> memref<632x128xf32, #tpu.memory_space<vmem_shared>>
      %dma_start3A_62 = arith.constant 0 : i32
      %dma_start3A_63 = tpu.memref_slice %arg4[%mul3A_2, %dma_start3A_62] : memref<10112x128xf32, #tpu.memory_space<hbm>> -> memref<632x128xf32, #tpu.memory_space<hbm>>
      tpu.enqueue_dma source(%dma_start3A_63 : memref<632x128xf32, #tpu.memory_space<hbm>>) target(%dma_start3A_61 : memref<632x128xf32, #tpu.memory_space<vmem_shared>>) target_semaphore(%run_scoped3A_59 : memref<!tpu.dma_semaphore, #tpu.memory_space<semaphore_mem>>)
      %dma_wait3A = arith.constant 0 : i32
      %dma_wait3A_64 = tpu.memref_slice %arg10[%mul3A_4, %dma_wait3A] : memref<10112x128xf32, #tpu.memory_space<vmem_shared>> -> memref<632x128xf32, #tpu.memory_space<vmem_shared>>
      %dma_wait3A_65 = arith.constant 0 : i32
      %dma_wait3A_66 = tpu.memref_slice %arg4[%mul3A_2, %dma_wait3A_65] : memref<10112x128xf32, #tpu.memory_space<hbm>> -> memref<632x128xf32, #tpu.memory_space<hbm>>
      tpu.wait_dma2 semaphore(%run_scoped3A_59 : memref<!tpu.dma_semaphore, #tpu.memory_space<semaphore_mem>>) src(%dma_wait3A_66 : memref<632x128xf32, #tpu.memory_space<hbm>>) dst(%dma_wait3A_64 : memref<632x128xf32, #tpu.memory_space<vmem_shared>>)
      tpu.yield
    }) : () -> ()
    %barrier3A = arith.constant 0 : index
    tpu.barrier barrier_id(%barrier3A)
    %mul3A_5 = arith.constant 80 : i32
    %mul3A_6 = arith.muli %add3A, %mul3A_5 : i32
    %add3A_7 = arith.constant 0 : i32
    %add3A_8 = arith.addi %mul3A_6, %add3A_7 : i32
    %run_scoped3A = arith.constant 0 : i32
    "tpu.region"() ({
      %run_scoped3A_59 = tpu.sem_alloc : memref<!tpu.dma_semaphore, #tpu.memory_space<semaphore_mem>>
      %dma_start3A_60 = arith.constant 0 : i32
      %dma_start3A_61 = arith.constant 0 : i32
      %dma_start3A_62 = tpu.memref_slice %arg3[%run_scoped3A, %dma_start3A_60, %dma_start3A_61] : memref<2x2560x128xi32, #tpu.memory_space<hbm>> -> memref<1x2560x128xi32, #tpu.memory_space<hbm>>
      %dma_start3A_63 = tpu.memref_squeeze %dma_start3A_62 : memref<1x2560x128xi32, #tpu.memory_space<hbm>> -> memref<2560x128xi32, #tpu.memory_space<hbm>>
      %dma_start3A_64 = arith.constant 0 : i32
      %dma_start3A_65 = tpu.memref_slice %dma_start3A_63[%add3A_8, %dma_start3A_64] : memref<2560x128xi32, #tpu.memory_space<hbm>> -> memref<40x128xi32, #tpu.memory_space<hbm>>
      %dma_start3A_66 = arith.constant 0 : i32
      %dma_start3A_67 = arith.constant 0 : i32
      %dma_start3A_68 = tpu.memref_slice %arg3[%run_scoped3A, %dma_start3A_66, %dma_start3A_67] : memref<2x2560x128xi32, #tpu.memory_space<hbm>> -> memref<1x2560x128xi32, #tpu.memory_space<hbm>>
      %dma_start3A_69 = tpu.memref_squeeze %dma_start3A_68 : memref<1x2560x128xi32, #tpu.memory_space<hbm>> -> memref<2560x128xi32, #tpu.memory_space<hbm>>
      %dma_start3A_70 = arith.constant 0 : i32
      %dma_start3A_71 = tpu.memref_slice %dma_start3A_69[%add3A_8, %dma_start3A_70] : memref<2560x128xi32, #tpu.memory_space<hbm>> -> memref<40x128xi32, #tpu.memory_space<hbm>>
      tpu.enqueue_dma source(%dma_start3A_71 : memref<40x128xi32, #tpu.memory_space<hbm>>) target(%arg6 : memref<40x128xi32, #tpu.memory_space<vmem>>) target_semaphore(%run_scoped3A_59 : memref<!tpu.dma_semaphore, #tpu.memory_space<semaphore_mem>>)
      %dma_wait3A = arith.constant 0 : i32
      %dma_wait3A_72 = arith.constant 0 : i32
      %dma_wait3A_73 = tpu.memref_slice %arg3[%run_scoped3A, %dma_wait3A, %dma_wait3A_72] : memref<2x2560x128xi32, #tpu.memory_space<hbm>> -> memref<1x2560x128xi32, #tpu.memory_space<hbm>>
      %dma_wait3A_74 = tpu.memref_squeeze %dma_wait3A_73 : memref<1x2560x128xi32, #tpu.memory_space<hbm>> -> memref<2560x128xi32, #tpu.memory_space<hbm>>
      %dma_wait3A_75 = arith.constant 0 : i32
      %dma_wait3A_76 = tpu.memref_slice %dma_wait3A_74[%add3A_8, %dma_wait3A_75] : memref<2560x128xi32, #tpu.memory_space<hbm>> -> memref<40x128xi32, #tpu.memory_space<hbm>>
      %dma_wait3A_77 = arith.constant 0 : i32
      %dma_wait3A_78 = arith.constant 0 : i32
      %dma_wait3A_79 = tpu.memref_slice %arg3[%run_scoped3A, %dma_wait3A_77, %dma_wait3A_78] : memref<2x2560x128xi32, #tpu.memory_space<hbm>> -> memref<1x2560x128xi32, #tpu.memory_space<hbm>>
      %dma_wait3A_80 = tpu.memref_squeeze %dma_wait3A_79 : memref<1x2560x128xi32, #tpu.memory_space<hbm>> -> memref<2560x128xi32, #tpu.memory_space<hbm>>
      %dma_wait3A_81 = arith.constant 0 : i32
      %dma_wait3A_82 = tpu.memref_slice %dma_wait3A_80[%add3A_8, %dma_wait3A_81] : memref<2560x128xi32, #tpu.memory_space<hbm>> -> memref<40x128xi32, #tpu.memory_space<hbm>>
      tpu.wait_dma2 semaphore(%run_scoped3A_59 : memref<!tpu.dma_semaphore, #tpu.memory_space<semaphore_mem>>) src(%dma_wait3A_82 : memref<40x128xi32, #tpu.memory_space<hbm>>) dst(%arg6 : memref<40x128xi32, #tpu.memory_space<vmem>>)
      tpu.yield
    }) : () -> ()
    %run_scoped3A_9 = arith.constant 1 : i32
    "tpu.region"() ({
      %run_scoped3A_59 = tpu.sem_alloc : memref<!tpu.dma_semaphore, #tpu.memory_space<semaphore_mem>>
      %dma_start3A_60 = arith.constant 0 : i32
      %dma_start3A_61 = arith.constant 0 : i32
      %dma_start3A_62 = tpu.memref_slice %arg3[%run_scoped3A_9, %dma_start3A_60, %dma_start3A_61] : memref<2x2560x128xi32, #tpu.memory_space<hbm>> -> memref<1x2560x128xi32, #tpu.memory_space<hbm>>
      %dma_start3A_63 = tpu.memref_squeeze %dma_start3A_62 : memref<1x2560x128xi32, #tpu.memory_space<hbm>> -> memref<2560x128xi32, #tpu.memory_space<hbm>>
      %dma_start3A_64 = arith.constant 0 : i32
      %dma_start3A_65 = tpu.memref_slice %dma_start3A_63[%add3A_8, %dma_start3A_64] : memref<2560x128xi32, #tpu.memory_space<hbm>> -> memref<40x128xi32, #tpu.memory_space<hbm>>
      %dma_start3A_66 = arith.constant 0 : i32
      %dma_start3A_67 = arith.constant 0 : i32
      %dma_start3A_68 = tpu.memref_slice %arg3[%run_scoped3A_9, %dma_start3A_66, %dma_start3A_67] : memref<2x2560x128xi32, #tpu.memory_space<hbm>> -> memref<1x2560x128xi32, #tpu.memory_space<hbm>>
      %dma_start3A_69 = tpu.memref_squeeze %dma_start3A_68 : memref<1x2560x128xi32, #tpu.memory_space<hbm>> -> memref<2560x128xi32, #tpu.memory_space<hbm>>
      %dma_start3A_70 = arith.constant 0 : i32
      %dma_start3A_71 = tpu.memref_slice %dma_start3A_69[%add3A_8, %dma_start3A_70] : memref<2560x128xi32, #tpu.memory_space<hbm>> -> memref<40x128xi32, #tpu.memory_space<hbm>>
      tpu.enqueue_dma source(%dma_start3A_71 : memref<40x128xi32, #tpu.memory_space<hbm>>) target(%arg7 : memref<40x128xi32, #tpu.memory_space<vmem>>) target_semaphore(%run_scoped3A_59 : memref<!tpu.dma_semaphore, #tpu.memory_space<semaphore_mem>>)
      %dma_wait3A = arith.constant 0 : i32
      %dma_wait3A_72 = arith.constant 0 : i32
      %dma_wait3A_73 = tpu.memref_slice %arg3[%run_scoped3A_9, %dma_wait3A, %dma_wait3A_72] : memref<2x2560x128xi32, #tpu.memory_space<hbm>> -> memref<1x2560x128xi32, #tpu.memory_space<hbm>>
      %dma_wait3A_74 = tpu.memref_squeeze %dma_wait3A_73 : memref<1x2560x128xi32, #tpu.memory_space<hbm>> -> memref<2560x128xi32, #tpu.memory_space<hbm>>
      %dma_wait3A_75 = arith.constant 0 : i32
      %dma_wait3A_76 = tpu.memref_slice %dma_wait3A_74[%add3A_8, %dma_wait3A_75] : memref<2560x128xi32, #tpu.memory_space<hbm>> -> memref<40x128xi32, #tpu.memory_space<hbm>>
      %dma_wait3A_77 = arith.constant 0 : i32
      %dma_wait3A_78 = arith.constant 0 : i32
      %dma_wait3A_79 = tpu.memref_slice %arg3[%run_scoped3A_9, %dma_wait3A_77, %dma_wait3A_78] : memref<2x2560x128xi32, #tpu.memory_space<hbm>> -> memref<1x2560x128xi32, #tpu.memory_space<hbm>>
      %dma_wait3A_80 = tpu.memref_squeeze %dma_wait3A_79 : memref<1x2560x128xi32, #tpu.memory_space<hbm>> -> memref<2560x128xi32, #tpu.memory_space<hbm>>
      %dma_wait3A_81 = arith.constant 0 : i32
      %dma_wait3A_82 = tpu.memref_slice %dma_wait3A_80[%add3A_8, %dma_wait3A_81] : memref<2560x128xi32, #tpu.memory_space<hbm>> -> memref<40x128xi32, #tpu.memory_space<hbm>>
      tpu.wait_dma2 semaphore(%run_scoped3A_59 : memref<!tpu.dma_semaphore, #tpu.memory_space<semaphore_mem>>) src(%dma_wait3A_82 : memref<40x128xi32, #tpu.memory_space<hbm>>) dst(%arg7 : memref<40x128xi32, #tpu.memory_space<vmem>>)
      tpu.yield
    }) : () -> ()
    %dma_start3A = arith.constant 0 : i32
    %dma_start3A_10 = arith.constant 0 : i32
    %dma_start3A_11 = tpu.memref_slice %arg6[%dma_start3A, %dma_start3A_10] : memref<40x128xi32, #tpu.memory_space<vmem>> -> memref<1x128xi32, #tpu.memory_space<vmem>>
    %dma_start3A_12 = tpu.memref_squeeze %dma_start3A_11 : memref<1x128xi32, #tpu.memory_space<vmem>> -> memref<128xi32, #tpu.memory_space<vmem>>
    %dma_start3A_13 = arith.constant 0 : i32
    %dma_start3A_14 = arith.constant 0 : i32
    %dma_start3A_15 = tpu.memref_slice %arg2[%dma_start3A_13, %dma_start3A_14] : memref<10000x128xf32, #tpu.memory_space<hbm>> -> memref<10000x128xf32, #tpu.memory_space<hbm>>
    tpu.enqueue_indirect_dma source(%dma_start3A_15 : memref<10000x128xf32, #tpu.memory_space<hbm>>) target(%arg8 : memref<128x128xf32, #tpu.memory_space<vmem>>) offsets(%dma_start3A_12 : memref<128xi32, #tpu.memory_space<vmem>>) semaphore(%arg11 : memref<!tpu.dma_semaphore, #tpu.memory_space<semaphore_mem>>)
    %dma_start3A_16 = arith.constant 1 : i32
    %dma_start3A_17 = arith.constant 0 : i32
    %dma_start3A_18 = tpu.memref_slice %arg6[%dma_start3A_16, %dma_start3A_17] : memref<40x128xi32, #tpu.memory_space<vmem>> -> memref<1x128xi32, #tpu.memory_space<vmem>>
    %dma_start3A_19 = tpu.memref_squeeze %dma_start3A_18 : memref<1x128xi32, #tpu.memory_space<vmem>> -> memref<128xi32, #tpu.memory_space<vmem>>
    %dma_start3A_20 = arith.constant 0 : i32
    %dma_start3A_21 = arith.constant 0 : i32
    %dma_start3A_22 = tpu.memref_slice %arg2[%dma_start3A_20, %dma_start3A_21] : memref<10000x128xf32, #tpu.memory_space<hbm>> -> memref<10000x128xf32, #tpu.memory_space<hbm>>
    tpu.enqueue_indirect_dma source(%dma_start3A_22 : memref<10000x128xf32, #tpu.memory_space<hbm>>) target(%arg9 : memref<128x128xf32, #tpu.memory_space<vmem>>) offsets(%dma_start3A_19 : memref<128xi32, #tpu.memory_space<vmem>>) semaphore(%arg12 : memref<!tpu.dma_semaphore, #tpu.memory_space<semaphore_mem>>)
    %scan3A = arith.constant 0 : i32
    %scan3A_23 = arith.constant 0 : i32
    %scan3A_24 = arith.constant 20 : i32
    %scan3A_25 = arith.addi %scan3A_23, %scan3A_24 : i32
    %scan3A_26 = arith.constant 1 : i32
    scf.for %scan3A_59 = %scan3A_23 to %scan3A_25 step %scan3A_26  : i32 {
      %mul3A_60 = arith.constant 2 : i32
      %mul3A_61 = arith.muli %scan3A_59, %mul3A_60 : i32
      %dma_wait3A = arith.constant 0 : i32
      %dma_wait3A_62 = tpu.memref_slice %arg6[%mul3A_61, %dma_wait3A] : memref<40x128xi32, #tpu.memory_space<vmem>> -> memref<1x128xi32, #tpu.memory_space<vmem>>
      %dma_wait3A_63 = tpu.memref_squeeze %dma_wait3A_62 : memref<1x128xi32, #tpu.memory_space<vmem>> -> memref<128xi32, #tpu.memory_space<vmem>>
      %dma_wait3A_64 = arith.constant 0 : i32
      %dma_wait3A_65 = arith.constant 0 : i32
      %dma_wait3A_66 = tpu.memref_slice %arg2[%dma_wait3A_64, %dma_wait3A_65] : memref<10000x128xf32, #tpu.memory_space<hbm>> -> memref<10000x128xf32, #tpu.memory_space<hbm>>
      tpu.wait_indirect_dma semaphore(%arg11 : memref<!tpu.dma_semaphore, #tpu.memory_space<semaphore_mem>>) src(%dma_wait3A_66 : memref<10000x128xf32, #tpu.memory_space<hbm>>) dst(%arg8 : memref<128x128xf32, #tpu.memory_space<vmem>>)
      %dma_start3A_67 = arith.constant 0 : i32
      %dma_start3A_68 = tpu.memref_slice %arg7[%mul3A_61, %dma_start3A_67] : memref<40x128xi32, #tpu.memory_space<vmem>> -> memref<1x128xi32, #tpu.memory_space<vmem>>
      %dma_start3A_69 = tpu.memref_squeeze %dma_start3A_68 : memref<1x128xi32, #tpu.memory_space<vmem>> -> memref<128xi32, #tpu.memory_space<vmem>>
      %dma_start3A_70 = arith.constant 0 : i32
      %dma_start3A_71 = arith.constant 0 : i32
      %dma_start3A_72 = tpu.memref_slice %arg10[%dma_start3A_70, %dma_start3A_71] : memref<10112x128xf32, #tpu.memory_space<vmem_shared>> -> memref<10112x128xf32, #tpu.memory_space<vmem_shared>>
      tpu.enqueue_indirect_dma source(%arg8 : memref<128x128xf32, #tpu.memory_space<vmem>>) target(%dma_start3A_72 : memref<10112x128xf32, #tpu.memory_space<vmem_shared>>) offsets(%dma_start3A_69 : memref<128xi32, #tpu.memory_space<vmem>>) semaphore(%arg13 : memref<!tpu.dma_semaphore, #tpu.memory_space<semaphore_mem>>) {add = true}
      %add3A_73 = arith.constant 1 : i32
      %add3A_74 = arith.addi %mul3A_61, %add3A_73 : i32
      %dma_wait3A_75 = arith.constant 0 : i32
      %dma_wait3A_76 = tpu.memref_slice %arg6[%add3A_74, %dma_wait3A_75] : memref<40x128xi32, #tpu.memory_space<vmem>> -> memref<1x128xi32, #tpu.memory_space<vmem>>
      %dma_wait3A_77 = tpu.memref_squeeze %dma_wait3A_76 : memref<1x128xi32, #tpu.memory_space<vmem>> -> memref<128xi32, #tpu.memory_space<vmem>>
      %dma_wait3A_78 = arith.constant 0 : i32
      %dma_wait3A_79 = arith.constant 0 : i32
      %dma_wait3A_80 = tpu.memref_slice %arg2[%dma_wait3A_78, %dma_wait3A_79] : memref<10000x128xf32, #tpu.memory_space<hbm>> -> memref<10000x128xf32, #tpu.memory_space<hbm>>
      tpu.wait_indirect_dma semaphore(%arg12 : memref<!tpu.dma_semaphore, #tpu.memory_space<semaphore_mem>>) src(%dma_wait3A_80 : memref<10000x128xf32, #tpu.memory_space<hbm>>) dst(%arg9 : memref<128x128xf32, #tpu.memory_space<vmem>>)
      %add3A_81 = arith.constant 1 : i32
      %add3A_82 = arith.addi %mul3A_61, %add3A_81 : i32
      %dma_start3A_83 = arith.constant 0 : i32
      %dma_start3A_84 = tpu.memref_slice %arg7[%add3A_82, %dma_start3A_83] : memref<40x128xi32, #tpu.memory_space<vmem>> -> memref<1x128xi32, #tpu.memory_space<vmem>>
      %dma_start3A_85 = tpu.memref_squeeze %dma_start3A_84 : memref<1x128xi32, #tpu.memory_space<vmem>> -> memref<128xi32, #tpu.memory_space<vmem>>
      %dma_start3A_86 = arith.constant 0 : i32
      %dma_start3A_87 = arith.constant 0 : i32
      %dma_start3A_88 = tpu.memref_slice %arg10[%dma_start3A_86, %dma_start3A_87] : memref<10112x128xf32, #tpu.memory_space<vmem_shared>> -> memref<10112x128xf32, #tpu.memory_space<vmem_shared>>
      tpu.enqueue_indirect_dma source(%arg9 : memref<128x128xf32, #tpu.memory_space<vmem>>) target(%dma_start3A_88 : memref<10112x128xf32, #tpu.memory_space<vmem_shared>>) offsets(%dma_start3A_85 : memref<128xi32, #tpu.memory_space<vmem>>) semaphore(%arg14 : memref<!tpu.dma_semaphore, #tpu.memory_space<semaphore_mem>>) {add = true}
      %dma_wait3A_89 = arith.constant 0 : i32
      %dma_wait3A_90 = tpu.memref_slice %arg7[%mul3A_61, %dma_wait3A_89] : memref<40x128xi32, #tpu.memory_space<vmem>> -> memref<1x128xi32, #tpu.memory_space<vmem>>
      %dma_wait3A_91 = tpu.memref_squeeze %dma_wait3A_90 : memref<1x128xi32, #tpu.memory_space<vmem>> -> memref<128xi32, #tpu.memory_space<vmem>>
      %dma_wait3A_92 = arith.constant 0 : i32
      %dma_wait3A_93 = arith.constant 0 : i32
      %dma_wait3A_94 = tpu.memref_slice %arg10[%dma_wait3A_92, %dma_wait3A_93] : memref<10112x128xf32, #tpu.memory_space<vmem_shared>> -> memref<10112x128xf32, #tpu.memory_space<vmem_shared>>
      tpu.wait_indirect_dma semaphore(%arg13 : memref<!tpu.dma_semaphore, #tpu.memory_space<semaphore_mem>>) src(%arg8 : memref<128x128xf32, #tpu.memory_space<vmem>>) dst(%dma_wait3A_94 : memref<10112x128xf32, #tpu.memory_space<vmem_shared>>)
      %add3A_95 = arith.constant 2 : i32
      %add3A_96 = arith.addi %mul3A_61, %add3A_95 : i32
      %lt3A = arith.constant 40 : i32
      %lt3A_97 = arith.cmpi slt, %add3A_96, %lt3A : i32
      %convert_element_type3A = arith.extui %lt3A_97 : i1 to i32
      %cond3A = arith.constant 0 : i32
      %cond3A_98 = arith.cmpi ne, %convert_element_type3A, %cond3A : i32
      scf.if %cond3A_98 {
        %add3A_114 = arith.constant 2 : i32
        %add3A_115 = arith.addi %mul3A_61, %add3A_114 : i32
        %dma_start3A_116 = arith.constant 0 : i32
        %dma_start3A_117 = tpu.memref_slice %arg6[%add3A_115, %dma_start3A_116] : memref<40x128xi32, #tpu.memory_space<vmem>> -> memref<1x128xi32, #tpu.memory_space<vmem>>
        %dma_start3A_118 = tpu.memref_squeeze %dma_start3A_117 : memref<1x128xi32, #tpu.memory_space<vmem>> -> memref<128xi32, #tpu.memory_space<vmem>>
        %dma_start3A_119 = arith.constant 0 : i32
        %dma_start3A_120 = arith.constant 0 : i32
        %dma_start3A_121 = tpu.memref_slice %arg2[%dma_start3A_119, %dma_start3A_120] : memref<10000x128xf32, #tpu.memory_space<hbm>> -> memref<10000x128xf32, #tpu.memory_space<hbm>>
        tpu.enqueue_indirect_dma source(%dma_start3A_121 : memref<10000x128xf32, #tpu.memory_space<hbm>>) target(%arg8 : memref<128x128xf32, #tpu.memory_space<vmem>>) offsets(%dma_start3A_118 : memref<128xi32, #tpu.memory_space<vmem>>) semaphore(%arg11 : memref<!tpu.dma_semaphore, #tpu.memory_space<semaphore_mem>>)
      } else {
      }
      %add3A_99 = arith.constant 1 : i32
      %add3A_100 = arith.addi %mul3A_61, %add3A_99 : i32
      %dma_wait3A_101 = arith.constant 0 : i32
      %dma_wait3A_102 = tpu.memref_slice %arg7[%add3A_100, %dma_wait3A_101] : memref<40x128xi32, #tpu.memory_space<vmem>> -> memref<1x128xi32, #tpu.memory_space<vmem>>
      %dma_wait3A_103 = tpu.memref_squeeze %dma_wait3A_102 : memref<1x128xi32, #tpu.memory_space<vmem>> -> memref<128xi32, #tpu.memory_space<vmem>>
      %dma_wait3A_104 = arith.constant 0 : i32
      %dma_wait3A_105 = arith.constant 0 : i32
      %dma_wait3A_106 = tpu.memref_slice %arg10[%dma_wait3A_104, %dma_wait3A_105] : memref<10112x128xf32, #tpu.memory_space<vmem_shared>> -> memref<10112x128xf32, #tpu.memory_space<vmem_shared>>
      tpu.wait_indirect_dma semaphore(%arg14 : memref<!tpu.dma_semaphore, #tpu.memory_space<semaphore_mem>>) src(%arg9 : memref<128x128xf32, #tpu.memory_space<vmem>>) dst(%dma_wait3A_106 : memref<10112x128xf32, #tpu.memory_space<vmem_shared>>)
      %add3A_107 = arith.constant 3 : i32
      %add3A_108 = arith.addi %mul3A_61, %add3A_107 : i32
      %lt3A_109 = arith.constant 40 : i32
      %lt3A_110 = arith.cmpi slt, %add3A_108, %lt3A_109 : i32
      %convert_element_type3A_111 = arith.extui %lt3A_110 : i1 to i32
      %cond3A_112 = arith.constant 0 : i32
      %cond3A_113 = arith.cmpi ne, %convert_element_type3A_111, %cond3A_112 : i32
      scf.if %cond3A_113 {
        %add3A_114 = arith.constant 3 : i32
        %add3A_115 = arith.addi %mul3A_61, %add3A_114 : i32
        %dma_start3A_116 = arith.constant 0 : i32
        %dma_start3A_117 = tpu.memref_slice %arg6[%add3A_115, %dma_start3A_116] : memref<40x128xi32, #tpu.memory_space<vmem>> -> memref<1x128xi32, #tpu.memory_space<vmem>>
        %dma_start3A_118 = tpu.memref_squeeze %dma_start3A_117 : memref<1x128xi32, #tpu.memory_space<vmem>> -> memref<128xi32, #tpu.memory_space<vmem>>
        %dma_start3A_119 = arith.constant 0 : i32
        %dma_start3A_120 = arith.constant 0 : i32
        %dma_start3A_121 = tpu.memref_slice %arg2[%dma_start3A_119, %dma_start3A_120] : memref<10000x128xf32, #tpu.memory_space<hbm>> -> memref<10000x128xf32, #tpu.memory_space<hbm>>
        tpu.enqueue_indirect_dma source(%dma_start3A_121 : memref<10000x128xf32, #tpu.memory_space<hbm>>) target(%arg9 : memref<128x128xf32, #tpu.memory_space<vmem>>) offsets(%dma_start3A_118 : memref<128xi32, #tpu.memory_space<vmem>>) semaphore(%arg12 : memref<!tpu.dma_semaphore, #tpu.memory_space<semaphore_mem>>)
      } else {
      }
    }
    %scan3A_27 = arith.constant 20 : i32
    %mul3A_28 = arith.constant 80 : i32
    %mul3A_29 = arith.muli %add3A, %mul3A_28 : i32
    %add3A_30 = arith.constant 40 : i32
    %add3A_31 = arith.addi %mul3A_29, %add3A_30 : i32
    %run_scoped3A_32 = arith.constant 0 : i32
    "tpu.region"() ({
      %run_scoped3A_59 = tpu.sem_alloc : memref<!tpu.dma_semaphore, #tpu.memory_space<semaphore_mem>>
      %dma_start3A_60 = arith.constant 0 : i32
      %dma_start3A_61 = arith.constant 0 : i32
      %dma_start3A_62 = tpu.memref_slice %arg3[%run_scoped3A_32, %dma_start3A_60, %dma_start3A_61] : memref<2x2560x128xi32, #tpu.memory_space<hbm>> -> memref<1x2560x128xi32, #tpu.memory_space<hbm>>
      %dma_start3A_63 = tpu.memref_squeeze %dma_start3A_62 : memref<1x2560x128xi32, #tpu.memory_space<hbm>> -> memref<2560x128xi32, #tpu.memory_space<hbm>>
      %dma_start3A_64 = arith.constant 0 : i32
      %dma_start3A_65 = tpu.memref_slice %dma_start3A_63[%add3A_31, %dma_start3A_64] : memref<2560x128xi32, #tpu.memory_space<hbm>> -> memref<40x128xi32, #tpu.memory_space<hbm>>
      %dma_start3A_66 = arith.constant 0 : i32
      %dma_start3A_67 = arith.constant 0 : i32
      %dma_start3A_68 = tpu.memref_slice %arg3[%run_scoped3A_32, %dma_start3A_66, %dma_start3A_67] : memref<2x2560x128xi32, #tpu.memory_space<hbm>> -> memref<1x2560x128xi32, #tpu.memory_space<hbm>>
      %dma_start3A_69 = tpu.memref_squeeze %dma_start3A_68 : memref<1x2560x128xi32, #tpu.memory_space<hbm>> -> memref<2560x128xi32, #tpu.memory_space<hbm>>
      %dma_start3A_70 = arith.constant 0 : i32
      %dma_start3A_71 = tpu.memref_slice %dma_start3A_69[%add3A_31, %dma_start3A_70] : memref<2560x128xi32, #tpu.memory_space<hbm>> -> memref<40x128xi32, #tpu.memory_space<hbm>>
      tpu.enqueue_dma source(%dma_start3A_71 : memref<40x128xi32, #tpu.memory_space<hbm>>) target(%arg6 : memref<40x128xi32, #tpu.memory_space<vmem>>) target_semaphore(%run_scoped3A_59 : memref<!tpu.dma_semaphore, #tpu.memory_space<semaphore_mem>>)
      %dma_wait3A = arith.constant 0 : i32
      %dma_wait3A_72 = arith.constant 0 : i32
      %dma_wait3A_73 = tpu.memref_slice %arg3[%run_scoped3A_32, %dma_wait3A, %dma_wait3A_72] : memref<2x2560x128xi32, #tpu.memory_space<hbm>> -> memref<1x2560x128xi32, #tpu.memory_space<hbm>>
      %dma_wait3A_74 = tpu.memref_squeeze %dma_wait3A_73 : memref<1x2560x128xi32, #tpu.memory_space<hbm>> -> memref<2560x128xi32, #tpu.memory_space<hbm>>
      %dma_wait3A_75 = arith.constant 0 : i32
      %dma_wait3A_76 = tpu.memref_slice %dma_wait3A_74[%add3A_31, %dma_wait3A_75] : memref<2560x128xi32, #tpu.memory_space<hbm>> -> memref<40x128xi32, #tpu.memory_space<hbm>>
      %dma_wait3A_77 = arith.constant 0 : i32
      %dma_wait3A_78 = arith.constant 0 : i32
      %dma_wait3A_79 = tpu.memref_slice %arg3[%run_scoped3A_32, %dma_wait3A_77, %dma_wait3A_78] : memref<2x2560x128xi32, #tpu.memory_space<hbm>> -> memref<1x2560x128xi32, #tpu.memory_space<hbm>>
      %dma_wait3A_80 = tpu.memref_squeeze %dma_wait3A_79 : memref<1x2560x128xi32, #tpu.memory_space<hbm>> -> memref<2560x128xi32, #tpu.memory_space<hbm>>
      %dma_wait3A_81 = arith.constant 0 : i32
      %dma_wait3A_82 = tpu.memref_slice %dma_wait3A_80[%add3A_31, %dma_wait3A_81] : memref<2560x128xi32, #tpu.memory_space<hbm>> -> memref<40x128xi32, #tpu.memory_space<hbm>>
      tpu.wait_dma2 semaphore(%run_scoped3A_59 : memref<!tpu.dma_semaphore, #tpu.memory_space<semaphore_mem>>) src(%dma_wait3A_82 : memref<40x128xi32, #tpu.memory_space<hbm>>) dst(%arg6 : memref<40x128xi32, #tpu.memory_space<vmem>>)
      tpu.yield
    }) : () -> ()
    %run_scoped3A_33 = arith.constant 1 : i32
    "tpu.region"() ({
      %run_scoped3A_59 = tpu.sem_alloc : memref<!tpu.dma_semaphore, #tpu.memory_space<semaphore_mem>>
      %dma_start3A_60 = arith.constant 0 : i32
      %dma_start3A_61 = arith.constant 0 : i32
      %dma_start3A_62 = tpu.memref_slice %arg3[%run_scoped3A_33, %dma_start3A_60, %dma_start3A_61] : memref<2x2560x128xi32, #tpu.memory_space<hbm>> -> memref<1x2560x128xi32, #tpu.memory_space<hbm>>
      %dma_start3A_63 = tpu.memref_squeeze %dma_start3A_62 : memref<1x2560x128xi32, #tpu.memory_space<hbm>> -> memref<2560x128xi32, #tpu.memory_space<hbm>>
      %dma_start3A_64 = arith.constant 0 : i32
      %dma_start3A_65 = tpu.memref_slice %dma_start3A_63[%add3A_31, %dma_start3A_64] : memref<2560x128xi32, #tpu.memory_space<hbm>> -> memref<40x128xi32, #tpu.memory_space<hbm>>
      %dma_start3A_66 = arith.constant 0 : i32
      %dma_start3A_67 = arith.constant 0 : i32
      %dma_start3A_68 = tpu.memref_slice %arg3[%run_scoped3A_33, %dma_start3A_66, %dma_start3A_67] : memref<2x2560x128xi32, #tpu.memory_space<hbm>> -> memref<1x2560x128xi32, #tpu.memory_space<hbm>>
      %dma_start3A_69 = tpu.memref_squeeze %dma_start3A_68 : memref<1x2560x128xi32, #tpu.memory_space<hbm>> -> memref<2560x128xi32, #tpu.memory_space<hbm>>
      %dma_start3A_70 = arith.constant 0 : i32
      %dma_start3A_71 = tpu.memref_slice %dma_start3A_69[%add3A_31, %dma_start3A_70] : memref<2560x128xi32, #tpu.memory_space<hbm>> -> memref<40x128xi32, #tpu.memory_space<hbm>>
      tpu.enqueue_dma source(%dma_start3A_71 : memref<40x128xi32, #tpu.memory_space<hbm>>) target(%arg7 : memref<40x128xi32, #tpu.memory_space<vmem>>) target_semaphore(%run_scoped3A_59 : memref<!tpu.dma_semaphore, #tpu.memory_space<semaphore_mem>>)
      %dma_wait3A = arith.constant 0 : i32
      %dma_wait3A_72 = arith.constant 0 : i32
      %dma_wait3A_73 = tpu.memref_slice %arg3[%run_scoped3A_33, %dma_wait3A, %dma_wait3A_72] : memref<2x2560x128xi32, #tpu.memory_space<hbm>> -> memref<1x2560x128xi32, #tpu.memory_space<hbm>>
      %dma_wait3A_74 = tpu.memref_squeeze %dma_wait3A_73 : memref<1x2560x128xi32, #tpu.memory_space<hbm>> -> memref<2560x128xi32, #tpu.memory_space<hbm>>
      %dma_wait3A_75 = arith.constant 0 : i32
      %dma_wait3A_76 = tpu.memref_slice %dma_wait3A_74[%add3A_31, %dma_wait3A_75] : memref<2560x128xi32, #tpu.memory_space<hbm>> -> memref<40x128xi32, #tpu.memory_space<hbm>>
      %dma_wait3A_77 = arith.constant 0 : i32
      %dma_wait3A_78 = arith.constant 0 : i32
      %dma_wait3A_79 = tpu.memref_slice %arg3[%run_scoped3A_33, %dma_wait3A_77, %dma_wait3A_78] : memref<2x2560x128xi32, #tpu.memory_space<hbm>> -> memref<1x2560x128xi32, #tpu.memory_space<hbm>>
      %dma_wait3A_80 = tpu.memref_squeeze %dma_wait3A_79 : memref<1x2560x128xi32, #tpu.memory_space<hbm>> -> memref<2560x128xi32, #tpu.memory_space<hbm>>
      %dma_wait3A_81 = arith.constant 0 : i32
      %dma_wait3A_82 = tpu.memref_slice %dma_wait3A_80[%add3A_31, %dma_wait3A_81] : memref<2560x128xi32, #tpu.memory_space<hbm>> -> memref<40x128xi32, #tpu.memory_space<hbm>>
      tpu.wait_dma2 semaphore(%run_scoped3A_59 : memref<!tpu.dma_semaphore, #tpu.memory_space<semaphore_mem>>) src(%dma_wait3A_82 : memref<40x128xi32, #tpu.memory_space<hbm>>) dst(%arg7 : memref<40x128xi32, #tpu.memory_space<vmem>>)
      tpu.yield
    }) : () -> ()
    %dma_start3A_34 = arith.constant 0 : i32
    %dma_start3A_35 = arith.constant 0 : i32
    %dma_start3A_36 = tpu.memref_slice %arg6[%dma_start3A_34, %dma_start3A_35] : memref<40x128xi32, #tpu.memory_space<vmem>> -> memref<1x128xi32, #tpu.memory_space<vmem>>
    %dma_start3A_37 = tpu.memref_squeeze %dma_start3A_36 : memref<1x128xi32, #tpu.memory_space<vmem>> -> memref<128xi32, #tpu.memory_space<vmem>>
    %dma_start3A_38 = arith.constant 0 : i32
    %dma_start3A_39 = arith.constant 0 : i32
    %dma_start3A_40 = tpu.memref_slice %arg2[%dma_start3A_38, %dma_start3A_39] : memref<10000x128xf32, #tpu.memory_space<hbm>> -> memref<10000x128xf32, #tpu.memory_space<hbm>>
    tpu.enqueue_indirect_dma source(%dma_start3A_40 : memref<10000x128xf32, #tpu.memory_space<hbm>>) target(%arg8 : memref<128x128xf32, #tpu.memory_space<vmem>>) offsets(%dma_start3A_37 : memref<128xi32, #tpu.memory_space<vmem>>) semaphore(%arg11 : memref<!tpu.dma_semaphore, #tpu.memory_space<semaphore_mem>>)
    %dma_start3A_41 = arith.constant 1 : i32
    %dma_start3A_42 = arith.constant 0 : i32
    %dma_start3A_43 = tpu.memref_slice %arg6[%dma_start3A_41, %dma_start3A_42] : memref<40x128xi32, #tpu.memory_space<vmem>> -> memref<1x128xi32, #tpu.memory_space<vmem>>
    %dma_start3A_44 = tpu.memref_squeeze %dma_start3A_43 : memref<1x128xi32, #tpu.memory_space<vmem>> -> memref<128xi32, #tpu.memory_space<vmem>>
    %dma_start3A_45 = arith.constant 0 : i32
    %dma_start3A_46 = arith.constant 0 : i32
    %dma_start3A_47 = tpu.memref_slice %arg2[%dma_start3A_45, %dma_start3A_46] : memref<10000x128xf32, #tpu.memory_space<hbm>> -> memref<10000x128xf32, #tpu.memory_space<hbm>>
    tpu.enqueue_indirect_dma source(%dma_start3A_47 : memref<10000x128xf32, #tpu.memory_space<hbm>>) target(%arg9 : memref<128x128xf32, #tpu.memory_space<vmem>>) offsets(%dma_start3A_44 : memref<128xi32, #tpu.memory_space<vmem>>) semaphore(%arg12 : memref<!tpu.dma_semaphore, #tpu.memory_space<semaphore_mem>>)
    %scan3A_48 = arith.constant 0 : i32
    %scan3A_49 = arith.constant 0 : i32
    %scan3A_50 = arith.constant 20 : i32
    %scan3A_51 = arith.addi %scan3A_49, %scan3A_50 : i32
    %scan3A_52 = arith.constant 1 : i32
    scf.for %scan3A_59 = %scan3A_49 to %scan3A_51 step %scan3A_52  : i32 {
      %mul3A_60 = arith.constant 2 : i32
      %mul3A_61 = arith.muli %scan3A_59, %mul3A_60 : i32
      %dma_wait3A = arith.constant 0 : i32
      %dma_wait3A_62 = tpu.memref_slice %arg6[%mul3A_61, %dma_wait3A] : memref<40x128xi32, #tpu.memory_space<vmem>> -> memref<1x128xi32, #tpu.memory_space<vmem>>
      %dma_wait3A_63 = tpu.memref_squeeze %dma_wait3A_62 : memref<1x128xi32, #tpu.memory_space<vmem>> -> memref<128xi32, #tpu.memory_space<vmem>>
      %dma_wait3A_64 = arith.constant 0 : i32
      %dma_wait3A_65 = arith.constant 0 : i32
      %dma_wait3A_66 = tpu.memref_slice %arg2[%dma_wait3A_64, %dma_wait3A_65] : memref<10000x128xf32, #tpu.memory_space<hbm>> -> memref<10000x128xf32, #tpu.memory_space<hbm>>
      tpu.wait_indirect_dma semaphore(%arg11 : memref<!tpu.dma_semaphore, #tpu.memory_space<semaphore_mem>>) src(%dma_wait3A_66 : memref<10000x128xf32, #tpu.memory_space<hbm>>) dst(%arg8 : memref<128x128xf32, #tpu.memory_space<vmem>>)
      %dma_start3A_67 = arith.constant 0 : i32
      %dma_start3A_68 = tpu.memref_slice %arg7[%mul3A_61, %dma_start3A_67] : memref<40x128xi32, #tpu.memory_space<vmem>> -> memref<1x128xi32, #tpu.memory_space<vmem>>
      %dma_start3A_69 = tpu.memref_squeeze %dma_start3A_68 : memref<1x128xi32, #tpu.memory_space<vmem>> -> memref<128xi32, #tpu.memory_space<vmem>>
      %dma_start3A_70 = arith.constant 0 : i32
      %dma_start3A_71 = arith.constant 0 : i32
      %dma_start3A_72 = tpu.memref_slice %arg10[%dma_start3A_70, %dma_start3A_71] : memref<10112x128xf32, #tpu.memory_space<vmem_shared>> -> memref<10112x128xf32, #tpu.memory_space<vmem_shared>>
      tpu.enqueue_indirect_dma source(%arg8 : memref<128x128xf32, #tpu.memory_space<vmem>>) target(%dma_start3A_72 : memref<10112x128xf32, #tpu.memory_space<vmem_shared>>) offsets(%dma_start3A_69 : memref<128xi32, #tpu.memory_space<vmem>>) semaphore(%arg13 : memref<!tpu.dma_semaphore, #tpu.memory_space<semaphore_mem>>) {add = true}
      %add3A_73 = arith.constant 1 : i32
      %add3A_74 = arith.addi %mul3A_61, %add3A_73 : i32
      %dma_wait3A_75 = arith.constant 0 : i32
      %dma_wait3A_76 = tpu.memref_slice %arg6[%add3A_74, %dma_wait3A_75] : memref<40x128xi32, #tpu.memory_space<vmem>> -> memref<1x128xi32, #tpu.memory_space<vmem>>
      %dma_wait3A_77 = tpu.memref_squeeze %dma_wait3A_76 : memref<1x128xi32, #tpu.memory_space<vmem>> -> memref<128xi32, #tpu.memory_space<vmem>>
      %dma_wait3A_78 = arith.constant 0 : i32
      %dma_wait3A_79 = arith.constant 0 : i32
      %dma_wait3A_80 = tpu.memref_slice %arg2[%dma_wait3A_78, %dma_wait3A_79] : memref<10000x128xf32, #tpu.memory_space<hbm>> -> memref<10000x128xf32, #tpu.memory_space<hbm>>
      tpu.wait_indirect_dma semaphore(%arg12 : memref<!tpu.dma_semaphore, #tpu.memory_space<semaphore_mem>>) src(%dma_wait3A_80 : memref<10000x128xf32, #tpu.memory_space<hbm>>) dst(%arg9 : memref<128x128xf32, #tpu.memory_space<vmem>>)
      %add3A_81 = arith.constant 1 : i32
      %add3A_82 = arith.addi %mul3A_61, %add3A_81 : i32
      %dma_start3A_83 = arith.constant 0 : i32
      %dma_start3A_84 = tpu.memref_slice %arg7[%add3A_82, %dma_start3A_83] : memref<40x128xi32, #tpu.memory_space<vmem>> -> memref<1x128xi32, #tpu.memory_space<vmem>>
      %dma_start3A_85 = tpu.memref_squeeze %dma_start3A_84 : memref<1x128xi32, #tpu.memory_space<vmem>> -> memref<128xi32, #tpu.memory_space<vmem>>
      %dma_start3A_86 = arith.constant 0 : i32
      %dma_start3A_87 = arith.constant 0 : i32
      %dma_start3A_88 = tpu.memref_slice %arg10[%dma_start3A_86, %dma_start3A_87] : memref<10112x128xf32, #tpu.memory_space<vmem_shared>> -> memref<10112x128xf32, #tpu.memory_space<vmem_shared>>
      tpu.enqueue_indirect_dma source(%arg9 : memref<128x128xf32, #tpu.memory_space<vmem>>) target(%dma_start3A_88 : memref<10112x128xf32, #tpu.memory_space<vmem_shared>>) offsets(%dma_start3A_85 : memref<128xi32, #tpu.memory_space<vmem>>) semaphore(%arg14 : memref<!tpu.dma_semaphore, #tpu.memory_space<semaphore_mem>>) {add = true}
      %dma_wait3A_89 = arith.constant 0 : i32
      %dma_wait3A_90 = tpu.memref_slice %arg7[%mul3A_61, %dma_wait3A_89] : memref<40x128xi32, #tpu.memory_space<vmem>> -> memref<1x128xi32, #tpu.memory_space<vmem>>
      %dma_wait3A_91 = tpu.memref_squeeze %dma_wait3A_90 : memref<1x128xi32, #tpu.memory_space<vmem>> -> memref<128xi32, #tpu.memory_space<vmem>>
      %dma_wait3A_92 = arith.constant 0 : i32
      %dma_wait3A_93 = arith.constant 0 : i32
      %dma_wait3A_94 = tpu.memref_slice %arg10[%dma_wait3A_92, %dma_wait3A_93] : memref<10112x128xf32, #tpu.memory_space<vmem_shared>> -> memref<10112x128xf32, #tpu.memory_space<vmem_shared>>
      tpu.wait_indirect_dma semaphore(%arg13 : memref<!tpu.dma_semaphore, #tpu.memory_space<semaphore_mem>>) src(%arg8 : memref<128x128xf32, #tpu.memory_space<vmem>>) dst(%dma_wait3A_94 : memref<10112x128xf32, #tpu.memory_space<vmem_shared>>)
      %add3A_95 = arith.constant 2 : i32
      %add3A_96 = arith.addi %mul3A_61, %add3A_95 : i32
      %lt3A = arith.constant 40 : i32
      %lt3A_97 = arith.cmpi slt, %add3A_96, %lt3A : i32
      %convert_element_type3A = arith.extui %lt3A_97 : i1 to i32
      %cond3A = arith.constant 0 : i32
      %cond3A_98 = arith.cmpi ne, %convert_element_type3A, %cond3A : i32
      scf.if %cond3A_98 {
        %add3A_114 = arith.constant 2 : i32
        %add3A_115 = arith.addi %mul3A_61, %add3A_114 : i32
        %dma_start3A_116 = arith.constant 0 : i32
        %dma_start3A_117 = tpu.memref_slice %arg6[%add3A_115, %dma_start3A_116] : memref<40x128xi32, #tpu.memory_space<vmem>> -> memref<1x128xi32, #tpu.memory_space<vmem>>
        %dma_start3A_118 = tpu.memref_squeeze %dma_start3A_117 : memref<1x128xi32, #tpu.memory_space<vmem>> -> memref<128xi32, #tpu.memory_space<vmem>>
        %dma_start3A_119 = arith.constant 0 : i32
        %dma_start3A_120 = arith.constant 0 : i32
        %dma_start3A_121 = tpu.memref_slice %arg2[%dma_start3A_119, %dma_start3A_120] : memref<10000x128xf32, #tpu.memory_space<hbm>> -> memref<10000x128xf32, #tpu.memory_space<hbm>>
        tpu.enqueue_indirect_dma source(%dma_start3A_121 : memref<10000x128xf32, #tpu.memory_space<hbm>>) target(%arg8 : memref<128x128xf32, #tpu.memory_space<vmem>>) offsets(%dma_start3A_118 : memref<128xi32, #tpu.memory_space<vmem>>) semaphore(%arg11 : memref<!tpu.dma_semaphore, #tpu.memory_space<semaphore_mem>>)
      } else {
      }
      %add3A_99 = arith.constant 1 : i32
      %add3A_100 = arith.addi %mul3A_61, %add3A_99 : i32
      %dma_wait3A_101 = arith.constant 0 : i32
      %dma_wait3A_102 = tpu.memref_slice %arg7[%add3A_100, %dma_wait3A_101] : memref<40x128xi32, #tpu.memory_space<vmem>> -> memref<1x128xi32, #tpu.memory_space<vmem>>
      %dma_wait3A_103 = tpu.memref_squeeze %dma_wait3A_102 : memref<1x128xi32, #tpu.memory_space<vmem>> -> memref<128xi32, #tpu.memory_space<vmem>>
      %dma_wait3A_104 = arith.constant 0 : i32
      %dma_wait3A_105 = arith.constant 0 : i32
      %dma_wait3A_106 = tpu.memref_slice %arg10[%dma_wait3A_104, %dma_wait3A_105] : memref<10112x128xf32, #tpu.memory_space<vmem_shared>> -> memref<10112x128xf32, #tpu.memory_space<vmem_shared>>
      tpu.wait_indirect_dma semaphore(%arg14 : memref<!tpu.dma_semaphore, #tpu.memory_space<semaphore_mem>>) src(%arg9 : memref<128x128xf32, #tpu.memory_space<vmem>>) dst(%dma_wait3A_106 : memref<10112x128xf32, #tpu.memory_space<vmem_shared>>)
      %add3A_107 = arith.constant 3 : i32
      %add3A_108 = arith.addi %mul3A_61, %add3A_107 : i32
      %lt3A_109 = arith.constant 40 : i32
      %lt3A_110 = arith.cmpi slt, %add3A_108, %lt3A_109 : i32
      %convert_element_type3A_111 = arith.extui %lt3A_110 : i1 to i32
      %cond3A_112 = arith.constant 0 : i32
      %cond3A_113 = arith.cmpi ne, %convert_element_type3A_111, %cond3A_112 : i32
      scf.if %cond3A_113 {
        %add3A_114 = arith.constant 3 : i32
        %add3A_115 = arith.addi %mul3A_61, %add3A_114 : i32
        %dma_start3A_116 = arith.constant 0 : i32
        %dma_start3A_117 = tpu.memref_slice %arg6[%add3A_115, %dma_start3A_116] : memref<40x128xi32, #tpu.memory_space<vmem>> -> memref<1x128xi32, #tpu.memory_space<vmem>>
        %dma_start3A_118 = tpu.memref_squeeze %dma_start3A_117 : memref<1x128xi32, #tpu.memory_space<vmem>> -> memref<128xi32, #tpu.memory_space<vmem>>
        %dma_start3A_119 = arith.constant 0 : i32
        %dma_start3A_120 = arith.constant 0 : i32
        %dma_start3A_121 = tpu.memref_slice %arg2[%dma_start3A_119, %dma_start3A_120] : memref<10000x128xf32, #tpu.memory_space<hbm>> -> memref<10000x128xf32, #tpu.memory_space<hbm>>
        tpu.enqueue_indirect_dma source(%dma_start3A_121 : memref<10000x128xf32, #tpu.memory_space<hbm>>) target(%arg9 : memref<128x128xf32, #tpu.memory_space<vmem>>) offsets(%dma_start3A_118 : memref<128xi32, #tpu.memory_space<vmem>>) semaphore(%arg12 : memref<!tpu.dma_semaphore, #tpu.memory_space<semaphore_mem>>)
      } else {
      }
    }
    %scan3A_53 = arith.constant 20 : i32
    %barrier3A_54 = arith.constant 0 : index
    tpu.barrier barrier_id(%barrier3A_54)
    %mul3A_55 = arith.constant 632 : i32
    %mul3A_56 = arith.muli %arg1, %mul3A_55 : i32
    %mul3A_57 = arith.constant 632 : i32
    %mul3A_58 = arith.muli %arg1, %mul3A_57 : i32
    "tpu.region"() ({
      %run_scoped3A_59 = tpu.sem_alloc : memref<!tpu.dma_semaphore, #tpu.memory_space<semaphore_mem>>
      %dma_start3A_60 = arith.constant 0 : i32
      %dma_start3A_61 = arith.constant 0 : i32
      %dma_start3A_62 = tpu.memref_slice %arg5[%arg0, %dma_start3A_60, %dma_start3A_61] : memref<2x10112x128xf32, #tpu.memory_space<hbm>> -> memref<1x10112x128xf32, #tpu.memory_space<hbm>>
      %dma_start3A_63 = tpu.memref_squeeze %dma_start3A_62 : memref<1x10112x128xf32, #tpu.memory_space<hbm>> -> memref<10112x128xf32, #tpu.memory_space<hbm>>
      %dma_start3A_64 = arith.constant 0 : i32
      %dma_start3A_65 = tpu.memref_slice %dma_start3A_63[%mul3A_58, %dma_start3A_64] : memref<10112x128xf32, #tpu.memory_space<hbm>> -> memref<632x128xf32, #tpu.memory_space<hbm>>
      %dma_start3A_66 = arith.constant 0 : i32
      %dma_start3A_67 = tpu.memref_slice %arg10[%mul3A_56, %dma_start3A_66] : memref<10112x128xf32, #tpu.memory_space<vmem_shared>> -> memref<632x128xf32, #tpu.memory_space<vmem_shared>>
      tpu.enqueue_dma source(%dma_start3A_67 : memref<632x128xf32, #tpu.memory_space<vmem_shared>>) target(%dma_start3A_65 : memref<632x128xf32, #tpu.memory_space<hbm>>) target_semaphore(%run_scoped3A_59 : memref<!tpu.dma_semaphore, #tpu.memory_space<semaphore_mem>>)
      %dma_wait3A = arith.constant 0 : i32
      %dma_wait3A_68 = arith.constant 0 : i32
      %dma_wait3A_69 = tpu.memref_slice %arg5[%arg0, %dma_wait3A, %dma_wait3A_68] : memref<2x10112x128xf32, #tpu.memory_space<hbm>> -> memref<1x10112x128xf32, #tpu.memory_space<hbm>>
      %dma_wait3A_70 = tpu.memref_squeeze %dma_wait3A_69 : memref<1x10112x128xf32, #tpu.memory_space<hbm>> -> memref<10112x128xf32, #tpu.memory_space<hbm>>
      %dma_wait3A_71 = arith.constant 0 : i32
      %dma_wait3A_72 = tpu.memref_slice %dma_wait3A_70[%mul3A_58, %dma_wait3A_71] : memref<10112x128xf32, #tpu.memory_space<hbm>> -> memref<632x128xf32, #tpu.memory_space<hbm>>
      %dma_wait3A_73 = arith.constant 0 : i32
      %dma_wait3A_74 = tpu.memref_slice %arg10[%mul3A_56, %dma_wait3A_73] : memref<10112x128xf32, #tpu.memory_space<vmem_shared>> -> memref<632x128xf32, #tpu.memory_space<vmem_shared>>
      tpu.wait_dma2 semaphore(%run_scoped3A_59 : memref<!tpu.dma_semaphore, #tpu.memory_space<semaphore_mem>>) src(%dma_wait3A_74 : memref<632x128xf32, #tpu.memory_space<vmem_shared>>) dst(%dma_wait3A_72 : memref<632x128xf32, #tpu.memory_space<hbm>>)
      tpu.yield
    }) : () -> ()
    return
  }
}

module attributes {stable_mosaic.version = 14 : i64} {
  func.func @_mlp_body(%arg0: i32, %arg1: memref<1x1xf32, #tpu.memory_space<smem>>, %arg2: memref<1000x128xf32, #tpu.memory_space<vmem>>, %arg3: memref<1x1000x128xf32, #tpu.memory_space<vmem>>, %arg4: memref<1x1000x128xf32, #tpu.memory_space<vmem>>, %arg5: memref<128x128xf32, #tpu.memory_space<vmem>>, %arg6: memref<1x128xf32, #tpu.memory_space<vmem>>, %arg7: memref<128x128xf32, #tpu.memory_space<vmem>>, %arg8: memref<1x128xf32, #tpu.memory_space<vmem>>, %arg9: memref<1000x128xf32, #tpu.memory_space<vmem>>, %arg10: memref<8x128xf32, #tpu.memory_space<vmem>>) attributes {dimension_semantics = [#tpu.dimension_semantics<arbitrary>], iteration_bounds = array<i64: 10>, scalar_prefetch = 0 : i64, scratch_operands = 0 : i64, tpu.core_type = #tpu.core_type<tc>, window_params = [{transform_indices = @transform_0, window_bounds = array<i64: 1, 1>}, {transform_indices = @transform_1, window_bounds = array<i64: 1000, 128>}, {transform_indices = @transform_2, window_bounds = array<i64: 1, 1000, 128>}, {transform_indices = @transform_3, window_bounds = array<i64: 1, 1000, 128>}, {pipeline_mode = #tpu.pipeline_mode<synchronous>, transform_indices = @transform_4, window_bounds = array<i64: 128, 128>}, {pipeline_mode = #tpu.pipeline_mode<synchronous>, transform_indices = @transform_5, window_bounds = array<i64: 1, 128>}, {pipeline_mode = #tpu.pipeline_mode<synchronous>, transform_indices = @transform_6, window_bounds = array<i64: 128, 128>}, {pipeline_mode = #tpu.pipeline_mode<synchronous>, transform_indices = @transform_7, window_bounds = array<i64: 1, 128>}, {transform_indices = @transform_8, window_bounds = array<i64: 1000, 128>}, {pipeline_mode = #tpu.pipeline_mode<synchronous>, transform_indices = @transform_9, window_bounds = array<i64: 8, 128>}]} {
    %get3A = arith.constant 0 : index
    %get3A_0 = arith.constant 0 : index
    %get3A_1 = memref.load %arg1[%get3A, %get3A_0] : memref<1x1xf32, #tpu.memory_space<smem>>
    %get3A_2 = arith.constant 0 : index
    %get3A_3 = arith.constant 0 : index
    %get3A_4 = vector.load %arg2[%get3A_2, %get3A_3] : memref<1000x128xf32, #tpu.memory_space<vmem>>, vector<1000x128xf32>
    %mul3A = vector.broadcast %get3A_1 : f32 to vector<1000x128xf32>
    %mul3A_5 = arith.mulf %mul3A, %get3A_4 : vector<1000x128xf32>
    %get3A_6 = arith.constant 0 : index
    %get3A_7 = arith.constant 0 : index
    %get3A_8 = arith.constant 0 : index
    %get3A_9 = vector.load %arg3[%get3A_6, %get3A_7, %get3A_8] : memref<1x1000x128xf32, #tpu.memory_space<vmem>>, vector<1x1000x128xf32>
    %get3A_10 = vector.shape_cast %get3A_9 : vector<1x1000x128xf32> to vector<1000x128xf32>
    %add3A = arith.addf %mul3A_5, %get3A_10 : vector<1000x128xf32>
    %get3A_11 = arith.constant 0 : index
    %get3A_12 = arith.constant 0 : index
    %get3A_13 = arith.constant 0 : index
    %get3A_14 = vector.load %arg4[%get3A_11, %get3A_12, %get3A_13] : memref<1x1000x128xf32, #tpu.memory_space<vmem>>, vector<1x1000x128xf32>
    %get3A_15 = vector.shape_cast %get3A_14 : vector<1x1000x128xf32> to vector<1000x128xf32>
    %add3A_16 = arith.addf %add3A, %get3A_15 : vector<1000x128xf32>
    %get3A_17 = arith.constant 0 : index
    %get3A_18 = arith.constant 0 : index
    %get3A_19 = vector.load %arg5[%get3A_17, %get3A_18] : memref<128x128xf32, #tpu.memory_space<vmem>>, vector<128x128xf32>
    %dot_general3A = arith.constant dense<0.000000e+00> : vector<1000x128xf32>
    %dot_general3A_20 = tpu.matmul %add3A_16, %get3A_19, %dot_general3A {dimension_numbers = #tpu.dot_dimension_numbers<[1], [0], [0], [1], [0, 0, 1, 1], [], []>, transpose_lhs_hint = false} : vector<1000x128xf32>, vector<128x128xf32>, vector<1000x128xf32> -> vector<1000x128xf32>
    %get3A_21 = arith.constant 0 : index
    %get3A_22 = arith.constant 0 : index
    %get3A_23 = vector.load %arg6[%get3A_21, %get3A_22] : memref<1x128xf32, #tpu.memory_space<vmem>>, vector<1x128xf32>
    %add3A_24 = vector.broadcast %get3A_23 : vector<1x128xf32> to vector<1000x128xf32>
    %add3A_25 = arith.addf %dot_general3A_20, %add3A_24 : vector<1000x128xf32>
    %max3A = arith.constant 0.000000e+00 : f32
    %max3A_26 = vector.broadcast %max3A : f32 to vector<1000x128xf32>
    %max3A_27 = arith.maximumf %add3A_25, %max3A_26 : vector<1000x128xf32>
    %get3A_28 = arith.constant 0 : index
    %get3A_29 = arith.constant 0 : index
    %get3A_30 = vector.load %arg7[%get3A_28, %get3A_29] : memref<128x128xf32, #tpu.memory_space<vmem>>, vector<128x128xf32>
    %dot_general3A_31 = arith.constant dense<0.000000e+00> : vector<1000x128xf32>
    %dot_general3A_32 = tpu.matmul %max3A_27, %get3A_30, %dot_general3A_31 {dimension_numbers = #tpu.dot_dimension_numbers<[1], [0], [0], [1], [0, 0, 1, 1], [], []>, transpose_lhs_hint = false} : vector<1000x128xf32>, vector<128x128xf32>, vector<1000x128xf32> -> vector<1000x128xf32>
    %get3A_33 = arith.constant 0 : index
    %get3A_34 = arith.constant 0 : index
    %get3A_35 = vector.load %arg8[%get3A_33, %get3A_34] : memref<1x128xf32, #tpu.memory_space<vmem>>, vector<1x128xf32>
    %add3A_36 = vector.broadcast %get3A_35 : vector<1x128xf32> to vector<1000x128xf32>
    %add3A_37 = arith.addf %dot_general3A_32, %add3A_36 : vector<1000x128xf32>
    %swap3A = arith.constant 0 : index
    %swap3A_38 = arith.constant 0 : index
    %swap3A_39 = vector.load %arg9[%swap3A, %swap3A_38] : memref<1000x128xf32, #tpu.memory_space<vmem>>, vector<1000x128xf32>
    tpu.vector_store %arg9[%swap3A, %swap3A_38], %add3A_37 {strides = array<i32>} : memref<1000x128xf32, #tpu.memory_space<vmem>>, vector<1000x128xf32>,
    %reduce_sum3A = arith.constant dense<0.000000e+00> : vector<128xf32>
    %reduce_sum3A_40 = vector.multi_reduction <add>, %add3A_37, %reduce_sum3A [0] : vector<1000x128xf32> to vector<128xf32>
    %broadcast_in_dim3A = vector.shape_cast %reduce_sum3A_40 : vector<128xf32> to vector<1x128xf32>
    %mul3A_41 = arith.mulf %add3A_37, %add3A_37 : vector<1000x128xf32>
    %reduce_sum3A_42 = arith.constant dense<0.000000e+00> : vector<128xf32>
    %reduce_sum3A_43 = vector.multi_reduction <add>, %mul3A_41, %reduce_sum3A_42 [0] : vector<1000x128xf32> to vector<128xf32>
    %broadcast_in_dim3A_44 = vector.shape_cast %reduce_sum3A_43 : vector<128xf32> to vector<1x128xf32>
    %broadcast_in_dim3A_45 = arith.constant 0.000000e+00 : f32
    %broadcast_in_dim3A_46 = vector.broadcast %broadcast_in_dim3A_45 : f32 to vector<6x128xf32>
    %concatenate3A = tpu.concatenate %broadcast_in_dim3A, %broadcast_in_dim3A_44, %broadcast_in_dim3A_46 in 0 : vector<1x128xf32>, vector<1x128xf32>, vector<6x128xf32> -> vector<8x128xf32>
    %eq3A = arith.constant 0 : i32
    %eq3A_47 = arith.cmpi eq, %arg0, %eq3A : i32
    %convert_element_type3A = arith.extui %eq3A_47 : i1 to i32
    %cond3A = arith.constant 0 : i32
    %cond3A_48 = arith.cmpi ne, %convert_element_type3A, %cond3A : i32
    scf.if %cond3A_48 {
      %swap3A_53 = arith.constant 0 : index
      %swap3A_54 = arith.constant 0 : index
      %swap3A_55 = vector.load %arg10[%swap3A_53, %swap3A_54] : memref<8x128xf32, #tpu.memory_space<vmem>>, vector<8x128xf32>
      tpu.vector_store %arg10[%swap3A_53, %swap3A_54], %concatenate3A {strides = array<i32>} : memref<8x128xf32, #tpu.memory_space<vmem>>, vector<8x128xf32>,
    } else {
    }
    %ne3A = arith.constant 0 : i32
    %ne3A_49 = arith.cmpi ne, %arg0, %ne3A : i32
    %convert_element_type3A_50 = arith.extui %ne3A_49 : i1 to i32
    %cond3A_51 = arith.constant 0 : i32
    %cond3A_52 = arith.cmpi ne, %convert_element_type3A_50, %cond3A_51 : i32
    scf.if %cond3A_52 {
      %get3A_53 = arith.constant 0 : index
      %get3A_54 = arith.constant 0 : index
      %get3A_55 = vector.load %arg10[%get3A_53, %get3A_54] : memref<8x128xf32, #tpu.memory_space<vmem>>, vector<8x128xf32>
      %add3A_56 = arith.addf %get3A_55, %concatenate3A : vector<8x128xf32>
      %swap3A_57 = arith.constant 0 : index
      %swap3A_58 = arith.constant 0 : index
      %swap3A_59 = vector.load %arg10[%swap3A_57, %swap3A_58] : memref<8x128xf32, #tpu.memory_space<vmem>>, vector<8x128xf32>
      tpu.vector_store %arg10[%swap3A_57, %swap3A_58], %add3A_56 {strides = array<i32>} : memref<8x128xf32, #tpu.memory_space<vmem>>, vector<8x128xf32>,
    } else {
    }
    return
  }
  func.func @transform_0(%arg0: i32) -> (i32, i32) {
    %c0_i32 = arith.constant 0 : i32
    %c0_i32_0 = arith.constant 0 : i32
    %c0_i32_1 = arith.constant 0 : i32
    return %c0_i32, %c0_i32_0 : i32, i32
  }
  func.func @transform_1(%arg0: i32) -> (i32, i32) {
    %c0_i32 = arith.constant 0 : i32
    %c0_i32_0 = arith.constant 0 : i32
    return %arg0, %c0_i32 : i32, i32
  }
  func.func @transform_2(%arg0: i32) -> (i32, i32, i32) {
    %c0_i32 = arith.constant 0 : i32
    %c0_i32_0 = arith.constant 0 : i32
    %c0_i32_1 = arith.constant 0 : i32
    return %c0_i32, %arg0, %c0_i32_0 : i32, i32, i32
  }
  func.func @transform_3(%arg0: i32) -> (i32, i32, i32) {
    %c1_i32 = arith.constant 1 : i32
    %c0_i32 = arith.constant 0 : i32
    %c0_i32_0 = arith.constant 0 : i32
    return %c1_i32, %arg0, %c0_i32 : i32, i32, i32
  }
  func.func @transform_4(%arg0: i32) -> (i32, i32) {
    %c0_i32 = arith.constant 0 : i32
    %c0_i32_0 = arith.constant 0 : i32
    %c0_i32_1 = arith.constant 0 : i32
    return %c0_i32, %c0_i32_0 : i32, i32
  }
  func.func @transform_5(%arg0: i32) -> (i32, i32) {
    %c0_i32 = arith.constant 0 : i32
    %c0_i32_0 = arith.constant 0 : i32
    %c0_i32_1 = arith.constant 0 : i32
    return %c0_i32, %c0_i32_0 : i32, i32
  }
  func.func @transform_6(%arg0: i32) -> (i32, i32) {
    %c0_i32 = arith.constant 0 : i32
    %c0_i32_0 = arith.constant 0 : i32
    %c0_i32_1 = arith.constant 0 : i32
    return %c0_i32, %c0_i32_0 : i32, i32
  }
  func.func @transform_7(%arg0: i32) -> (i32, i32) {
    %c0_i32 = arith.constant 0 : i32
    %c0_i32_0 = arith.constant 0 : i32
    %c0_i32_1 = arith.constant 0 : i32
    return %c0_i32, %c0_i32_0 : i32, i32
  }
  func.func @transform_8(%arg0: i32) -> (i32, i32) {
    %c0_i32 = arith.constant 0 : i32
    %c0_i32_0 = arith.constant 0 : i32
    return %arg0, %c0_i32 : i32, i32
  }
  func.func @transform_9(%arg0: i32) -> (i32, i32) {
    %c0_i32 = arith.constant 0 : i32
    %c0_i32_0 = arith.constant 0 : i32
    %c0_i32_1 = arith.constant 0 : i32
    return %c0_i32, %c0_i32_0 : i32, i32
  }
}

module attributes {stable_mosaic.version = 14 : i64} {
  func.func @_bn_body(%arg0: i32, %arg1: memref<1000x128xf32, #tpu.memory_space<vmem>>, %arg2: memref<8x128xf32, #tpu.memory_space<vmem>>, %arg3: memref<1x128xf32, #tpu.memory_space<vmem>>, %arg4: memref<1x128xf32, #tpu.memory_space<vmem>>, %arg5: memref<1000x128xf32, #tpu.memory_space<vmem>>) attributes {dimension_semantics = [#tpu.dimension_semantics<arbitrary>], iteration_bounds = array<i64: 10>, scalar_prefetch = 0 : i64, scratch_operands = 0 : i64, tpu.core_type = #tpu.core_type<tc>, window_params = [{transform_indices = @transform_0, window_bounds = array<i64: 1000, 128>}, {pipeline_mode = #tpu.pipeline_mode<synchronous>, transform_indices = @transform_1, window_bounds = array<i64: 8, 128>}, {pipeline_mode = #tpu.pipeline_mode<synchronous>, transform_indices = @transform_2, window_bounds = array<i64: 1, 128>}, {pipeline_mode = #tpu.pipeline_mode<synchronous>, transform_indices = @transform_3, window_bounds = array<i64: 1, 128>}, {transform_indices = @transform_4, window_bounds = array<i64: 1000, 128>}]} {
    %get3A = arith.constant 0 : index
    %get3A_0 = arith.constant 0 : index
    %get3A_1 = vector.load %arg2[%get3A, %get3A_0] : memref<8x128xf32, #tpu.memory_space<vmem>>, vector<1x128xf32>
    %mul3A = arith.constant 9.99999974E-5 : f32
    %mul3A_2 = vector.broadcast %mul3A : f32 to vector<1x128xf32>
    %mul3A_3 = arith.mulf %get3A_1, %mul3A_2 : vector<1x128xf32>
    %get3A_4 = arith.constant 1 : index
    %get3A_5 = arith.constant 0 : index
    %get3A_6 = vector.load %arg2[%get3A_4, %get3A_5] : memref<8x128xf32, #tpu.memory_space<vmem>>, vector<1x128xf32>
    %mul3A_7 = arith.constant 9.99999974E-5 : f32
    %mul3A_8 = vector.broadcast %mul3A_7 : f32 to vector<1x128xf32>
    %mul3A_9 = arith.mulf %get3A_6, %mul3A_8 : vector<1x128xf32>
    %mul3A_10 = arith.mulf %mul3A_3, %mul3A_3 : vector<1x128xf32>
    %sub3A = arith.subf %mul3A_9, %mul3A_10 : vector<1x128xf32>
    %add3A = arith.constant 9.99999974E-6 : f32
    %add3A_11 = vector.broadcast %add3A : f32 to vector<1x128xf32>
    %add3A_12 = arith.addf %sub3A, %add3A_11 : vector<1x128xf32>
    %rsqrt3A = math.rsqrt %add3A_12 : vector<1x128xf32>
    %get3A_13 = arith.constant 0 : index
    %get3A_14 = arith.constant 0 : index
    %get3A_15 = vector.load %arg1[%get3A_13, %get3A_14] : memref<1000x128xf32, #tpu.memory_space<vmem>>, vector<1000x128xf32>
    %sub3A_16 = vector.broadcast %mul3A_3 : vector<1x128xf32> to vector<1000x128xf32>
    %sub3A_17 = arith.subf %get3A_15, %sub3A_16 : vector<1000x128xf32>
    %get3A_18 = arith.constant 0 : index
    %get3A_19 = arith.constant 0 : index
    %get3A_20 = vector.load %arg3[%get3A_18, %get3A_19] : memref<1x128xf32, #tpu.memory_space<vmem>>, vector<1x128xf32>
    %mul3A_21 = arith.mulf %rsqrt3A, %get3A_20 : vector<1x128xf32>
    %mul3A_22 = vector.broadcast %mul3A_21 : vector<1x128xf32> to vector<1000x128xf32>
    %mul3A_23 = arith.mulf %sub3A_17, %mul3A_22 : vector<1000x128xf32>
    %get3A_24 = arith.constant 0 : index
    %get3A_25 = arith.constant 0 : index
    %get3A_26 = vector.load %arg4[%get3A_24, %get3A_25] : memref<1x128xf32, #tpu.memory_space<vmem>>, vector<1x128xf32>
    %add3A_27 = vector.broadcast %get3A_26 : vector<1x128xf32> to vector<1000x128xf32>
    %add3A_28 = arith.addf %mul3A_23, %add3A_27 : vector<1000x128xf32>
    %max3A = arith.constant 0.000000e+00 : f32
    %max3A_29 = vector.broadcast %max3A : f32 to vector<1000x128xf32>
    %max3A_30 = arith.maximumf %add3A_28, %max3A_29 : vector<1000x128xf32>
    %swap3A = arith.constant 0 : index
    %swap3A_31 = arith.constant 0 : index
    %swap3A_32 = vector.load %arg5[%swap3A, %swap3A_31] : memref<1000x128xf32, #tpu.memory_space<vmem>>, vector<1000x128xf32>
    tpu.vector_store %arg5[%swap3A, %swap3A_31], %max3A_30 {strides = array<i32>} : memref<1000x128xf32, #tpu.memory_space<vmem>>, vector<1000x128xf32>,
    return
  }
  func.func @transform_0(%arg0: i32) -> (i32, i32) {
    %c0_i32 = arith.constant 0 : i32
    %c0_i32_0 = arith.constant 0 : i32
    return %arg0, %c0_i32 : i32, i32
  }
  func.func @transform_1(%arg0: i32) -> (i32, i32) {
    %c0_i32 = arith.constant 0 : i32
    %c0_i32_0 = arith.constant 0 : i32
    %c0_i32_1 = arith.constant 0 : i32
    return %c0_i32, %c0_i32_0 : i32, i32
  }
  func.func @transform_2(%arg0: i32) -> (i32, i32) {
    %c0_i32 = arith.constant 0 : i32
    %c0_i32_0 = arith.constant 0 : i32
    %c0_i32_1 = arith.constant 0 : i32
    return %c0_i32, %c0_i32_0 : i32, i32
  }
  func.func @transform_3(%arg0: i32) -> (i32, i32) {
    %c0_i32 = arith.constant 0 : i32
    %c0_i32_0 = arith.constant 0 : i32
    %c0_i32_1 = arith.constant 0 : i32
    return %c0_i32, %c0_i32_0 : i32, i32
  }
  func.func @transform_4(%arg0: i32) -> (i32, i32) {
    %c0_i32 = arith.constant 0 : i32
    %c0_i32_0 = arith.constant 0 : i32
    return %arg0, %c0_i32 : i32, i32
  }
}

module attributes {stable_mosaic.version = 14 : i64} {
  func.func @_bn_body(%arg0: i32, %arg1: memref<1000x128xf32, #tpu.memory_space<vmem>>, %arg2: memref<8x128xf32, #tpu.memory_space<vmem>>, %arg3: memref<1x128xf32, #tpu.memory_space<vmem>>, %arg4: memref<1x128xf32, #tpu.memory_space<vmem>>, %arg5: memref<1000x128xf32, #tpu.memory_space<vmem>>) attributes {dimension_semantics = [#tpu.dimension_semantics<arbitrary>], iteration_bounds = array<i64: 10>, scalar_prefetch = 0 : i64, scratch_operands = 0 : i64, tpu.core_type = #tpu.core_type<tc>, window_params = [{transform_indices = @transform_0, window_bounds = array<i64: 1000, 128>}, {pipeline_mode = #tpu.pipeline_mode<synchronous>, transform_indices = @transform_1, window_bounds = array<i64: 8, 128>}, {pipeline_mode = #tpu.pipeline_mode<synchronous>, transform_indices = @transform_2, window_bounds = array<i64: 1, 128>}, {pipeline_mode = #tpu.pipeline_mode<synchronous>, transform_indices = @transform_3, window_bounds = array<i64: 1, 128>}, {transform_indices = @transform_4, window_bounds = array<i64: 1000, 128>}]} {
    %get3A = arith.constant 0 : index
    %get3A_0 = arith.constant 0 : index
    %get3A_1 = vector.load %arg2[%get3A, %get3A_0] : memref<8x128xf32, #tpu.memory_space<vmem>>, vector<1x128xf32>
    %mul3A = arith.constant 9.99999974E-5 : f32
    %mul3A_2 = vector.broadcast %mul3A : f32 to vector<1x128xf32>
    %mul3A_3 = arith.mulf %get3A_1, %mul3A_2 : vector<1x128xf32>
    %get3A_4 = arith.constant 1 : index
    %get3A_5 = arith.constant 0 : index
    %get3A_6 = vector.load %arg2[%get3A_4, %get3A_5] : memref<8x128xf32, #tpu.memory_space<vmem>>, vector<1x128xf32>
    %mul3A_7 = arith.constant 9.99999974E-5 : f32
    %mul3A_8 = vector.broadcast %mul3A_7 : f32 to vector<1x128xf32>
    %mul3A_9 = arith.mulf %get3A_6, %mul3A_8 : vector<1x128xf32>
    %mul3A_10 = arith.mulf %mul3A_3, %mul3A_3 : vector<1x128xf32>
    %sub3A = arith.subf %mul3A_9, %mul3A_10 : vector<1x128xf32>
    %add3A = arith.constant 9.99999974E-6 : f32
    %add3A_11 = vector.broadcast %add3A : f32 to vector<1x128xf32>
    %add3A_12 = arith.addf %sub3A, %add3A_11 : vector<1x128xf32>
    %rsqrt3A = math.rsqrt %add3A_12 : vector<1x128xf32>
    %get3A_13 = arith.constant 0 : index
    %get3A_14 = arith.constant 0 : index
    %get3A_15 = vector.load %arg1[%get3A_13, %get3A_14] : memref<1000x128xf32, #tpu.memory_space<vmem>>, vector<1000x128xf32>
    %sub3A_16 = vector.broadcast %mul3A_3 : vector<1x128xf32> to vector<1000x128xf32>
    %sub3A_17 = arith.subf %get3A_15, %sub3A_16 : vector<1000x128xf32>
    %get3A_18 = arith.constant 0 : index
    %get3A_19 = arith.constant 0 : index
    %get3A_20 = vector.load %arg3[%get3A_18, %get3A_19] : memref<1x128xf32, #tpu.memory_space<vmem>>, vector<1x128xf32>
    %mul3A_21 = arith.mulf %rsqrt3A, %get3A_20 : vector<1x128xf32>
    %mul3A_22 = vector.broadcast %mul3A_21 : vector<1x128xf32> to vector<1000x128xf32>
    %mul3A_23 = arith.mulf %sub3A_17, %mul3A_22 : vector<1000x128xf32>
    %get3A_24 = arith.constant 0 : index
    %get3A_25 = arith.constant 0 : index
    %get3A_26 = vector.load %arg4[%get3A_24, %get3A_25] : memref<1x128xf32, #tpu.memory_space<vmem>>, vector<1x128xf32>
    %add3A_27 = vector.broadcast %get3A_26 : vector<1x128xf32> to vector<1000x128xf32>
    %add3A_28 = arith.addf %mul3A_23, %add3A_27 : vector<1000x128xf32>
    %swap3A = arith.constant 0 : index
    %swap3A_29 = arith.constant 0 : index
    %swap3A_30 = vector.load %arg5[%swap3A, %swap3A_29] : memref<1000x128xf32, #tpu.memory_space<vmem>>, vector<1000x128xf32>
    tpu.vector_store %arg5[%swap3A, %swap3A_29], %add3A_28 {strides = array<i32>} : memref<1000x128xf32, #tpu.memory_space<vmem>>, vector<1000x128xf32>,
    return
  }
  func.func @transform_0(%arg0: i32) -> (i32, i32) {
    %c0_i32 = arith.constant 0 : i32
    %c0_i32_0 = arith.constant 0 : i32
    return %arg0, %c0_i32 : i32, i32
  }
  func.func @transform_1(%arg0: i32) -> (i32, i32) {
    %c0_i32 = arith.constant 0 : i32
    %c0_i32_0 = arith.constant 0 : i32
    %c0_i32_1 = arith.constant 0 : i32
    return %c0_i32, %c0_i32_0 : i32, i32
  }
  func.func @transform_2(%arg0: i32) -> (i32, i32) {
    %c0_i32 = arith.constant 0 : i32
    %c0_i32_0 = arith.constant 0 : i32
    %c0_i32_1 = arith.constant 0 : i32
    return %c0_i32, %c0_i32_0 : i32, i32
  }
  func.func @transform_3(%arg0: i32) -> (i32, i32) {
    %c0_i32 = arith.constant 0 : i32
    %c0_i32_0 = arith.constant 0 : i32
    %c0_i32_1 = arith.constant 0 : i32
    return %c0_i32, %c0_i32_0 : i32, i32
  }
  func.func @transform_4(%arg0: i32) -> (i32, i32) {
    %c0_i32 = arith.constant 0 : i32
    %c0_i32_0 = arith.constant 0 : i32
    return %arg0, %c0_i32 : i32, i32
  }
}

</mosaic_0001>

<sc_bundles>
// kernel: kernel.11.cloned.1.call-start
scs
__scs_entry_jumppad:
0x0: {  	(pc) =	sbr.rel $0x88, $3  }
0x1: {  	(tag) =	ssettag $0x0;
	lr =	simm.s32 $0x1  }
0x2: {  	[smem:$0x3F98] =	sst lr;
	_ =	strace $0xD0000000  }
0x3: {  	_ = 	snop  }
0x4: {  	_ = 	snop  }
0x5: {  	_ = 	snop  }
0x6: {  	_ = 	snop  }
0x7: {  	_ = 	snop  }
__scs_overlays_trampoline_lowered:
0x8: {  	[smem:$0x3FA7] =	sst s0  }
0x9: {  	[smem:$0x3FA8] =	sst s1  }
0xa: {  	[smem:$0x3FA9] =	sst s2  }
0xb: {  	[smem:$0x3FAA] =	sst s3  }
0xc: {  	[smem:$0x3FAB] =	sst s4  }
0xd: {  	[smem:$0x3FAC] =	sst s5  }
0xe: {  	[smem:$0x3FAD] =	sst s6  }
0xf: {  	[smem:$0x3FAE] =	sst s7  }
0x10: {  	[smem:$0x3FAF] =	sst s8  }
0x11: {  	[smem:$0x3FB0] =	sst s9;
	s0 =	simm.s32 @!p0 $0x0  }
0x12: {  	s1 =	sld [smem:$0x3F96];
	s0 =	simm.s32 @p0 $0x1  }
0x13: {  	[smem:$0x3FB1] =	sst s0;
	s0 =	simm.s32 @!p1 $0x0  }
0x14: {  	s2 =	sld [smem:$0x3F95];
	s0 =	simm.s32 @p1 $0x1  }
0x15: {  	[smem:$0x3FB2] =	sst s0;
	s0 =	simm.s32 @!p2 $0x0  }
0x16: {  	s3 =	sld [smem:$0x3FDB];
	s0 =	simm.s32 @p2 $0x1  }
0x17: {  	s4 =	simm.s32 $0x1BF5;
	[smem:$0x3FB4] =	sst s0  }
0x18: {  	s0 =	sld [smem:$0x3F97];
	_ =	swait.ge [sflag:s4], $0x0  }
0x19: {  	s7 =	sld [smem:$0x3F98]  }
0x1a: {  	s8 =	sadd.s32 $0xFFFFE003, lr  }
0x1b: {  	s9 =	sadd.s32 $0xFFFFFEF7, lr;
	s5 =	simm.s32 $0xFFFFFFFF;
	p2 =	slt.u32 s8, $0xFFFFF086  }
0x1c: {  	p1 =	slt.u32 s9, $0xF7A;
	s5 =	simm.s32 @!p2 $0x0  }
0x1d: {  	s5 =	simm.s32 @p1 $0x1;
	p0 =	seq.s32 s7, s2  }
0x1e: {  	s7 =	smul.u32 @!p0 $0xF7A, s2;
	p2 =	seq.s32 @!p0 s5, $0x0  }
0x1f: {  	s9 =	smul.u32 $0xF7A, s1;
	s8 =	simm.s32 @!p0 $0x1BF5;
	p2 =	por !p2, p0  }
0x20: {  	[sflag:s8] =	ssyncset.s32 @!p0 $0xFFFFF086;
	s6 =	sadd.s32 @!p0 s3, s7;
	s7 =	simm.s32 @!p0 $0x108  }
0x21: {  	s3 =	sadd.s32 s3, s9;
	s6 =	sadd.s32 @!p0 $0x88, s6;
	s7 =	simm.s32 @p2 $0x1082  }
0x22: {  	[simem:s7], [sflag:s8] =	dma.local @!p0 [hbm:s6], $0xF7A  }
0x23: {  	s9 =	sor.u32 $0xD0000000, s2;
	s6 =	simm.s32 $0x108;
	_ =	swait.ge @!p0 [sflag:s8], $0x0  }
0x24: {  	s3 =	sadd.s32 $0x88, s3;
	s6 =	simm.s32 @!p1 $0x1082;
	[sflag:s4] =	ssyncset.s32 $0xFFFFF086  }
0x25: {  	[simem:s6], [sflag:s4] =	dma.local [hbm:s3], $0xF7A  }
0x26: {  	[smem:$0x3F98] =	sst s1;
	(tag) =	ssettag s2;
	_ =	strace s9  }
0x27: {  	s1 =	sld [smem:$0x3FA8]  }
0x28: {  	s2 =	sld [smem:$0x3FA9]  }
0x29: {  	s4 =	sld [smem:$0x3FAB]  }
0x2a: {  	p0 =	seq.s32 s5, $0x0;
	s5 =	sld [smem:$0x3FAC]  }
0x2b: {  	s6 =	sld [smem:$0x3FAD]  }
0x2c: {  	s7 =	sld [smem:$0x3FAE]  }
0x2d: {  	s3 =	simm.s32 $0x108;
	s8 =	sld [smem:$0x3FAF]  }
0x2e: {  	s3 =	simm.s32 @!p0 $0x1082;
	s9 =	sld [smem:$0x3FB0]  }
0x2f: {  	lr =	sadd.s32 s0, s3;
	s0 =	sld [smem:$0x3FA7]  }
0x30: {  	s3 =	sld [smem:$0x3FAA]  }
0x31: {  	[smem:$0x3FB3] =	sst s10  }
0x32: {  	s10 =	sld [smem:$0x3FB1];
	_ =	sdelay $0x3  }
0x33: {  	p0 =	seq.s32 s10, $0x1;
	s10 =	sld [smem:$0x3FB3];
	_ =	sdelay $0x3  }
0x34: {  	[smem:$0x3FB3] =	sst s10  }
0x35: {  	s10 =	sld [smem:$0x3FB2];
	_ =	sdelay $0x3  }
0x36: {  	p1 =	seq.s32 s10, $0x1;
	s10 =	sld [smem:$0x3FB3];
	_ =	sdelay $0x3  }
0x37: {  	[smem:$0x3FB3] =	sst s10  }
0x38: {  	s10 =	sld [smem:$0x3FB4]  }
0x39: {  	_ = 	snop;
	(pc) =	sbr.ind lr, $3  }
0x3a: {  	_ = 	snop  }
0x3b: {  	_ = 	snop  }
0x3c: {  	p2 =	seq.s32 s10, $0x1;
	s10 =	sld [smem:$0x3FB3]  }
0x3d: {  	_ =	shalt  }
0x3e: {  	_ =	shalt  }
0x3f: {  	_ =	shalt  }
0x40: {  	_ =	shalt  }
0x41: {  	_ =	shalt  }
0x42: {  	_ =	shalt  }
0x43: {  	_ =	shalt  }
0x44: {  	_ =	shalt  }
0x45: {  	_ =	shalt  }
0x46: {  	_ =	shalt  }
0x47: {  	_ =	shalt  }
0x48: {  	_ =	shalt  }
0x49: {  	_ =	shalt  }
0x4a: {  	_ =	shalt  }
0x4b: {  	_ =	shalt  }
0x4c: {  	_ =	shalt  }
0x4d: {  	_ =	shalt  }
0x4e: {  	_ =	shalt  }
0x4f: {  	_ =	shalt  }
0x50: {  	_ =	shalt  }
0x51: {  	_ =	shalt  }
0x52: {  	_ =	shalt  }
0x53: {  	_ =	shalt  }
0x54: {  	_ =	shalt  }
0x55: {  	_ =	shalt  }
0x56: {  	_ =	shalt  }
0x57: {  	_ =	shalt  }
0x58: {  	_ =	shalt  }
0x59: {  	_ =	shalt  }
0x5a: {  	_ =	shalt  }
0x5b: {  	_ =	shalt  }
0x5c: {  	_ =	shalt  }
0x5d: {  	_ =	shalt  }
0x5e: {  	_ =	shalt  }
0x5f: {  	_ =	shalt  }
0x60: {  	_ =	shalt  }
0x61: {  	_ =	shalt  }
0x62: {  	_ =	shalt  }
0x63: {  	_ =	shalt  }
0x64: {  	_ =	shalt  }
0x65: {  	_ =	shalt  }
0x66: {  	_ =	shalt  }
0x67: {  	_ =	shalt  }
0x68: {  	_ =	shalt  }
0x69: {  	_ =	shalt  }
0x6a: {  	_ =	shalt  }
0x6b: {  	_ =	shalt  }
0x6c: {  	_ =	shalt  }
0x6d: {  	_ =	shalt  }
0x6e: {  	_ =	shalt  }
0x6f: {  	_ =	shalt  }
0x70: {  	_ =	shalt  }
0x71: {  	_ =	shalt  }
0x72: {  	_ =	shalt  }
0x73: {  	_ =	shalt  }
0x74: {  	_ =	shalt  }
0x75: {  	_ =	shalt  }
0x76: {  	_ =	shalt  }
0x77: {  	_ =	shalt  }
0x78: {  	_ =	shalt  }
0x79: {  	_ =	shalt  }
0x7a: {  	_ =	shalt  }
0x7b: {  	_ =	shalt  }
0x7c: {  	_ =	shalt  }
0x7d: {  	_ =	shalt  }
0x7e: {  	_ =	shalt  }
0x7f: {  	_ =	shalt  }
0x80: {  	_ =	shalt  }
0x81: {  	_ =	shalt  }
0x82: {  	_ =	shalt  }
0x83: {  	_ =	shalt  }
0x84: {  	_ =	shalt  }
0x85: {  	_ =	shalt  }
0x86: {  	_ =	shalt  }
0x87: {  	_ =	shalt  }
.Lfunc_end0:
.L_simem_size_0:
called_computation_lowered:
.L_overlay_start_0:
0x88: {  	s2 =	sld [smem:$0x3FD9]  }
0x89: {  	s3 =	sld [smem:$0x3FFE];
	_ =	sdelay $0x1  }
0x8a: {  	s1 =	srdreg.scid  }
0x8b: {  	s0 =	sand.u32 $0x1, s1  }
0x8c: {  	s17 =	sshll.u32 s0, $0xA;
	s2 =	sadd.s32 s3, s2  }
0x8d: {  	s2 =	sadd.s32 s2, s17  }
0x8e: {  	[smem:$0x3FBF] =	sst s2  }
0x8f: {  	_ = 	snop  }
0x90: {  	s2 =	sld [smem:$0x3FC9];
	(tm) =	ssettm $0x1  }
0x91: {  	s18 =	sld [smem:$0x3FFB];
	_ =	sdelay $0x3  }
0x92: {  	_ =	strace s18  }
0x93: {  	s3 =	sld [smem:$0x3FFC];
	_ =	sdelay $0x3  }
0x94: {  	_ =	strace s3  }
0x95: {  	s3 =	sld [smem:$0x3FFD];
	_ =	sdelay $0x3  }
0x96: {  	_ =	strace s3  }
0x97: {  	_ =	strace $0x8FFFFFFF  }
0x98: {  	s19 =	sld [smem:$0x3FDB];
	_ =	sdelay $0x1  }
0x99: {  	s4 =	simm.s32 $_scs_section_size  }
0x9a: {  	s5 =	simm.s32 $_size__tile_overlayer_lowered;
	s6 =	simm.s32 $_tile_overlayer_lowered  }
0x9b: {  	s22 =	simm.s32 $0x1BFF;
	s21 =	sshll.u32 s6, $0x1;
	s3 =	sadd.s32 s4, s19  }
0x9c: {  	s7 =	simm.s32 $0x0;
	s20 =	sshll.u32 s5, $0x1;
	s5 =	sadd.s32 s21, s3  }
0x9d: {  	[timem:s7], [sflag:s22] =	dma.local [hbm:s5], s20  }
0x9e: {  	_ =	swait.ge [sflag:s22], s20  }
0x9f: {  	s4 =	ssub.s32 $0x0, s20;
	[sflag:s22] =	ssyncset.done $0x0  }
0xa0: {  	[sflag:s22] =	ssyncadd.s32 s4;
	_ =	sdelay $0x1  }
0xa1: {  	s23 =	simm.s32 $0x1B8B  }
0xa2: {  	_ =	swait.ge [sflag:s23], $0x1  }
0xa3: {  	[sflag:s23] =	ssyncset.done $0x0  }
0xa4: {  	s25 =	simm.s32 $0x1B8E;
	s24 =	sld [smem:$0x3FFE];
	[sflag:s23] =	ssyncadd.s32 $0xFFFFFFFF  }
0xa5: {  	s26 =	simm.s32 $execute0_lowered;
	[smem:$0x3FD2] =	sst s25  }
0xa6: {  	s5 =	sshll.u32 s26, $0x1;
	_ =	strace $0x80000046;
	[dreg:$0x1] =	wrdreg $0xFFFFFFFF  }
0xa7: {  	s28 =	simm.s32 $_size_execute0_lowered;
	s3 =	sadd.s32 s3, s5;
	[dreg:$0x0] =	wrdreg $0x0  }
0xa8: {  	s5 =	sshll.u32 s28, $0x1;
	[dreg:$0x2] =	wrdreg s3  }
0xa9: {  	[dreg:$0x3] =	wrdreg s5  }
0xaa: {  	[dreg:$0x4] =	wrdreg $0xC0  }
0xab: {  	_ =	task [dreg:s7], $0x5FFFF  }
0xac: {  	[dreg:$0x1] =	wrdreg $0xFFFFFFFF  }
0xad: {  	[dreg:$0x0] =	wrdreg $0x60  }
0xae: {  	[dreg:$0x2] =	wrdreg s2  }
0xaf: {  	[dreg:$0x3] =	wrdreg s24  }
0xb0: {  	[dreg:$0x4] =	wrdreg $0xA8000  }
0xb1: {  	[dreg:$0x5] =	wrdreg $0x9  }
0xb2: {  	_ =	task.clear_ibuf [dreg:s7], $0x6FFFF;
	_ =	strace $0x90000046  }
0xb3: {  	s29 =	simm.s32 $0x9;
	_ =	strace $0x80000048  }
0xb4: {  	_ =	swait.ge [sflag:s29], $0x1  }
0xb5: {  	[sflag:s29] =	ssyncadd.s32 $0xFFFFFFFF  }
0xb6: {  	_ =	strace $0x90000048  }
0xb7: {  	_ =	sfence  }
0xb8: {  	s30 =	sld [smem:$0x0];
	_ =	sdelay $0x2  }
0xb9: {  	s31 =	sshll.u32 s1, $0xD;
	s1 =	sshrl.u32 s1, $0x2  }
0xba: {  	s3 =	sand.u32 $0x4000, s31;
	s1 =	sadd.s32 s1, s30  }
0xbb: {  	s0 =	sor.u32 s3, s0;
	s1 =	sshll.u32 s1, $0x11  }
0xbc: {  	s0 =	sor.u32 s1, s0  }
0xbd: {  	s0 =	sadd.s32 $0x8F2B, s0  }
0xbe: {  	[sflag:s0] =	ssyncadd.remote.s32 $0x1  }
0xbf: {  	_ =	sfence.sel $0xFFFF  }
0xc0: {  	[dreg:$0x0] =	wrdreg $0xFFFFFFFF;
	(pc) =	sbr.abs _section_cstart, $3  }
0xc1: {  	[dreg:$0x1] =	wrdreg $0xFFFFFFFF  }
0xc2: {  	_ =	task.clear_ibuf [dreg:s7], $0x2FFFF;
	_ =	strace $0x9FFFFFFF  }
0xc3: {  	(tm) =	ssettm $0x7FFFFFFF  }
tec
execute0_lowered:
.L_overlay_start_1:
0x0: {  	(tag) =	ssettag $0x1  }
0x1: {  	s1 =	rddreg [dreg:$0x0]  }
0x2: {  	s8 =	rddreg [dreg:$0x1]  }
0x3: {  	s3 =	rddreg [dreg:$0x2]  }
0x4: {  	s0 =	rddreg [dreg:$0x3];
	s4 =	simm.s32 $0x0  }
0x5: {  	s2 =	stileid.u32;
	s5 =	srdreg.scid;
	s16 =	simm.s32 $0x80  }
0x6: {  	s17 =	simm.s32 $0x2800;
	s18 =	simm.s32 $0x6800;
	s19 =	simm.s32 $0x1  }
0x7: {  	s20 =	simm.s32 $0x2;
	s21 =	simm.s32 $0x3;
	s22 =	simm.s32 $0x4  }
0x8: {  	s23 =	simm.s32 $0x2700;
	s26 =	simm.s32 $0x0;
	[smem:$0x7FF] =	sst s4  }
0x9: {  	s24 =	smul.u32 $0x2780, s2;
	s5 =	sand.u32 $0x1, s5;
	s10 =	sadd.s32 $0x3800, s8  }
0xa: {  	s11 =	smul.u32 $0x4F000, s2;
	s31 =	sshll.u32 s2, $0x6;
	_ =	strace $0x80000047  }
0xb: {  	s7 =	smul.u32 $0x27800, s5;
	s9 =	ssub.s32 $0x2, s5;
	s5 =	sshll.u32 s5, $0x4  }
0xc: {  	s6 =	sadd.s32 s24, s8;
	s28 =	sshrl.u32 s9, $0x1;
	s5 =	sor.u32 s2, s5  }
0xd: {  	s29 =	sshrl.u32 s11, $0x2;
	s12 =	sadd.s32 s7, s8;
	s30 =	smul.u32 $0x2800, s5  }
0xe: {  	s13 =	ssub.s32 s9, s28;
	s14 =	sadd.s32 s29, s3;
	s15 =	smul.u32 $0x500, s5  }
0xf: {  	s5 =	sadd.s32 $0x17800, s6;
	s6 =	sor.u32 $0x1C05, s31;
	s8 =	sadd.s32 $0xD800, s8  }
0x10: {  	s25 =	sadd.s32 $0x3F000, s12;
	s11 =	smax.u32 s13, $0x1;
	s12 =	sshrl.u32 s14, $0x3  }
0x11: {  	s13 =	simm.s32 $0x5;
	s9 =	sshrl.u32 s30, $0x3;
	s7 =	sadd.s32 s10, s15  }
0x12: {  	s14 =	sadd.s32 s15, s8;
	s15 =	simm.s32 $0x1400;
	s9 =	sadd.s32 $0x280, s9  }
0x13: {  	s24 =	sadd.s32 s24, s25;
	s25 =	simm.s32 $0x2780;
	s10 =	sadd.s32 s10, s9  }
.LBB2_1:
0x14: {  	[spmem:s12], [sflag:s6] =	dma.local [hbm:s5], $0x2780  }
0x15: {  	_ =	swait.ge [sflag:s13], $0x2780  }
0x16: {  	[sflag:s13] =	ssyncset.done $0x0  }
0x17: {  	[sflag:s13] =	ssyncadd.s32 $0xFFFFD880  }
0x18: {  	[bflag:$0x0] =	sbarrier.arrive $0xFFFF  }
0x19: {  	[tilespmem:s4], [sflag:$0x5] =	stream.linear.gather [hbm4b:s7+s4], $0x1400, $0x38;
	[tilespmem:$0x1E400] =	vst v63  }
0x1a: {  	_ =	swait.ge [sflag:s13], $0x1400  }
0x1b: {  	[sflag:s13] =	ssyncset.done $0x0  }
0x1c: {  	[sflag:s13] =	ssyncadd.s32 $0xFFFFEC00  }
0x1d: {  	[tilespmem:s15], [sflag:$0x5] =	stream.linear.gather [hbm4b:s14+s4], $0x1400, $0x38;
	[tilespmem:$0x1E400] =	vst v63  }
0x1e: {  	_ =	swait.ge [sflag:s13], $0x1400  }
0x1f: {  	[sflag:s13] =	ssyncset.done $0x0  }
0x20: {  	[sflag:s13] =	ssyncadd.s32 $0xFFFFEC00  }
0x21: {  	[tilespmem:s17], [sflag:$0x1] =	stream.indirect.gather [hbm4b:s1+s16], $0x80, s4, s16, $0xb8;
	[tilespmem:$0x1E400] =	vst v63  }
0x22: {  	_ = 	snop  }
0x23: {  	[tilespmem:s18], [sflag:$0x2] =	stream.indirect.gather [hbm4b:s1+s16], $0x80, s16, s16, $0xb8;
	[tilespmem:$0x1E400] =	vst v63  }
0x24: {  	_ =	swait.ge [sflag:s19], $0x4000  }
0x25: {  	[sflag:s19] =	ssyncset.done $0x0  }
0x26: {  	s28 =	simm.s32 $0x1400;
	[sflag:s19] =	ssyncadd.s32 $0xFFFFC000  }
0x27: {  	[spmem:s3] =	stream.indirect.scatter.add.f32 [tilespmem:s17], [sflag:$0x3], $0x80, s28, s16, $0xb8;
	[tilespmem:$0x1E400] =	vst v63  }
0x28: {  	_ =	swait.ge [sflag:s20], $0x4000  }
0x29: {  	[sflag:s20] =	ssyncset.done $0x0  }
0x2a: {  	s28 =	simm.s32 $0x1480;
	[sflag:s20] =	ssyncadd.s32 $0xFFFFC000  }
0x2b: {  	[spmem:s3] =	stream.indirect.scatter.add.f32 [tilespmem:s18], [sflag:$0x4], $0x80, s28, s16, $0xb8;
	[tilespmem:$0x1E400] =	vst v63  }
0x2c: {  	_ =	swait.ge [sflag:s21], $0x4000  }
0x2d: {  	[sflag:s21] =	ssyncset.done $0x0  }
0x2e: {  	s28 =	simm.s32 $0x100;
	[sflag:s21] =	ssyncadd.s32 $0xFFFFC000  }
0x2f: {  	[tilespmem:s17], [sflag:$0x1] =	stream.indirect.gather [hbm4b:s1+s16], $0x80, s28, s16, $0xb8;
	[tilespmem:$0x1E400] =	vst v63  }
0x30: {  	_ =	swait.ge [sflag:s22], $0x4000  }
0x31: {  	[sflag:s22] =	ssyncset.done $0x0  }
0x32: {  	s29 =	simm.s32 $0x180;
	s28 =	simm.s32 $0x400;
	[sflag:s22] =	ssyncadd.s32 $0xFFFFC000  }
.LBB2_2:
0x33: {  	[tilespmem:s18], [sflag:$0x2] =	stream.indirect.gather [hbm4b:s1+s16], $0x80, s29, s16, $0xb8;
	[tilespmem:$0x1E400] =	vst v63  }
0x34: {  	s29 =	smov.u32 s28  }
0x35: {  	p0 =	sne.s32 s28, $0x4800;
	s28 =	sadd.s32 $0x400, s28;
	_ =	swait.ge [sflag:s19], $0x4000  }
0x36: {  	s29 =	sshra.s32 s29, $0x2;
	[sflag:s19] =	ssyncset.done $0x0  }
0x37: {  	s30 =	sadd.s32 $0x1400, s29;
	[sflag:s19] =	ssyncadd.s32 $0xFFFFC000  }
0x38: {  	[spmem:s3] =	stream.indirect.scatter.add.f32 [tilespmem:s17], [sflag:$0x3], $0x80, s30, s16, $0xb8;
	[tilespmem:$0x1E400] =	vst v63  }
0x39: {  	_ =	swait.ge [sflag:s20], $0x4000  }
0x3a: {  	[sflag:s20] =	ssyncset.done $0x0  }
0x3b: {  	s30 =	sadd.s32 $0x1480, s29;
	[sflag:s20] =	ssyncadd.s32 $0xFFFFC000  }
0x3c: {  	[spmem:s3] =	stream.indirect.scatter.add.f32 [tilespmem:s18], [sflag:$0x4], $0x80, s30, s16, $0xb8;
	[tilespmem:$0x1E400] =	vst v63  }
0x3d: {  	_ =	swait.ge [sflag:s21], $0x4000  }
0x3e: {  	[sflag:s21] =	ssyncset.done $0x0  }
.Ltmp0:
0x3f: {  	s30 =	sadd.s32 $0x100, s29;
	[sflag:s21] =	ssyncadd.s32 $0xFFFFC000;
	(pc) =	sbr.rel @p0 .LBB2_2-.Ltmp0, $4  }
0x40: {  	[tilespmem:s17], [sflag:$0x1] =	stream.indirect.gather [hbm4b:s1+s16], $0x80, s30, s16, $0xb8;
	[tilespmem:$0x1E400] =	vst v63  }
0x41: {  	_ =	swait.ge [sflag:s22], $0x4000  }
0x42: {  	[sflag:s22] =	ssyncset.done $0x0  }
0x43: {  	s29 =	sadd.s32 $0x180, s29;
	[sflag:s22] =	ssyncadd.s32 $0xFFFFC000  }
0x44: {  	[tilespmem:s18], [sflag:$0x2] =	stream.indirect.gather [hbm4b:s1+s16], $0x80, s29, s16, $0xb8;
	[tilespmem:$0x1E400] =	vst v63  }
0x45: {  	_ =	swait.ge [sflag:s19], $0x4000  }
0x46: {  	[sflag:s19] =	ssyncset.done $0x0  }
0x47: {  	[sflag:s19] =	ssyncadd.s32 $0xFFFFC000  }
0x48: {  	[spmem:s3] =	stream.indirect.scatter.add.f32 [tilespmem:s17], [sflag:$0x3], $0x80, s23, s16, $0xb8;
	[tilespmem:$0x1E400] =	vst v63  }
0x49: {  	_ =	swait.ge [sflag:s20], $0x4000  }
0x4a: {  	[sflag:s20] =	ssyncset.done $0x0  }
0x4b: {  	[sflag:s20] =	ssyncadd.s32 $0xFFFFC000  }
0x4c: {  	[spmem:s3] =	stream.indirect.scatter.add.f32 [tilespmem:s18], [sflag:$0x4], $0x80, s25, s16, $0xb8;
	[tilespmem:$0x1E400] =	vst v63  }
0x4d: {  	_ =	swait.ge [sflag:s21], $0x4000  }
0x4e: {  	[sflag:s21] =	ssyncset.done $0x0  }
0x4f: {  	[sflag:s21] =	ssyncadd.s32 $0xFFFFC000  }
0x50: {  	_ =	swait.ge [sflag:s22], $0x4000  }
0x51: {  	[sflag:s22] =	ssyncset.done $0x0  }
0x52: {  	s28 =	simm.s32 $0x0;
	[sflag:s22] =	ssyncadd.s32 $0xFFFFC000  }
0x53: {  	[tilespmem:s28], [sflag:$0x5] =	stream.linear.gather [hbm4b:s10+s28], $0x1400, $0x38;
	[tilespmem:$0x1E400] =	vst v63  }
0x54: {  	_ =	swait.ge [sflag:s13], $0x1400  }
0x55: {  	[sflag:s13] =	ssyncset.done $0x0  }
0x56: {  	s29 =	sadd.s32 s9, s8;
	[sflag:s13] =	ssyncadd.s32 $0xFFFFEC00  }
0x57: {  	[tilespmem:s15], [sflag:$0x5] =	stream.linear.gather [hbm4b:s29+s28], $0x1400, $0x38;
	[tilespmem:$0x1E400] =	vst v63  }
0x58: {  	_ =	swait.ge [sflag:s13], $0x1400  }
0x59: {  	[sflag:s13] =	ssyncset.done $0x0  }
0x5a: {  	[sflag:s13] =	ssyncadd.s32 $0xFFFFEC00  }
0x5b: {  	[tilespmem:s17], [sflag:$0x1] =	stream.indirect.gather [hbm4b:s1+s16], $0x80, s28, s16, $0xb8;
	[tilespmem:$0x1E400] =	vst v63  }
0x5c: {  	_ = 	snop  }
0x5d: {  	[tilespmem:s18], [sflag:$0x2] =	stream.indirect.gather [hbm4b:s1+s16], $0x80, s16, s16, $0xb8;
	[tilespmem:$0x1E400] =	vst v63  }
0x5e: {  	_ =	swait.ge [sflag:s19], $0x4000  }
0x5f: {  	[sflag:s19] =	ssyncset.done $0x0  }
0x60: {  	s28 =	simm.s32 $0x1400;
	[sflag:s19] =	ssyncadd.s32 $0xFFFFC000  }
0x61: {  	[spmem:s3] =	stream.indirect.scatter.add.f32 [tilespmem:s17], [sflag:$0x3], $0x80, s28, s16, $0xb8;
	[tilespmem:$0x1E400] =	vst v63  }
0x62: {  	_ =	swait.ge [sflag:s20], $0x4000  }
0x63: {  	[sflag:s20] =	ssyncset.done $0x0  }
0x64: {  	s28 =	simm.s32 $0x1480;
	[sflag:s20] =	ssyncadd.s32 $0xFFFFC000  }
0x65: {  	[spmem:s3] =	stream.indirect.scatter.add.f32 [tilespmem:s18], [sflag:$0x4], $0x80, s28, s16, $0xb8;
	[tilespmem:$0x1E400] =	vst v63  }
0x66: {  	_ =	swait.ge [sflag:s21], $0x4000  }
0x67: {  	[sflag:s21] =	ssyncset.done $0x0  }
0x68: {  	s28 =	simm.s32 $0x100;
	[sflag:s21] =	ssyncadd.s32 $0xFFFFC000  }
0x69: {  	[tilespmem:s17], [sflag:$0x1] =	stream.indirect.gather [hbm4b:s1+s16], $0x80, s28, s16, $0xb8;
	[tilespmem:$0x1E400] =	vst v63  }
0x6a: {  	_ =	swait.ge [sflag:s22], $0x4000  }
0x6b: {  	[sflag:s22] =	ssyncset.done $0x0  }
0x6c: {  	s29 =	simm.s32 $0x180;
	s28 =	simm.s32 $0x400;
	[sflag:s22] =	ssyncadd.s32 $0xFFFFC000  }
.LBB2_4:
0x6d: {  	[tilespmem:s18], [sflag:$0x2] =	stream.indirect.gather [hbm4b:s1+s16], $0x80, s29, s16, $0xb8;
	[tilespmem:$0x1E400] =	vst v63  }
0x6e: {  	s29 =	smov.u32 s28  }
0x6f: {  	p0 =	sne.s32 s28, $0x4800;
	s28 =	sadd.s32 $0x400, s28;
	_ =	swait.ge [sflag:s19], $0x4000  }
0x70: {  	s29 =	sshra.s32 s29, $0x2;
	[sflag:s19] =	ssyncset.done $0x0  }
0x71: {  	s30 =	sadd.s32 $0x1400, s29;
	[sflag:s19] =	ssyncadd.s32 $0xFFFFC000  }
0x72: {  	[spmem:s3] =	stream.indirect.scatter.add.f32 [tilespmem:s17], [sflag:$0x3], $0x80, s30, s16, $0xb8;
	[tilespmem:$0x1E400] =	vst v63  }
0x73: {  	_ =	swait.ge [sflag:s20], $0x4000  }
0x74: {  	[sflag:s20] =	ssyncset.done $0x0  }
0x75: {  	s30 =	sadd.s32 $0x1480, s29;
	[sflag:s20] =	ssyncadd.s32 $0xFFFFC000  }
0x76: {  	[spmem:s3] =	stream.indirect.scatter.add.f32 [tilespmem:s18], [sflag:$0x4], $0x80, s30, s16, $0xb8;
	[tilespmem:$0x1E400] =	vst v63  }
0x77: {  	_ =	swait.ge [sflag:s21], $0x4000  }
0x78: {  	[sflag:s21] =	ssyncset.done $0x0  }
.Ltmp1:
0x79: {  	s30 =	sadd.s32 $0x100, s29;
	[sflag:s21] =	ssyncadd.s32 $0xFFFFC000;
	(pc) =	sbr.rel @p0 .LBB2_4-.Ltmp1, $4  }
0x7a: {  	[tilespmem:s17], [sflag:$0x1] =	stream.indirect.gather [hbm4b:s1+s16], $0x80, s30, s16, $0xb8;
	[tilespmem:$0x1E400] =	vst v63  }
0x7b: {  	_ =	swait.ge [sflag:s22], $0x4000  }
0x7c: {  	[sflag:s22] =	ssyncset.done $0x0  }
0x7d: {  	s29 =	sadd.s32 $0x180, s29;
	[sflag:s22] =	ssyncadd.s32 $0xFFFFC000  }
0x7e: {  	[tilespmem:s18], [sflag:$0x2] =	stream.indirect.gather [hbm4b:s1+s16], $0x80, s29, s16, $0xb8;
	[tilespmem:$0x1E400] =	vst v63  }
0x7f: {  	_ =	swait.ge [sflag:s19], $0x4000  }
0x80: {  	[sflag:s19] =	ssyncset.done $0x0  }
0x81: {  	[sflag:s19] =	ssyncadd.s32 $0xFFFFC000  }
0x82: {  	[spmem:s3] =	stream.indirect.scatter.add.f32 [tilespmem:s17], [sflag:$0x3], $0x80, s23, s16, $0xb8;
	[tilespmem:$0x1E400] =	vst v63  }
0x83: {  	_ =	swait.ge [sflag:s20], $0x4000  }
0x84: {  	[sflag:s20] =	ssyncset.done $0x0  }
0x85: {  	[sflag:s20] =	ssyncadd.s32 $0xFFFFC000  }
0x86: {  	[spmem:s3] =	stream.indirect.scatter.add.f32 [tilespmem:s18], [sflag:$0x4], $0x80, s25, s16, $0xb8;
	[tilespmem:$0x1E400] =	vst v63  }
0x87: {  	_ =	swait.ge [sflag:s21], $0x4000  }
0x88: {  	[sflag:s21] =	ssyncset.done $0x0  }
0x89: {  	[sflag:s21] =	ssyncadd.s32 $0xFFFFC000  }
0x8a: {  	_ =	swait.ge [sflag:s22], $0x4000  }
0x8b: {  	s26 =	sadd.s32 $0x1, s26;
	[sflag:s22] =	ssyncset.done $0x0  }
0x8c: {  	p0 =	sne.s32 s26, s11;
	[sflag:s22] =	ssyncadd.s32 $0xFFFFC000  }
.Ltmp2:
0x8d: {  	[bflag:$0x0] =	sbarrier.arrive $0xFFFF;
	(pc) =	sbr.rel @p0 .LBB2_1-.Ltmp2, $4  }
0x8e: {  	[hbm:s24], [sflag:s6] =	dma.local [spmem:s12], $0x2780  }
0x8f: {  	_ =	swait.ge [sflag:s13], $0x2780  }
0x90: {  	[sflag:s13] =	ssyncset.done $0x0  }
0x91: {  	[sflag:s13] =	ssyncadd.s32 $0xFFFFD880  }
0x92: {  	_ =	sfence.sel $0x180000  }
0x93: {  	[bflag:$0x0] =	sbarrier.arrive $0xFFFF  }
0x94: {  	p0 =	sne.s32 s2, $0x0;
	_ =	strace $0x90000047  }
0x95: {  	s0 =	sadd.s32 @!p0 $0x100000, s0;
	[bflag:$0x2] =	sbarrier.arrive $0xFFFF  }
0x96: {  	[sflag:s0] =	ssyncadd.tile.s32 @!p0 $0x1;
	_ =	shalt  }
.Lfunc_end2:
_tile_overlayer_lowered:
.L_overlay_start_2:
0x97: {  	(tag) =	ssettag $0x2  }
0x98: {  	s0 =	rddreg [dreg:$0x0];
	s2 =	stileid.u32  }
0x99: {  	s1 =	rddreg [dreg:$0x1];
	p0 =	sne.s32 s2, $0x0  }
0x9a: {  	s3 =	rddreg [dreg:$0x2];
	[bflag:$0x3] =	sbarrier.arrive $0xFFFF;
	s2 =	simm.s32 @!p0 $0x1C05  }
0x9b: {  	[timem:s3], [sflag:s2] =	dma.local @!p0 [hbm:s0], s1  }
0x9c: {  	s0 =	simm.s32 @!p0 $0x5  }
0x9d: {  	_ =	swait.ge @!p0 [sflag:s0], s1  }
0x9e: {  	s1 =	ssub.s32 @!p0 $0x0, s1;
	[sflag:s0] =	ssyncset.done @!p0 $0x0  }
0x9f: {  	[sflag:s0] =	ssyncadd.s32 @!p0 s1  }
0xa0: {  	[bflag:$0x3] =	sbarrier.arrive $0xFFFF  }
0xa1: {  	_ =	shalt  }

// kernel: kernel.14.cloned.1.call-start
scs
__scs_entry_jumppad:
0x0: {  	(pc) =	sbr.rel $0x88, $3  }
0x1: {  	(tag) =	ssettag $0x0;
	lr =	simm.s32 $0x1  }
0x2: {  	[smem:$0x3F98] =	sst lr;
	_ =	strace $0xD0000000  }
0x3: {  	_ = 	snop  }
0x4: {  	_ = 	snop  }
0x5: {  	_ = 	snop  }
0x6: {  	_ = 	snop  }
0x7: {  	_ = 	snop  }
__scs_overlays_trampoline_lowered:
0x8: {  	[smem:$0x3FA7] =	sst s0  }
0x9: {  	[smem:$0x3FA8] =	sst s1  }
0xa: {  	[smem:$0x3FA9] =	sst s2  }
0xb: {  	[smem:$0x3FAA] =	sst s3  }
0xc: {  	[smem:$0x3FAB] =	sst s4  }
0xd: {  	[smem:$0x3FAC] =	sst s5  }
0xe: {  	[smem:$0x3FAD] =	sst s6  }
0xf: {  	[smem:$0x3FAE] =	sst s7  }
0x10: {  	[smem:$0x3FAF] =	sst s8  }
0x11: {  	[smem:$0x3FB0] =	sst s9;
	s0 =	simm.s32 @!p0 $0x0  }
0x12: {  	s1 =	sld [smem:$0x3F96];
	s0 =	simm.s32 @p0 $0x1  }
0x13: {  	[smem:$0x3FB1] =	sst s0;
	s0 =	simm.s32 @!p1 $0x0  }
0x14: {  	s2 =	sld [smem:$0x3F95];
	s0 =	simm.s32 @p1 $0x1  }
0x15: {  	[smem:$0x3FB2] =	sst s0;
	s0 =	simm.s32 @!p2 $0x0  }
0x16: {  	s3 =	sld [smem:$0x3FDB];
	s0 =	simm.s32 @p2 $0x1  }
0x17: {  	s4 =	simm.s32 $0x1BF5;
	[smem:$0x3FB4] =	sst s0  }
0x18: {  	s0 =	sld [smem:$0x3F97];
	_ =	swait.ge [sflag:s4], $0x0  }
0x19: {  	s7 =	sld [smem:$0x3F98]  }
0x1a: {  	s8 =	sadd.s32 $0xFFFFE003, lr  }
0x1b: {  	s9 =	sadd.s32 $0xFFFFFEF7, lr;
	s5 =	simm.s32 $0xFFFFFFFF;
	p2 =	slt.u32 s8, $0xFFFFF086  }
0x1c: {  	p1 =	slt.u32 s9, $0xF7A;
	s5 =	simm.s32 @!p2 $0x0  }
0x1d: {  	s5 =	simm.s32 @p1 $0x1;
	p0 =	seq.s32 s7, s2  }
0x1e: {  	s7 =	smul.u32 @!p0 $0xF7A, s2;
	p2 =	seq.s32 @!p0 s5, $0x0  }
0x1f: {  	s9 =	smul.u32 $0xF7A, s1;
	s8 =	simm.s32 @!p0 $0x1BF5;
	p2 =	por !p2, p0  }
0x20: {  	[sflag:s8] =	ssyncset.s32 @!p0 $0xFFFFF086;
	s6 =	sadd.s32 @!p0 s3, s7;
	s7 =	simm.s32 @!p0 $0x108  }
0x21: {  	s3 =	sadd.s32 s3, s9;
	s6 =	sadd.s32 @!p0 $0x88, s6;
	s7 =	simm.s32 @p2 $0x1082  }
0x22: {  	[simem:s7], [sflag:s8] =	dma.local @!p0 [hbm:s6], $0xF7A  }
0x23: {  	s9 =	sor.u32 $0xD0000000, s2;
	s6 =	simm.s32 $0x108;
	_ =	swait.ge @!p0 [sflag:s8], $0x0  }
0x24: {  	s3 =	sadd.s32 $0x88, s3;
	s6 =	simm.s32 @!p1 $0x1082;
	[sflag:s4] =	ssyncset.s32 $0xFFFFF086  }
0x25: {  	[simem:s6], [sflag:s4] =	dma.local [hbm:s3], $0xF7A  }
0x26: {  	[smem:$0x3F98] =	sst s1;
	(tag) =	ssettag s2;
	_ =	strace s9  }
0x27: {  	s1 =	sld [smem:$0x3FA8]  }
0x28: {  	s2 =	sld [smem:$0x3FA9]  }
0x29: {  	s4 =	sld [smem:$0x3FAB]  }
0x2a: {  	p0 =	seq.s32 s5, $0x0;
	s5 =	sld [smem:$0x3FAC]  }
0x2b: {  	s6 =	sld [smem:$0x3FAD]  }
0x2c: {  	s7 =	sld [smem:$0x3FAE]  }
0x2d: {  	s3 =	simm.s32 $0x108;
	s8 =	sld [smem:$0x3FAF]  }
0x2e: {  	s3 =	simm.s32 @!p0 $0x1082;
	s9 =	sld [smem:$0x3FB0]  }
0x2f: {  	lr =	sadd.s32 s0, s3;
	s0 =	sld [smem:$0x3FA7]  }
0x30: {  	s3 =	sld [smem:$0x3FAA]  }
0x31: {  	[smem:$0x3FB3] =	sst s10  }
0x32: {  	s10 =	sld [smem:$0x3FB1];
	_ =	sdelay $0x3  }
0x33: {  	p0 =	seq.s32 s10, $0x1;
	s10 =	sld [smem:$0x3FB3];
	_ =	sdelay $0x3  }
0x34: {  	[smem:$0x3FB3] =	sst s10  }
0x35: {  	s10 =	sld [smem:$0x3FB2];
	_ =	sdelay $0x3  }
0x36: {  	p1 =	seq.s32 s10, $0x1;
	s10 =	sld [smem:$0x3FB3];
	_ =	sdelay $0x3  }
0x37: {  	[smem:$0x3FB3] =	sst s10  }
0x38: {  	s10 =	sld [smem:$0x3FB4]  }
0x39: {  	_ = 	snop;
	(pc) =	sbr.ind lr, $3  }
0x3a: {  	_ = 	snop  }
0x3b: {  	_ = 	snop  }
0x3c: {  	p2 =	seq.s32 s10, $0x1;
	s10 =	sld [smem:$0x3FB3]  }
0x3d: {  	_ =	shalt  }
0x3e: {  	_ =	shalt  }
0x3f: {  	_ =	shalt  }
0x40: {  	_ =	shalt  }
0x41: {  	_ =	shalt  }
0x42: {  	_ =	shalt  }
0x43: {  	_ =	shalt  }
0x44: {  	_ =	shalt  }
0x45: {  	_ =	shalt  }
0x46: {  	_ =	shalt  }
0x47: {  	_ =	shalt  }
0x48: {  	_ =	shalt  }
0x49: {  	_ =	shalt  }
0x4a: {  	_ =	shalt  }
0x4b: {  	_ =	shalt  }
0x4c: {  	_ =	shalt  }
0x4d: {  	_ =	shalt  }
0x4e: {  	_ =	shalt  }
0x4f: {  	_ =	shalt  }
0x50: {  	_ =	shalt  }
0x51: {  	_ =	shalt  }
0x52: {  	_ =	shalt  }
0x53: {  	_ =	shalt  }
0x54: {  	_ =	shalt  }
0x55: {  	_ =	shalt  }
0x56: {  	_ =	shalt  }
0x57: {  	_ =	shalt  }
0x58: {  	_ =	shalt  }
0x59: {  	_ =	shalt  }
0x5a: {  	_ =	shalt  }
0x5b: {  	_ =	shalt  }
0x5c: {  	_ =	shalt  }
0x5d: {  	_ =	shalt  }
0x5e: {  	_ =	shalt  }
0x5f: {  	_ =	shalt  }
0x60: {  	_ =	shalt  }
0x61: {  	_ =	shalt  }
0x62: {  	_ =	shalt  }
0x63: {  	_ =	shalt  }
0x64: {  	_ =	shalt  }
0x65: {  	_ =	shalt  }
0x66: {  	_ =	shalt  }
0x67: {  	_ =	shalt  }
0x68: {  	_ =	shalt  }
0x69: {  	_ =	shalt  }
0x6a: {  	_ =	shalt  }
0x6b: {  	_ =	shalt  }
0x6c: {  	_ =	shalt  }
0x6d: {  	_ =	shalt  }
0x6e: {  	_ =	shalt  }
0x6f: {  	_ =	shalt  }
0x70: {  	_ =	shalt  }
0x71: {  	_ =	shalt  }
0x72: {  	_ =	shalt  }
0x73: {  	_ =	shalt  }
0x74: {  	_ =	shalt  }
0x75: {  	_ =	shalt  }
0x76: {  	_ =	shalt  }
0x77: {  	_ =	shalt  }
0x78: {  	_ =	shalt  }
0x79: {  	_ =	shalt  }
0x7a: {  	_ =	shalt  }
0x7b: {  	_ =	shalt  }
0x7c: {  	_ =	shalt  }
0x7d: {  	_ =	shalt  }
0x7e: {  	_ =	shalt  }
0x7f: {  	_ =	shalt  }
0x80: {  	_ =	shalt  }
0x81: {  	_ =	shalt  }
0x82: {  	_ =	shalt  }
0x83: {  	_ =	shalt  }
0x84: {  	_ =	shalt  }
0x85: {  	_ =	shalt  }
0x86: {  	_ =	shalt  }
0x87: {  	_ =	shalt  }
.Lfunc_end0:
.L_simem_size_0:
called_computation.1_lowered:
.L_overlay_start_0:
0x88: {  	s2 =	sld [smem:$0x3FD9]  }
0x89: {  	s3 =	sld [smem:$0x3FFE];
	_ =	sdelay $0x1  }
0x8a: {  	s1 =	srdreg.scid  }
0x8b: {  	s0 =	sand.u32 $0x1, s1  }
0x8c: {  	s17 =	sshll.u32 s0, $0xA;
	s2 =	sadd.s32 s3, s2  }
0x8d: {  	s2 =	sadd.s32 s2, s17  }
0x8e: {  	[smem:$0x3FBF] =	sst s2  }
0x8f: {  	_ = 	snop  }
0x90: {  	s2 =	sld [smem:$0x3FD0];
	(tm) =	ssettm $0x1  }
0x91: {  	s18 =	sld [smem:$0x3FFB];
	_ =	sdelay $0x3  }
0x92: {  	_ =	strace s18  }
0x93: {  	s3 =	sld [smem:$0x3FFC];
	_ =	sdelay $0x3  }
0x94: {  	_ =	strace s3  }
0x95: {  	s3 =	sld [smem:$0x3FFD];
	_ =	sdelay $0x3  }
0x96: {  	_ =	strace s3  }
0x97: {  	_ =	strace $0x8FFFFFFF  }
0x98: {  	s19 =	sld [smem:$0x3FDB];
	_ =	sdelay $0x1  }
0x99: {  	s4 =	simm.s32 $_scs_section_size  }
0x9a: {  	s5 =	simm.s32 $_size__tile_overlayer_lowered;
	s6 =	simm.s32 $_tile_overlayer_lowered  }
0x9b: {  	s22 =	simm.s32 $0x1BFF;
	s21 =	sshll.u32 s6, $0x1;
	s3 =	sadd.s32 s4, s19  }
0x9c: {  	s7 =	simm.s32 $0x0;
	s20 =	sshll.u32 s5, $0x1;
	s5 =	sadd.s32 s21, s3  }
0x9d: {  	[timem:s7], [sflag:s22] =	dma.local [hbm:s5], s20  }
0x9e: {  	_ =	swait.ge [sflag:s22], s20  }
0x9f: {  	s4 =	ssub.s32 $0x0, s20;
	[sflag:s22] =	ssyncset.done $0x0  }
0xa0: {  	[sflag:s22] =	ssyncadd.s32 s4;
	_ =	sdelay $0x1  }
0xa1: {  	s23 =	simm.s32 $0x1B8B  }
0xa2: {  	_ =	swait.ge [sflag:s23], $0x1  }
0xa3: {  	[sflag:s23] =	ssyncset.done $0x0  }
0xa4: {  	s25 =	simm.s32 $0x1B8E;
	s24 =	sld [smem:$0x3FFE];
	[sflag:s23] =	ssyncadd.s32 $0xFFFFFFFF  }
0xa5: {  	s26 =	simm.s32 $execute0_lowered;
	[smem:$0x3FD2] =	sst s25  }
0xa6: {  	s5 =	sshll.u32 s26, $0x1;
	_ =	strace $0x80000049;
	[dreg:$0x1] =	wrdreg $0xFFFFFFFF  }
0xa7: {  	s28 =	simm.s32 $_size_execute0_lowered;
	s3 =	sadd.s32 s3, s5;
	[dreg:$0x0] =	wrdreg $0x0  }
0xa8: {  	s5 =	sshll.u32 s28, $0x1;
	[dreg:$0x2] =	wrdreg s3  }
0xa9: {  	[dreg:$0x3] =	wrdreg s5  }
0xaa: {  	[dreg:$0x4] =	wrdreg $0xC0  }
0xab: {  	_ =	task [dreg:s7], $0x5FFFF  }
0xac: {  	[dreg:$0x1] =	wrdreg $0xFFFFFFFF  }
0xad: {  	[dreg:$0x0] =	wrdreg $0x60  }
0xae: {  	[dreg:$0x2] =	wrdreg s2  }
0xaf: {  	[dreg:$0x3] =	wrdreg s24  }
0xb0: {  	[dreg:$0x4] =	wrdreg $0xA8000  }
0xb1: {  	[dreg:$0x5] =	wrdreg $0x9  }
0xb2: {  	_ =	task.clear_ibuf [dreg:s7], $0x6FFFF;
	_ =	strace $0x90000049  }
0xb3: {  	s29 =	simm.s32 $0x9;
	_ =	strace $0x8000004B  }
0xb4: {  	_ =	swait.ge [sflag:s29], $0x1  }
0xb5: {  	[sflag:s29] =	ssyncadd.s32 $0xFFFFFFFF  }
0xb6: {  	_ =	strace $0x9000004B  }
0xb7: {  	_ =	sfence  }
0xb8: {  	s30 =	sld [smem:$0x0];
	_ =	sdelay $0x2  }
0xb9: {  	s31 =	sshll.u32 s1, $0xD;
	s1 =	sshrl.u32 s1, $0x2  }
0xba: {  	s3 =	sand.u32 $0x4000, s31;
	s1 =	sadd.s32 s1, s30  }
0xbb: {  	s0 =	sor.u32 s3, s0;
	s1 =	sshll.u32 s1, $0x11  }
0xbc: {  	s0 =	sor.u32 s1, s0  }
0xbd: {  	s0 =	sadd.s32 $0x8F2B, s0  }
0xbe: {  	[sflag:s0] =	ssyncadd.remote.s32 $0x1  }
0xbf: {  	_ =	sfence.sel $0xFFFF  }
0xc0: {  	[dreg:$0x0] =	wrdreg $0xFFFFFFFF;
	(pc) =	sbr.abs _section_cstart, $3  }
0xc1: {  	[dreg:$0x1] =	wrdreg $0xFFFFFFFF  }
0xc2: {  	_ =	task.clear_ibuf [dreg:s7], $0x2FFFF;
	_ =	strace $0x9FFFFFFF  }
0xc3: {  	(tm) =	ssettm $0x7FFFFFFF  }
tec
execute0_lowered:
.L_overlay_start_1:
0x0: {  	(tag) =	ssettag $0x1  }
0x1: {  	s1 =	rddreg [dreg:$0x0]  }
0x2: {  	s8 =	rddreg [dreg:$0x1]  }
0x3: {  	s3 =	rddreg [dreg:$0x2]  }
0x4: {  	s0 =	rddreg [dreg:$0x3];
	s4 =	simm.s32 $0x0  }
0x5: {  	s2 =	stileid.u32;
	s5 =	srdreg.scid;
	s16 =	simm.s32 $0x80  }
0x6: {  	s17 =	simm.s32 $0x2800;
	s18 =	simm.s32 $0x6800;
	s19 =	simm.s32 $0x1  }
0x7: {  	s20 =	simm.s32 $0x2;
	s21 =	simm.s32 $0x3;
	s22 =	simm.s32 $0x4  }
0x8: {  	s23 =	simm.s32 $0x2700;
	s26 =	simm.s32 $0x0;
	[smem:$0x7FF] =	sst s4  }
0x9: {  	s24 =	smul.u32 $0x2780, s2;
	s5 =	sand.u32 $0x1, s5;
	s10 =	sadd.s32 $0x3800, s8  }
0xa: {  	s11 =	smul.u32 $0x4F000, s2;
	s31 =	sshll.u32 s2, $0x6;
	_ =	strace $0x8000004A  }
0xb: {  	s7 =	smul.u32 $0x27800, s5;
	s9 =	ssub.s32 $0x2, s5;
	s5 =	sshll.u32 s5, $0x4  }
0xc: {  	s6 =	sadd.s32 s24, s8;
	s28 =	sshrl.u32 s9, $0x1;
	s5 =	sor.u32 s2, s5  }
0xd: {  	s29 =	sshrl.u32 s11, $0x2;
	s12 =	sadd.s32 s7, s8;
	s30 =	smul.u32 $0x2800, s5  }
0xe: {  	s13 =	ssub.s32 s9, s28;
	s14 =	sadd.s32 s29, s3;
	s15 =	smul.u32 $0x500, s5  }
0xf: {  	s5 =	sadd.s32 $0x17800, s6;
	s6 =	sor.u32 $0x1C05, s31;
	s8 =	sadd.s32 $0xD800, s8  }
0x10: {  	s25 =	sadd.s32 $0x3F000, s12;
	s11 =	smax.u32 s13, $0x1;
	s12 =	sshrl.u32 s14, $0x3  }
0x11: {  	s13 =	simm.s32 $0x5;
	s9 =	sshrl.u32 s30, $0x3;
	s7 =	sadd.s32 s10, s15  }
0x12: {  	s14 =	sadd.s32 s15, s8;
	s15 =	simm.s32 $0x1400;
	s9 =	sadd.s32 $0x280, s9  }
0x13: {  	s24 =	sadd.s32 s24, s25;
	s25 =	simm.s32 $0x2780;
	s10 =	sadd.s32 s10, s9  }
.LBB2_1:
0x14: {  	[spmem:s12], [sflag:s6] =	dma.local [hbm:s5], $0x2780  }
0x15: {  	_ =	swait.ge [sflag:s13], $0x2780  }
0x16: {  	[sflag:s13] =	ssyncset.done $0x0  }
0x17: {  	[sflag:s13] =	ssyncadd.s32 $0xFFFFD880  }
0x18: {  	[bflag:$0x0] =	sbarrier.arrive $0xFFFF  }
0x19: {  	[tilespmem:s4], [sflag:$0x5] =	stream.linear.gather [hbm4b:s7+s4], $0x1400, $0x38;
	[tilespmem:$0x1E400] =	vst v63  }
0x1a: {  	_ =	swait.ge [sflag:s13], $0x1400  }
0x1b: {  	[sflag:s13] =	ssyncset.done $0x0  }
0x1c: {  	[sflag:s13] =	ssyncadd.s32 $0xFFFFEC00  }
0x1d: {  	[tilespmem:s15], [sflag:$0x5] =	stream.linear.gather [hbm4b:s14+s4], $0x1400, $0x38;
	[tilespmem:$0x1E400] =	vst v63  }
0x1e: {  	_ =	swait.ge [sflag:s13], $0x1400  }
0x1f: {  	[sflag:s13] =	ssyncset.done $0x0  }
0x20: {  	[sflag:s13] =	ssyncadd.s32 $0xFFFFEC00  }
0x21: {  	[tilespmem:s17], [sflag:$0x1] =	stream.indirect.gather [hbm4b:s1+s16], $0x80, s4, s16, $0xb8;
	[tilespmem:$0x1E400] =	vst v63  }
0x22: {  	_ = 	snop  }
0x23: {  	[tilespmem:s18], [sflag:$0x2] =	stream.indirect.gather [hbm4b:s1+s16], $0x80, s16, s16, $0xb8;
	[tilespmem:$0x1E400] =	vst v63  }
0x24: {  	_ =	swait.ge [sflag:s19], $0x4000  }
0x25: {  	[sflag:s19] =	ssyncset.done $0x0  }
0x26: {  	s28 =	simm.s32 $0x1400;
	[sflag:s19] =	ssyncadd.s32 $0xFFFFC000  }
0x27: {  	[spmem:s3] =	stream.indirect.scatter.add.f32 [tilespmem:s17], [sflag:$0x3], $0x80, s28, s16, $0xb8;
	[tilespmem:$0x1E400] =	vst v63  }
0x28: {  	_ =	swait.ge [sflag:s20], $0x4000  }
0x29: {  	[sflag:s20] =	ssyncset.done $0x0  }
0x2a: {  	s28 =	simm.s32 $0x1480;
	[sflag:s20] =	ssyncadd.s32 $0xFFFFC000  }
0x2b: {  	[spmem:s3] =	stream.indirect.scatter.add.f32 [tilespmem:s18], [sflag:$0x4], $0x80, s28, s16, $0xb8;
	[tilespmem:$0x1E400] =	vst v63  }
0x2c: {  	_ =	swait.ge [sflag:s21], $0x4000  }
0x2d: {  	[sflag:s21] =	ssyncset.done $0x0  }
0x2e: {  	s28 =	simm.s32 $0x100;
	[sflag:s21] =	ssyncadd.s32 $0xFFFFC000  }
0x2f: {  	[tilespmem:s17], [sflag:$0x1] =	stream.indirect.gather [hbm4b:s1+s16], $0x80, s28, s16, $0xb8;
	[tilespmem:$0x1E400] =	vst v63  }
0x30: {  	_ =	swait.ge [sflag:s22], $0x4000  }
0x31: {  	[sflag:s22] =	ssyncset.done $0x0  }
0x32: {  	s29 =	simm.s32 $0x180;
	s28 =	simm.s32 $0x400;
	[sflag:s22] =	ssyncadd.s32 $0xFFFFC000  }
.LBB2_2:
0x33: {  	[tilespmem:s18], [sflag:$0x2] =	stream.indirect.gather [hbm4b:s1+s16], $0x80, s29, s16, $0xb8;
	[tilespmem:$0x1E400] =	vst v63  }
0x34: {  	s29 =	smov.u32 s28  }
0x35: {  	p0 =	sne.s32 s28, $0x4800;
	s28 =	sadd.s32 $0x400, s28;
	_ =	swait.ge [sflag:s19], $0x4000  }
0x36: {  	s29 =	sshra.s32 s29, $0x2;
	[sflag:s19] =	ssyncset.done $0x0  }
0x37: {  	s30 =	sadd.s32 $0x1400, s29;
	[sflag:s19] =	ssyncadd.s32 $0xFFFFC000  }
0x38: {  	[spmem:s3] =	stream.indirect.scatter.add.f32 [tilespmem:s17], [sflag:$0x3], $0x80, s30, s16, $0xb8;
	[tilespmem:$0x1E400] =	vst v63  }
0x39: {  	_ =	swait.ge [sflag:s20], $0x4000  }
0x3a: {  	[sflag:s20] =	ssyncset.done $0x0  }
0x3b: {  	s30 =	sadd.s32 $0x1480, s29;
	[sflag:s20] =	ssyncadd.s32 $0xFFFFC000  }
0x3c: {  	[spmem:s3] =	stream.indirect.scatter.add.f32 [tilespmem:s18], [sflag:$0x4], $0x80, s30, s16, $0xb8;
	[tilespmem:$0x1E400] =	vst v63  }
0x3d: {  	_ =	swait.ge [sflag:s21], $0x4000  }
0x3e: {  	[sflag:s21] =	ssyncset.done $0x0  }
.Ltmp0:
0x3f: {  	s30 =	sadd.s32 $0x100, s29;
	[sflag:s21] =	ssyncadd.s32 $0xFFFFC000;
	(pc) =	sbr.rel @p0 .LBB2_2-.Ltmp0, $4  }
0x40: {  	[tilespmem:s17], [sflag:$0x1] =	stream.indirect.gather [hbm4b:s1+s16], $0x80, s30, s16, $0xb8;
	[tilespmem:$0x1E400] =	vst v63  }
0x41: {  	_ =	swait.ge [sflag:s22], $0x4000  }
0x42: {  	[sflag:s22] =	ssyncset.done $0x0  }
0x43: {  	s29 =	sadd.s32 $0x180, s29;
	[sflag:s22] =	ssyncadd.s32 $0xFFFFC000  }
0x44: {  	[tilespmem:s18], [sflag:$0x2] =	stream.indirect.gather [hbm4b:s1+s16], $0x80, s29, s16, $0xb8;
	[tilespmem:$0x1E400] =	vst v63  }
0x45: {  	_ =	swait.ge [sflag:s19], $0x4000  }
0x46: {  	[sflag:s19] =	ssyncset.done $0x0  }
0x47: {  	[sflag:s19] =	ssyncadd.s32 $0xFFFFC000  }
0x48: {  	[spmem:s3] =	stream.indirect.scatter.add.f32 [tilespmem:s17], [sflag:$0x3], $0x80, s23, s16, $0xb8;
	[tilespmem:$0x1E400] =	vst v63  }
0x49: {  	_ =	swait.ge [sflag:s20], $0x4000  }
0x4a: {  	[sflag:s20] =	ssyncset.done $0x0  }
0x4b: {  	[sflag:s20] =	ssyncadd.s32 $0xFFFFC000  }
0x4c: {  	[spmem:s3] =	stream.indirect.scatter.add.f32 [tilespmem:s18], [sflag:$0x4], $0x80, s25, s16, $0xb8;
	[tilespmem:$0x1E400] =	vst v63  }
0x4d: {  	_ =	swait.ge [sflag:s21], $0x4000  }
0x4e: {  	[sflag:s21] =	ssyncset.done $0x0  }
0x4f: {  	[sflag:s21] =	ssyncadd.s32 $0xFFFFC000  }
0x50: {  	_ =	swait.ge [sflag:s22], $0x4000  }
0x51: {  	[sflag:s22] =	ssyncset.done $0x0  }
0x52: {  	s28 =	simm.s32 $0x0;
	[sflag:s22] =	ssyncadd.s32 $0xFFFFC000  }
0x53: {  	[tilespmem:s28], [sflag:$0x5] =	stream.linear.gather [hbm4b:s10+s28], $0x1400, $0x38;
	[tilespmem:$0x1E400] =	vst v63  }
0x54: {  	_ =	swait.ge [sflag:s13], $0x1400  }
0x55: {  	[sflag:s13] =	ssyncset.done $0x0  }
0x56: {  	s29 =	sadd.s32 s9, s8;
	[sflag:s13] =	ssyncadd.s32 $0xFFFFEC00  }
0x57: {  	[tilespmem:s15], [sflag:$0x5] =	stream.linear.gather [hbm4b:s29+s28], $0x1400, $0x38;
	[tilespmem:$0x1E400] =	vst v63  }
0x58: {  	_ =	swait.ge [sflag:s13], $0x1400  }
0x59: {  	[sflag:s13] =	ssyncset.done $0x0  }
0x5a: {  	[sflag:s13] =	ssyncadd.s32 $0xFFFFEC00  }
0x5b: {  	[tilespmem:s17], [sflag:$0x1] =	stream.indirect.gather [hbm4b:s1+s16], $0x80, s28, s16, $0xb8;
	[tilespmem:$0x1E400] =	vst v63  }
0x5c: {  	_ = 	snop  }
0x5d: {  	[tilespmem:s18], [sflag:$0x2] =	stream.indirect.gather [hbm4b:s1+s16], $0x80, s16, s16, $0xb8;
	[tilespmem:$0x1E400] =	vst v63  }
0x5e: {  	_ =	swait.ge [sflag:s19], $0x4000  }
0x5f: {  	[sflag:s19] =	ssyncset.done $0x0  }
0x60: {  	s28 =	simm.s32 $0x1400;
	[sflag:s19] =	ssyncadd.s32 $0xFFFFC000  }
0x61: {  	[spmem:s3] =	stream.indirect.scatter.add.f32 [tilespmem:s17], [sflag:$0x3], $0x80, s28, s16, $0xb8;
	[tilespmem:$0x1E400] =	vst v63  }
0x62: {  	_ =	swait.ge [sflag:s20], $0x4000  }
0x63: {  	[sflag:s20] =	ssyncset.done $0x0  }
0x64: {  	s28 =	simm.s32 $0x1480;
	[sflag:s20] =	ssyncadd.s32 $0xFFFFC000  }
0x65: {  	[spmem:s3] =	stream.indirect.scatter.add.f32 [tilespmem:s18], [sflag:$0x4], $0x80, s28, s16, $0xb8;
	[tilespmem:$0x1E400] =	vst v63  }
0x66: {  	_ =	swait.ge [sflag:s21], $0x4000  }
0x67: {  	[sflag:s21] =	ssyncset.done $0x0  }
0x68: {  	s28 =	simm.s32 $0x100;
	[sflag:s21] =	ssyncadd.s32 $0xFFFFC000  }
0x69: {  	[tilespmem:s17], [sflag:$0x1] =	stream.indirect.gather [hbm4b:s1+s16], $0x80, s28, s16, $0xb8;
	[tilespmem:$0x1E400] =	vst v63  }
0x6a: {  	_ =	swait.ge [sflag:s22], $0x4000  }
0x6b: {  	[sflag:s22] =	ssyncset.done $0x0  }
0x6c: {  	s29 =	simm.s32 $0x180;
	s28 =	simm.s32 $0x400;
	[sflag:s22] =	ssyncadd.s32 $0xFFFFC000  }
.LBB2_4:
0x6d: {  	[tilespmem:s18], [sflag:$0x2] =	stream.indirect.gather [hbm4b:s1+s16], $0x80, s29, s16, $0xb8;
	[tilespmem:$0x1E400] =	vst v63  }
0x6e: {  	s29 =	smov.u32 s28  }
0x6f: {  	p0 =	sne.s32 s28, $0x4800;
	s28 =	sadd.s32 $0x400, s28;
	_ =	swait.ge [sflag:s19], $0x4000  }
0x70: {  	s29 =	sshra.s32 s29, $0x2;
	[sflag:s19] =	ssyncset.done $0x0  }
0x71: {  	s30 =	sadd.s32 $0x1400, s29;
	[sflag:s19] =	ssyncadd.s32 $0xFFFFC000  }
0x72: {  	[spmem:s3] =	stream.indirect.scatter.add.f32 [tilespmem:s17], [sflag:$0x3], $0x80, s30, s16, $0xb8;
	[tilespmem:$0x1E400] =	vst v63  }
0x73: {  	_ =	swait.ge [sflag:s20], $0x4000  }
0x74: {  	[sflag:s20] =	ssyncset.done $0x0  }
0x75: {  	s30 =	sadd.s32 $0x1480, s29;
	[sflag:s20] =	ssyncadd.s32 $0xFFFFC000  }
0x76: {  	[spmem:s3] =	stream.indirect.scatter.add.f32 [tilespmem:s18], [sflag:$0x4], $0x80, s30, s16, $0xb8;
	[tilespmem:$0x1E400] =	vst v63  }
0x77: {  	_ =	swait.ge [sflag:s21], $0x4000  }
0x78: {  	[sflag:s21] =	ssyncset.done $0x0  }
.Ltmp1:
0x79: {  	s30 =	sadd.s32 $0x100, s29;
	[sflag:s21] =	ssyncadd.s32 $0xFFFFC000;
	(pc) =	sbr.rel @p0 .LBB2_4-.Ltmp1, $4  }
0x7a: {  	[tilespmem:s17], [sflag:$0x1] =	stream.indirect.gather [hbm4b:s1+s16], $0x80, s30, s16, $0xb8;
	[tilespmem:$0x1E400] =	vst v63  }
0x7b: {  	_ =	swait.ge [sflag:s22], $0x4000  }
0x7c: {  	[sflag:s22] =	ssyncset.done $0x0  }
0x7d: {  	s29 =	sadd.s32 $0x180, s29;
	[sflag:s22] =	ssyncadd.s32 $0xFFFFC000  }
0x7e: {  	[tilespmem:s18], [sflag:$0x2] =	stream.indirect.gather [hbm4b:s1+s16], $0x80, s29, s16, $0xb8;
	[tilespmem:$0x1E400] =	vst v63  }
0x7f: {  	_ =	swait.ge [sflag:s19], $0x4000  }
0x80: {  	[sflag:s19] =	ssyncset.done $0x0  }
0x81: {  	[sflag:s19] =	ssyncadd.s32 $0xFFFFC000  }
0x82: {  	[spmem:s3] =	stream.indirect.scatter.add.f32 [tilespmem:s17], [sflag:$0x3], $0x80, s23, s16, $0xb8;
	[tilespmem:$0x1E400] =	vst v63  }
0x83: {  	_ =	swait.ge [sflag:s20], $0x4000  }
0x84: {  	[sflag:s20] =	ssyncset.done $0x0  }
0x85: {  	[sflag:s20] =	ssyncadd.s32 $0xFFFFC000  }
0x86: {  	[spmem:s3] =	stream.indirect.scatter.add.f32 [tilespmem:s18], [sflag:$0x4], $0x80, s25, s16, $0xb8;
	[tilespmem:$0x1E400] =	vst v63  }
0x87: {  	_ =	swait.ge [sflag:s21], $0x4000  }
0x88: {  	[sflag:s21] =	ssyncset.done $0x0  }
0x89: {  	[sflag:s21] =	ssyncadd.s32 $0xFFFFC000  }
0x8a: {  	_ =	swait.ge [sflag:s22], $0x4000  }
0x8b: {  	s26 =	sadd.s32 $0x1, s26;
	[sflag:s22] =	ssyncset.done $0x0  }
0x8c: {  	p0 =	sne.s32 s26, s11;
	[sflag:s22] =	ssyncadd.s32 $0xFFFFC000  }
.Ltmp2:
0x8d: {  	[bflag:$0x0] =	sbarrier.arrive $0xFFFF;
	(pc) =	sbr.rel @p0 .LBB2_1-.Ltmp2, $4  }
0x8e: {  	[hbm:s24], [sflag:s6] =	dma.local [spmem:s12], $0x2780  }
0x8f: {  	_ =	swait.ge [sflag:s13], $0x2780  }
0x90: {  	[sflag:s13] =	ssyncset.done $0x0  }
0x91: {  	[sflag:s13] =	ssyncadd.s32 $0xFFFFD880  }
0x92: {  	_ =	sfence.sel $0x180000  }
0x93: {  	[bflag:$0x0] =	sbarrier.arrive $0xFFFF  }
0x94: {  	p0 =	sne.s32 s2, $0x0;
	_ =	strace $0x9000004A  }
0x95: {  	s0 =	sadd.s32 @!p0 $0x100000, s0;
	[bflag:$0x2] =	sbarrier.arrive $0xFFFF  }
0x96: {  	[sflag:s0] =	ssyncadd.tile.s32 @!p0 $0x1;
	_ =	shalt  }
.Lfunc_end2:
_tile_overlayer_lowered:
.L_overlay_start_2:
0x97: {  	(tag) =	ssettag $0x2  }
0x98: {  	s0 =	rddreg [dreg:$0x0];
	s2 =	stileid.u32  }
0x99: {  	s1 =	rddreg [dreg:$0x1];
	p0 =	sne.s32 s2, $0x0  }
0x9a: {  	s3 =	rddreg [dreg:$0x2];
	[bflag:$0x3] =	sbarrier.arrive $0xFFFF;
	s2 =	simm.s32 @!p0 $0x1C05  }
0x9b: {  	[timem:s3], [sflag:s2] =	dma.local @!p0 [hbm:s0], s1  }
0x9c: {  	s0 =	simm.s32 @!p0 $0x5  }
0x9d: {  	_ =	swait.ge @!p0 [sflag:s0], s1  }
0x9e: {  	s1 =	ssub.s32 @!p0 $0x0, s1;
	[sflag:s0] =	ssyncset.done @!p0 $0x0  }
0x9f: {  	[sflag:s0] =	ssyncadd.s32 @!p0 s1  }
0xa0: {  	[bflag:$0x3] =	sbarrier.arrive $0xFFFF  }
0xa1: {  	_ =	shalt  }

// kernel: kernel.17.cloned.1.call-start
scs
__scs_entry_jumppad:
0x0: {  	(pc) =	sbr.rel $0x88, $3  }
0x1: {  	(tag) =	ssettag $0x0;
	lr =	simm.s32 $0x1  }
0x2: {  	[smem:$0x3F98] =	sst lr;
	_ =	strace $0xD0000000  }
0x3: {  	_ = 	snop  }
0x4: {  	_ = 	snop  }
0x5: {  	_ = 	snop  }
0x6: {  	_ = 	snop  }
0x7: {  	_ = 	snop  }
__scs_overlays_trampoline_lowered:
0x8: {  	[smem:$0x3FA7] =	sst s0  }
0x9: {  	[smem:$0x3FA8] =	sst s1  }
0xa: {  	[smem:$0x3FA9] =	sst s2  }
0xb: {  	[smem:$0x3FAA] =	sst s3  }
0xc: {  	[smem:$0x3FAB] =	sst s4  }
0xd: {  	[smem:$0x3FAC] =	sst s5  }
0xe: {  	[smem:$0x3FAD] =	sst s6  }
0xf: {  	[smem:$0x3FAE] =	sst s7  }
0x10: {  	[smem:$0x3FAF] =	sst s8  }
0x11: {  	[smem:$0x3FB0] =	sst s9;
	s0 =	simm.s32 @!p0 $0x0  }
0x12: {  	s1 =	sld [smem:$0x3F96];
	s0 =	simm.s32 @p0 $0x1  }
0x13: {  	[smem:$0x3FB1] =	sst s0;
	s0 =	simm.s32 @!p1 $0x0  }
0x14: {  	s2 =	sld [smem:$0x3F95];
	s0 =	simm.s32 @p1 $0x1  }
0x15: {  	[smem:$0x3FB2] =	sst s0;
	s0 =	simm.s32 @!p2 $0x0  }
0x16: {  	s3 =	sld [smem:$0x3FDB];
	s0 =	simm.s32 @p2 $0x1  }
0x17: {  	s4 =	simm.s32 $0x1BF5;
	[smem:$0x3FB4] =	sst s0  }
0x18: {  	s0 =	sld [smem:$0x3F97];
	_ =	swait.ge [sflag:s4], $0x0  }
0x19: {  	s7 =	sld [smem:$0x3F98]  }
0x1a: {  	s8 =	sadd.s32 $0xFFFFE003, lr  }
0x1b: {  	s9 =	sadd.s32 $0xFFFFFEF7, lr;
	s5 =	simm.s32 $0xFFFFFFFF;
	p2 =	slt.u32 s8, $0xFFFFF086  }
0x1c: {  	p1 =	slt.u32 s9, $0xF7A;
	s5 =	simm.s32 @!p2 $0x0  }
0x1d: {  	s5 =	simm.s32 @p1 $0x1;
	p0 =	seq.s32 s7, s2  }
0x1e: {  	s7 =	smul.u32 @!p0 $0xF7A, s2;
	p2 =	seq.s32 @!p0 s5, $0x0  }
0x1f: {  	s9 =	smul.u32 $0xF7A, s1;
	s8 =	simm.s32 @!p0 $0x1BF5;
	p2 =	por !p2, p0  }
0x20: {  	[sflag:s8] =	ssyncset.s32 @!p0 $0xFFFFF086;
	s6 =	sadd.s32 @!p0 s3, s7;
	s7 =	simm.s32 @!p0 $0x108  }
0x21: {  	s3 =	sadd.s32 s3, s9;
	s6 =	sadd.s32 @!p0 $0x88, s6;
	s7 =	simm.s32 @p2 $0x1082  }
0x22: {  	[simem:s7], [sflag:s8] =	dma.local @!p0 [hbm:s6], $0xF7A  }
0x23: {  	s9 =	sor.u32 $0xD0000000, s2;
	s6 =	simm.s32 $0x108;
	_ =	swait.ge @!p0 [sflag:s8], $0x0  }
0x24: {  	s3 =	sadd.s32 $0x88, s3;
	s6 =	simm.s32 @!p1 $0x1082;
	[sflag:s4] =	ssyncset.s32 $0xFFFFF086  }
0x25: {  	[simem:s6], [sflag:s4] =	dma.local [hbm:s3], $0xF7A  }
0x26: {  	[smem:$0x3F98] =	sst s1;
	(tag) =	ssettag s2;
	_ =	strace s9  }
0x27: {  	s1 =	sld [smem:$0x3FA8]  }
0x28: {  	s2 =	sld [smem:$0x3FA9]  }
0x29: {  	s4 =	sld [smem:$0x3FAB]  }
0x2a: {  	p0 =	seq.s32 s5, $0x0;
	s5 =	sld [smem:$0x3FAC]  }
0x2b: {  	s6 =	sld [smem:$0x3FAD]  }
0x2c: {  	s7 =	sld [smem:$0x3FAE]  }
0x2d: {  	s3 =	simm.s32 $0x108;
	s8 =	sld [smem:$0x3FAF]  }
0x2e: {  	s3 =	simm.s32 @!p0 $0x1082;
	s9 =	sld [smem:$0x3FB0]  }
0x2f: {  	lr =	sadd.s32 s0, s3;
	s0 =	sld [smem:$0x3FA7]  }
0x30: {  	s3 =	sld [smem:$0x3FAA]  }
0x31: {  	[smem:$0x3FB3] =	sst s10  }
0x32: {  	s10 =	sld [smem:$0x3FB1];
	_ =	sdelay $0x3  }
0x33: {  	p0 =	seq.s32 s10, $0x1;
	s10 =	sld [smem:$0x3FB3];
	_ =	sdelay $0x3  }
0x34: {  	[smem:$0x3FB3] =	sst s10  }
0x35: {  	s10 =	sld [smem:$0x3FB2];
	_ =	sdelay $0x3  }
0x36: {  	p1 =	seq.s32 s10, $0x1;
	s10 =	sld [smem:$0x3FB3];
	_ =	sdelay $0x3  }
0x37: {  	[smem:$0x3FB3] =	sst s10  }
0x38: {  	s10 =	sld [smem:$0x3FB4]  }
0x39: {  	_ = 	snop;
	(pc) =	sbr.ind lr, $3  }
0x3a: {  	_ = 	snop  }
0x3b: {  	_ = 	snop  }
0x3c: {  	p2 =	seq.s32 s10, $0x1;
	s10 =	sld [smem:$0x3FB3]  }
0x3d: {  	_ =	shalt  }
0x3e: {  	_ =	shalt  }
0x3f: {  	_ =	shalt  }
0x40: {  	_ =	shalt  }
0x41: {  	_ =	shalt  }
0x42: {  	_ =	shalt  }
0x43: {  	_ =	shalt  }
0x44: {  	_ =	shalt  }
0x45: {  	_ =	shalt  }
0x46: {  	_ =	shalt  }
0x47: {  	_ =	shalt  }
0x48: {  	_ =	shalt  }
0x49: {  	_ =	shalt  }
0x4a: {  	_ =	shalt  }
0x4b: {  	_ =	shalt  }
0x4c: {  	_ =	shalt  }
0x4d: {  	_ =	shalt  }
0x4e: {  	_ =	shalt  }
0x4f: {  	_ =	shalt  }
0x50: {  	_ =	shalt  }
0x51: {  	_ =	shalt  }
0x52: {  	_ =	shalt  }
0x53: {  	_ =	shalt  }
0x54: {  	_ =	shalt  }
0x55: {  	_ =	shalt  }
0x56: {  	_ =	shalt  }
0x57: {  	_ =	shalt  }
0x58: {  	_ =	shalt  }
0x59: {  	_ =	shalt  }
0x5a: {  	_ =	shalt  }
0x5b: {  	_ =	shalt  }
0x5c: {  	_ =	shalt  }
0x5d: {  	_ =	shalt  }
0x5e: {  	_ =	shalt  }
0x5f: {  	_ =	shalt  }
0x60: {  	_ =	shalt  }
0x61: {  	_ =	shalt  }
0x62: {  	_ =	shalt  }
0x63: {  	_ =	shalt  }
0x64: {  	_ =	shalt  }
0x65: {  	_ =	shalt  }
0x66: {  	_ =	shalt  }
0x67: {  	_ =	shalt  }
0x68: {  	_ =	shalt  }
0x69: {  	_ =	shalt  }
0x6a: {  	_ =	shalt  }
0x6b: {  	_ =	shalt  }
0x6c: {  	_ =	shalt  }
0x6d: {  	_ =	shalt  }
0x6e: {  	_ =	shalt  }
0x6f: {  	_ =	shalt  }
0x70: {  	_ =	shalt  }
0x71: {  	_ =	shalt  }
0x72: {  	_ =	shalt  }
0x73: {  	_ =	shalt  }
0x74: {  	_ =	shalt  }
0x75: {  	_ =	shalt  }
0x76: {  	_ =	shalt  }
0x77: {  	_ =	shalt  }
0x78: {  	_ =	shalt  }
0x79: {  	_ =	shalt  }
0x7a: {  	_ =	shalt  }
0x7b: {  	_ =	shalt  }
0x7c: {  	_ =	shalt  }
0x7d: {  	_ =	shalt  }
0x7e: {  	_ =	shalt  }
0x7f: {  	_ =	shalt  }
0x80: {  	_ =	shalt  }
0x81: {  	_ =	shalt  }
0x82: {  	_ =	shalt  }
0x83: {  	_ =	shalt  }
0x84: {  	_ =	shalt  }
0x85: {  	_ =	shalt  }
0x86: {  	_ =	shalt  }
0x87: {  	_ =	shalt  }
.Lfunc_end0:
.L_simem_size_0:
called_computation.2_lowered:
.L_overlay_start_0:
0x88: {  	s2 =	sld [smem:$0x3FD9]  }
0x89: {  	s3 =	sld [smem:$0x3FFE];
	_ =	sdelay $0x1  }
0x8a: {  	s1 =	srdreg.scid  }
0x8b: {  	s0 =	sand.u32 $0x1, s1  }
0x8c: {  	s17 =	sshll.u32 s0, $0xA;
	s2 =	sadd.s32 s3, s2  }
0x8d: {  	s2 =	sadd.s32 s2, s17  }
0x8e: {  	[smem:$0x3FBF] =	sst s2  }
0x8f: {  	_ = 	snop  }
0x90: {  	s2 =	sld [smem:$0x3FD0];
	(tm) =	ssettm $0x1  }
0x91: {  	s18 =	sld [smem:$0x3FFB];
	_ =	sdelay $0x3  }
0x92: {  	_ =	strace s18  }
0x93: {  	s3 =	sld [smem:$0x3FFC];
	_ =	sdelay $0x3  }
0x94: {  	_ =	strace s3  }
0x95: {  	s3 =	sld [smem:$0x3FFD];
	_ =	sdelay $0x3  }
0x96: {  	_ =	strace s3  }
0x97: {  	_ =	strace $0x8FFFFFFF  }
0x98: {  	s19 =	sld [smem:$0x3FDB];
	_ =	sdelay $0x1  }
0x99: {  	s4 =	simm.s32 $_scs_section_size  }
0x9a: {  	s5 =	simm.s32 $_size__tile_overlayer_lowered;
	s6 =	simm.s32 $_tile_overlayer_lowered  }
0x9b: {  	s22 =	simm.s32 $0x1BFF;
	s21 =	sshll.u32 s6, $0x1;
	s3 =	sadd.s32 s4, s19  }
0x9c: {  	s7 =	simm.s32 $0x0;
	s20 =	sshll.u32 s5, $0x1;
	s5 =	sadd.s32 s21, s3  }
0x9d: {  	[timem:s7], [sflag:s22] =	dma.local [hbm:s5], s20  }
0x9e: {  	_ =	swait.ge [sflag:s22], s20  }
0x9f: {  	s4 =	ssub.s32 $0x0, s20;
	[sflag:s22] =	ssyncset.done $0x0  }
0xa0: {  	[sflag:s22] =	ssyncadd.s32 s4;
	_ =	sdelay $0x1  }
0xa1: {  	s23 =	simm.s32 $0x1B8B  }
0xa2: {  	_ =	swait.ge [sflag:s23], $0x1  }
0xa3: {  	[sflag:s23] =	ssyncset.done $0x0  }
0xa4: {  	s25 =	simm.s32 $0x1B8E;
	s24 =	sld [smem:$0x3FFE];
	[sflag:s23] =	ssyncadd.s32 $0xFFFFFFFF  }
0xa5: {  	s26 =	simm.s32 $execute0_lowered;
	[smem:$0x3FD2] =	sst s25  }
0xa6: {  	s5 =	sshll.u32 s26, $0x1;
	_ =	strace $0x8000004C;
	[dreg:$0x1] =	wrdreg $0xFFFFFFFF  }
0xa7: {  	s28 =	simm.s32 $_size_execute0_lowered;
	s3 =	sadd.s32 s3, s5;
	[dreg:$0x0] =	wrdreg $0x0  }
0xa8: {  	s5 =	sshll.u32 s28, $0x1;
	[dreg:$0x2] =	wrdreg s3  }
0xa9: {  	[dreg:$0x3] =	wrdreg s5  }
0xaa: {  	[dreg:$0x4] =	wrdreg $0xC0  }
0xab: {  	_ =	task [dreg:s7], $0x5FFFF  }
0xac: {  	[dreg:$0x1] =	wrdreg $0xFFFFFFFF  }
0xad: {  	[dreg:$0x0] =	wrdreg $0x60  }
0xae: {  	[dreg:$0x2] =	wrdreg s2  }
0xaf: {  	[dreg:$0x3] =	wrdreg s24  }
0xb0: {  	[dreg:$0x4] =	wrdreg $0xA8000  }
0xb1: {  	[dreg:$0x5] =	wrdreg $0x9  }
0xb2: {  	_ =	task.clear_ibuf [dreg:s7], $0x6FFFF;
	_ =	strace $0x9000004C  }
0xb3: {  	s29 =	simm.s32 $0x9;
	_ =	strace $0x8000004E  }
0xb4: {  	_ =	swait.ge [sflag:s29], $0x1  }
0xb5: {  	[sflag:s29] =	ssyncadd.s32 $0xFFFFFFFF  }
0xb6: {  	_ =	strace $0x9000004E  }
0xb7: {  	_ =	sfence  }
0xb8: {  	s30 =	sld [smem:$0x0];
	_ =	sdelay $0x2  }
0xb9: {  	s31 =	sshll.u32 s1, $0xD;
	s1 =	sshrl.u32 s1, $0x2  }
0xba: {  	s3 =	sand.u32 $0x4000, s31;
	s1 =	sadd.s32 s1, s30  }
0xbb: {  	s0 =	sor.u32 s3, s0;
	s1 =	sshll.u32 s1, $0x11  }
0xbc: {  	s0 =	sor.u32 s1, s0  }
0xbd: {  	s0 =	sadd.s32 $0x8F2B, s0  }
0xbe: {  	[sflag:s0] =	ssyncadd.remote.s32 $0x1  }
0xbf: {  	_ =	sfence.sel $0xFFFF  }
0xc0: {  	[dreg:$0x0] =	wrdreg $0xFFFFFFFF;
	(pc) =	sbr.abs _section_cstart, $3  }
0xc1: {  	[dreg:$0x1] =	wrdreg $0xFFFFFFFF  }
0xc2: {  	_ =	task.clear_ibuf [dreg:s7], $0x2FFFF;
	_ =	strace $0x9FFFFFFF  }
0xc3: {  	(tm) =	ssettm $0x7FFFFFFF  }
tec
execute0_lowered:
.L_overlay_start_1:
0x0: {  	(tag) =	ssettag $0x1  }
0x1: {  	s1 =	rddreg [dreg:$0x0]  }
0x2: {  	s8 =	rddreg [dreg:$0x1]  }
0x3: {  	s3 =	rddreg [dreg:$0x2]  }
0x4: {  	s0 =	rddreg [dreg:$0x3];
	s4 =	simm.s32 $0x0  }
0x5: {  	s2 =	stileid.u32;
	s5 =	srdreg.scid;
	s16 =	simm.s32 $0x80  }
0x6: {  	s17 =	simm.s32 $0x2800;
	s18 =	simm.s32 $0x6800;
	s19 =	simm.s32 $0x1  }
0x7: {  	s20 =	simm.s32 $0x2;
	s21 =	simm.s32 $0x3;
	s22 =	simm.s32 $0x4  }
0x8: {  	s23 =	simm.s32 $0x2700;
	s26 =	simm.s32 $0x0;
	[smem:$0x7FF] =	sst s4  }
0x9: {  	s24 =	smul.u32 $0x2780, s2;
	s5 =	sand.u32 $0x1, s5;
	s10 =	sadd.s32 $0x3800, s8  }
0xa: {  	s11 =	smul.u32 $0x4F000, s2;
	s31 =	sshll.u32 s2, $0x6;
	_ =	strace $0x8000004D  }
0xb: {  	s7 =	smul.u32 $0x27800, s5;
	s9 =	ssub.s32 $0x2, s5;
	s5 =	sshll.u32 s5, $0x4  }
0xc: {  	s6 =	sadd.s32 s24, s8;
	s28 =	sshrl.u32 s9, $0x1;
	s5 =	sor.u32 s2, s5  }
0xd: {  	s29 =	sshrl.u32 s11, $0x2;
	s12 =	sadd.s32 s7, s8;
	s30 =	smul.u32 $0x2800, s5  }
0xe: {  	s13 =	ssub.s32 s9, s28;
	s14 =	sadd.s32 s29, s3;
	s15 =	smul.u32 $0x500, s5  }
0xf: {  	s5 =	sadd.s32 $0x17800, s6;
	s6 =	sor.u32 $0x1C05, s31;
	s8 =	sadd.s32 $0xD800, s8  }
0x10: {  	s25 =	sadd.s32 $0x3F000, s12;
	s11 =	smax.u32 s13, $0x1;
	s12 =	sshrl.u32 s14, $0x3  }
0x11: {  	s13 =	simm.s32 $0x5;
	s9 =	sshrl.u32 s30, $0x3;
	s7 =	sadd.s32 s10, s15  }
0x12: {  	s14 =	sadd.s32 s15, s8;
	s15 =	simm.s32 $0x1400;
	s9 =	sadd.s32 $0x280, s9  }
0x13: {  	s24 =	sadd.s32 s24, s25;
	s25 =	simm.s32 $0x2780;
	s10 =	sadd.s32 s10, s9  }
.LBB2_1:
0x14: {  	[spmem:s12], [sflag:s6] =	dma.local [hbm:s5], $0x2780  }
0x15: {  	_ =	swait.ge [sflag:s13], $0x2780  }
0x16: {  	[sflag:s13] =	ssyncset.done $0x0  }
0x17: {  	[sflag:s13] =	ssyncadd.s32 $0xFFFFD880  }
0x18: {  	[bflag:$0x0] =	sbarrier.arrive $0xFFFF  }
0x19: {  	[tilespmem:s4], [sflag:$0x5] =	stream.linear.gather [hbm4b:s7+s4], $0x1400, $0x38;
	[tilespmem:$0x1E400] =	vst v63  }
0x1a: {  	_ =	swait.ge [sflag:s13], $0x1400  }
0x1b: {  	[sflag:s13] =	ssyncset.done $0x0  }
0x1c: {  	[sflag:s13] =	ssyncadd.s32 $0xFFFFEC00  }
0x1d: {  	[tilespmem:s15], [sflag:$0x5] =	stream.linear.gather [hbm4b:s14+s4], $0x1400, $0x38;
	[tilespmem:$0x1E400] =	vst v63  }
0x1e: {  	_ =	swait.ge [sflag:s13], $0x1400  }
0x1f: {  	[sflag:s13] =	ssyncset.done $0x0  }
0x20: {  	[sflag:s13] =	ssyncadd.s32 $0xFFFFEC00  }
0x21: {  	[tilespmem:s17], [sflag:$0x1] =	stream.indirect.gather [hbm4b:s1+s16], $0x80, s4, s16, $0xb8;
	[tilespmem:$0x1E400] =	vst v63  }
0x22: {  	_ = 	snop  }
0x23: {  	[tilespmem:s18], [sflag:$0x2] =	stream.indirect.gather [hbm4b:s1+s16], $0x80, s16, s16, $0xb8;
	[tilespmem:$0x1E400] =	vst v63  }
0x24: {  	_ =	swait.ge [sflag:s19], $0x4000  }
0x25: {  	[sflag:s19] =	ssyncset.done $0x0  }
0x26: {  	s28 =	simm.s32 $0x1400;
	[sflag:s19] =	ssyncadd.s32 $0xFFFFC000  }
0x27: {  	[spmem:s3] =	stream.indirect.scatter.add.f32 [tilespmem:s17], [sflag:$0x3], $0x80, s28, s16, $0xb8;
	[tilespmem:$0x1E400] =	vst v63  }
0x28: {  	_ =	swait.ge [sflag:s20], $0x4000  }
0x29: {  	[sflag:s20] =	ssyncset.done $0x0  }
0x2a: {  	s28 =	simm.s32 $0x1480;
	[sflag:s20] =	ssyncadd.s32 $0xFFFFC000  }
0x2b: {  	[spmem:s3] =	stream.indirect.scatter.add.f32 [tilespmem:s18], [sflag:$0x4], $0x80, s28, s16, $0xb8;
	[tilespmem:$0x1E400] =	vst v63  }
0x2c: {  	_ =	swait.ge [sflag:s21], $0x4000  }
0x2d: {  	[sflag:s21] =	ssyncset.done $0x0  }
0x2e: {  	s28 =	simm.s32 $0x100;
	[sflag:s21] =	ssyncadd.s32 $0xFFFFC000  }
0x2f: {  	[tilespmem:s17], [sflag:$0x1] =	stream.indirect.gather [hbm4b:s1+s16], $0x80, s28, s16, $0xb8;
	[tilespmem:$0x1E400] =	vst v63  }
0x30: {  	_ =	swait.ge [sflag:s22], $0x4000  }
0x31: {  	[sflag:s22] =	ssyncset.done $0x0  }
0x32: {  	s29 =	simm.s32 $0x180;
	s28 =	simm.s32 $0x400;
	[sflag:s22] =	ssyncadd.s32 $0xFFFFC000  }
.LBB2_2:
0x33: {  	[tilespmem:s18], [sflag:$0x2] =	stream.indirect.gather [hbm4b:s1+s16], $0x80, s29, s16, $0xb8;
	[tilespmem:$0x1E400] =	vst v63  }
0x34: {  	s29 =	smov.u32 s28  }
0x35: {  	p0 =	sne.s32 s28, $0x4800;
	s28 =	sadd.s32 $0x400, s28;
	_ =	swait.ge [sflag:s19], $0x4000  }
0x36: {  	s29 =	sshra.s32 s29, $0x2;
	[sflag:s19] =	ssyncset.done $0x0  }
0x37: {  	s30 =	sadd.s32 $0x1400, s29;
	[sflag:s19] =	ssyncadd.s32 $0xFFFFC000  }
0x38: {  	[spmem:s3] =	stream.indirect.scatter.add.f32 [tilespmem:s17], [sflag:$0x3], $0x80, s30, s16, $0xb8;
	[tilespmem:$0x1E400] =	vst v63  }
0x39: {  	_ =	swait.ge [sflag:s20], $0x4000  }
0x3a: {  	[sflag:s20] =	ssyncset.done $0x0  }
0x3b: {  	s30 =	sadd.s32 $0x1480, s29;
	[sflag:s20] =	ssyncadd.s32 $0xFFFFC000  }
0x3c: {  	[spmem:s3] =	stream.indirect.scatter.add.f32 [tilespmem:s18], [sflag:$0x4], $0x80, s30, s16, $0xb8;
	[tilespmem:$0x1E400] =	vst v63  }
0x3d: {  	_ =	swait.ge [sflag:s21], $0x4000  }
0x3e: {  	[sflag:s21] =	ssyncset.done $0x0  }
.Ltmp0:
0x3f: {  	s30 =	sadd.s32 $0x100, s29;
	[sflag:s21] =	ssyncadd.s32 $0xFFFFC000;
	(pc) =	sbr.rel @p0 .LBB2_2-.Ltmp0, $4  }
0x40: {  	[tilespmem:s17], [sflag:$0x1] =	stream.indirect.gather [hbm4b:s1+s16], $0x80, s30, s16, $0xb8;
	[tilespmem:$0x1E400] =	vst v63  }
0x41: {  	_ =	swait.ge [sflag:s22], $0x4000  }
0x42: {  	[sflag:s22] =	ssyncset.done $0x0  }
0x43: {  	s29 =	sadd.s32 $0x180, s29;
	[sflag:s22] =	ssyncadd.s32 $0xFFFFC000  }
0x44: {  	[tilespmem:s18], [sflag:$0x2] =	stream.indirect.gather [hbm4b:s1+s16], $0x80, s29, s16, $0xb8;
	[tilespmem:$0x1E400] =	vst v63  }
0x45: {  	_ =	swait.ge [sflag:s19], $0x4000  }
0x46: {  	[sflag:s19] =	ssyncset.done $0x0  }
0x47: {  	[sflag:s19] =	ssyncadd.s32 $0xFFFFC000  }
0x48: {  	[spmem:s3] =	stream.indirect.scatter.add.f32 [tilespmem:s17], [sflag:$0x3], $0x80, s23, s16, $0xb8;
	[tilespmem:$0x1E400] =	vst v63  }
0x49: {  	_ =	swait.ge [sflag:s20], $0x4000  }
0x4a: {  	[sflag:s20] =	ssyncset.done $0x0  }
0x4b: {  	[sflag:s20] =	ssyncadd.s32 $0xFFFFC000  }
0x4c: {  	[spmem:s3] =	stream.indirect.scatter.add.f32 [tilespmem:s18], [sflag:$0x4], $0x80, s25, s16, $0xb8;
	[tilespmem:$0x1E400] =	vst v63  }
0x4d: {  	_ =	swait.ge [sflag:s21], $0x4000  }
0x4e: {  	[sflag:s21] =	ssyncset.done $0x0  }
0x4f: {  	[sflag:s21] =	ssyncadd.s32 $0xFFFFC000  }
0x50: {  	_ =	swait.ge [sflag:s22], $0x4000  }
0x51: {  	[sflag:s22] =	ssyncset.done $0x0  }
0x52: {  	s28 =	simm.s32 $0x0;
	[sflag:s22] =	ssyncadd.s32 $0xFFFFC000  }
0x53: {  	[tilespmem:s28], [sflag:$0x5] =	stream.linear.gather [hbm4b:s10+s28], $0x1400, $0x38;
	[tilespmem:$0x1E400] =	vst v63  }
0x54: {  	_ =	swait.ge [sflag:s13], $0x1400  }
0x55: {  	[sflag:s13] =	ssyncset.done $0x0  }
0x56: {  	s29 =	sadd.s32 s9, s8;
	[sflag:s13] =	ssyncadd.s32 $0xFFFFEC00  }
0x57: {  	[tilespmem:s15], [sflag:$0x5] =	stream.linear.gather [hbm4b:s29+s28], $0x1400, $0x38;
	[tilespmem:$0x1E400] =	vst v63  }
0x58: {  	_ =	swait.ge [sflag:s13], $0x1400  }
0x59: {  	[sflag:s13] =	ssyncset.done $0x0  }
0x5a: {  	[sflag:s13] =	ssyncadd.s32 $0xFFFFEC00  }
0x5b: {  	[tilespmem:s17], [sflag:$0x1] =	stream.indirect.gather [hbm4b:s1+s16], $0x80, s28, s16, $0xb8;
	[tilespmem:$0x1E400] =	vst v63  }
0x5c: {  	_ = 	snop  }
0x5d: {  	[tilespmem:s18], [sflag:$0x2] =	stream.indirect.gather [hbm4b:s1+s16], $0x80, s16, s16, $0xb8;
	[tilespmem:$0x1E400] =	vst v63  }
0x5e: {  	_ =	swait.ge [sflag:s19], $0x4000  }
0x5f: {  	[sflag:s19] =	ssyncset.done $0x0  }
0x60: {  	s28 =	simm.s32 $0x1400;
	[sflag:s19] =	ssyncadd.s32 $0xFFFFC000  }
0x61: {  	[spmem:s3] =	stream.indirect.scatter.add.f32 [tilespmem:s17], [sflag:$0x3], $0x80, s28, s16, $0xb8;
	[tilespmem:$0x1E400] =	vst v63  }
0x62: {  	_ =	swait.ge [sflag:s20], $0x4000  }
0x63: {  	[sflag:s20] =	ssyncset.done $0x0  }
0x64: {  	s28 =	simm.s32 $0x1480;
	[sflag:s20] =	ssyncadd.s32 $0xFFFFC000  }
0x65: {  	[spmem:s3] =	stream.indirect.scatter.add.f32 [tilespmem:s18], [sflag:$0x4], $0x80, s28, s16, $0xb8;
	[tilespmem:$0x1E400] =	vst v63  }
0x66: {  	_ =	swait.ge [sflag:s21], $0x4000  }
0x67: {  	[sflag:s21] =	ssyncset.done $0x0  }
0x68: {  	s28 =	simm.s32 $0x100;
	[sflag:s21] =	ssyncadd.s32 $0xFFFFC000  }
0x69: {  	[tilespmem:s17], [sflag:$0x1] =	stream.indirect.gather [hbm4b:s1+s16], $0x80, s28, s16, $0xb8;
	[tilespmem:$0x1E400] =	vst v63  }
0x6a: {  	_ =	swait.ge [sflag:s22], $0x4000  }
0x6b: {  	[sflag:s22] =	ssyncset.done $0x0  }
0x6c: {  	s29 =	simm.s32 $0x180;
	s28 =	simm.s32 $0x400;
	[sflag:s22] =	ssyncadd.s32 $0xFFFFC000  }
.LBB2_4:
0x6d: {  	[tilespmem:s18], [sflag:$0x2] =	stream.indirect.gather [hbm4b:s1+s16], $0x80, s29, s16, $0xb8;
	[tilespmem:$0x1E400] =	vst v63  }
0x6e: {  	s29 =	smov.u32 s28  }
0x6f: {  	p0 =	sne.s32 s28, $0x4800;
	s28 =	sadd.s32 $0x400, s28;
	_ =	swait.ge [sflag:s19], $0x4000  }
0x70: {  	s29 =	sshra.s32 s29, $0x2;
	[sflag:s19] =	ssyncset.done $0x0  }
0x71: {  	s30 =	sadd.s32 $0x1400, s29;
	[sflag:s19] =	ssyncadd.s32 $0xFFFFC000  }
0x72: {  	[spmem:s3] =	stream.indirect.scatter.add.f32 [tilespmem:s17], [sflag:$0x3], $0x80, s30, s16, $0xb8;
	[tilespmem:$0x1E400] =	vst v63  }
0x73: {  	_ =	swait.ge [sflag:s20], $0x4000  }
0x74: {  	[sflag:s20] =	ssyncset.done $0x0  }
0x75: {  	s30 =	sadd.s32 $0x1480, s29;
	[sflag:s20] =	ssyncadd.s32 $0xFFFFC000  }
0x76: {  	[spmem:s3] =	stream.indirect.scatter.add.f32 [tilespmem:s18], [sflag:$0x4], $0x80, s30, s16, $0xb8;
	[tilespmem:$0x1E400] =	vst v63  }
0x77: {  	_ =	swait.ge [sflag:s21], $0x4000  }
0x78: {  	[sflag:s21] =	ssyncset.done $0x0  }
.Ltmp1:
0x79: {  	s30 =	sadd.s32 $0x100, s29;
	[sflag:s21] =	ssyncadd.s32 $0xFFFFC000;
	(pc) =	sbr.rel @p0 .LBB2_4-.Ltmp1, $4  }
0x7a: {  	[tilespmem:s17], [sflag:$0x1] =	stream.indirect.gather [hbm4b:s1+s16], $0x80, s30, s16, $0xb8;
	[tilespmem:$0x1E400] =	vst v63  }
0x7b: {  	_ =	swait.ge [sflag:s22], $0x4000  }
0x7c: {  	[sflag:s22] =	ssyncset.done $0x0  }
0x7d: {  	s29 =	sadd.s32 $0x180, s29;
	[sflag:s22] =	ssyncadd.s32 $0xFFFFC000  }
0x7e: {  	[tilespmem:s18], [sflag:$0x2] =	stream.indirect.gather [hbm4b:s1+s16], $0x80, s29, s16, $0xb8;
	[tilespmem:$0x1E400] =	vst v63  }
0x7f: {  	_ =	swait.ge [sflag:s19], $0x4000  }
0x80: {  	[sflag:s19] =	ssyncset.done $0x0  }
0x81: {  	[sflag:s19] =	ssyncadd.s32 $0xFFFFC000  }
0x82: {  	[spmem:s3] =	stream.indirect.scatter.add.f32 [tilespmem:s17], [sflag:$0x3], $0x80, s23, s16, $0xb8;
	[tilespmem:$0x1E400] =	vst v63  }
0x83: {  	_ =	swait.ge [sflag:s20], $0x4000  }
0x84: {  	[sflag:s20] =	ssyncset.done $0x0  }
0x85: {  	[sflag:s20] =	ssyncadd.s32 $0xFFFFC000  }
0x86: {  	[spmem:s3] =	stream.indirect.scatter.add.f32 [tilespmem:s18], [sflag:$0x4], $0x80, s25, s16, $0xb8;
	[tilespmem:$0x1E400] =	vst v63  }
0x87: {  	_ =	swait.ge [sflag:s21], $0x4000  }
0x88: {  	[sflag:s21] =	ssyncset.done $0x0  }
0x89: {  	[sflag:s21] =	ssyncadd.s32 $0xFFFFC000  }
0x8a: {  	_ =	swait.ge [sflag:s22], $0x4000  }
0x8b: {  	s26 =	sadd.s32 $0x1, s26;
	[sflag:s22] =	ssyncset.done $0x0  }
0x8c: {  	p0 =	sne.s32 s26, s11;
	[sflag:s22] =	ssyncadd.s32 $0xFFFFC000  }
.Ltmp2:
0x8d: {  	[bflag:$0x0] =	sbarrier.arrive $0xFFFF;
	(pc) =	sbr.rel @p0 .LBB2_1-.Ltmp2, $4  }
0x8e: {  	[hbm:s24], [sflag:s6] =	dma.local [spmem:s12], $0x2780  }
0x8f: {  	_ =	swait.ge [sflag:s13], $0x2780  }
0x90: {  	[sflag:s13] =	ssyncset.done $0x0  }
0x91: {  	[sflag:s13] =	ssyncadd.s32 $0xFFFFD880  }
0x92: {  	_ =	sfence.sel $0x180000  }
0x93: {  	[bflag:$0x0] =	sbarrier.arrive $0xFFFF  }
0x94: {  	p0 =	sne.s32 s2, $0x0;
	_ =	strace $0x9000004D  }
0x95: {  	s0 =	sadd.s32 @!p0 $0x100000, s0;
	[bflag:$0x2] =	sbarrier.arrive $0xFFFF  }
0x96: {  	[sflag:s0] =	ssyncadd.tile.s32 @!p0 $0x1;
	_ =	shalt  }
.Lfunc_end2:
_tile_overlayer_lowered:
.L_overlay_start_2:
0x97: {  	(tag) =	ssettag $0x2  }
0x98: {  	s0 =	rddreg [dreg:$0x0];
	s2 =	stileid.u32  }
0x99: {  	s1 =	rddreg [dreg:$0x1];
	p0 =	sne.s32 s2, $0x0  }
0x9a: {  	s3 =	rddreg [dreg:$0x2];
	[bflag:$0x3] =	sbarrier.arrive $0xFFFF;
	s2 =	simm.s32 @!p0 $0x1C05  }
0x9b: {  	[timem:s3], [sflag:s2] =	dma.local @!p0 [hbm:s0], s1  }
0x9c: {  	s0 =	simm.s32 @!p0 $0x5  }
0x9d: {  	_ =	swait.ge @!p0 [sflag:s0], s1  }
0x9e: {  	s1 =	ssub.s32 @!p0 $0x0, s1;
	[sflag:s0] =	ssyncset.done @!p0 $0x0  }
0x9f: {  	[sflag:s0] =	ssyncadd.s32 @!p0 s1  }
0xa0: {  	[bflag:$0x3] =	sbarrier.arrive $0xFFFF  }
0xa1: {  	_ =	shalt  }

</sc_bundles>
